<compile_context>
chip_gen: v7x
topology: tpu7x:2x2x1
jax: 0.10.2.dev20260603
libtpu: 0.0.44.dev20260713+nightly
codegen_flags: <defaults>
</compile_context>

<pallas_src>
import functools

import jax
import jax.numpy as jnp
from jax import lax
from jax.experimental import pallas as pl
from jax.experimental.pallas import tpu as pltpu
from jax.experimental.pallas import tpu_sc as plsc

N = 10000
NPAD = 10240
EP = 320000
EL = 160000
HID = 128
WP = 144
NC, NS = 2, 16
NW = NC * NS
CH = 128
G = 8
CP0, CP1 = 112, 48
CL0, CL1 = 56, 24
CP0C, CP1C = 112, 48
CL0C, CL1C = 56, 24
EPP = (CP0 + CP1) * NS * CH // 2 * 2
ELP = (CL0 + CL1) * NS * CH // 2 * 2
EPP = 2560 * CH
ELP = 1280 * CH
ROWS_PER_TILE = NPAD // NS

_mesh = plsc.VectorSubcoreMesh(core_axis_name="c", subcore_axis_name="s")


def _stream_sync(table, acc, comb, base_row, nchunks, idxbuf, rowbuf,
                 goff, soff, grp=G):
    def group(g, _):
        pltpu.sync_copy(comb.at[pl.ds(base_row + g * 2 * grp, 2 * grp)],
                        idxbuf.at[pl.ds(0, 2 * grp)])

        def chunk(r, _):
            pltpu.sync_copy(table.at[idxbuf.at[2 * r + goff]], rowbuf)
            pltpu.sync_copy(rowbuf, acc.at[idxbuf.at[2 * r + soff]], add=True)
            return 0
        lax.fori_loop(0, grp, chunk, 0)
        return 0
    lax.fori_loop(0, nchunks // grp, group, 0)


def _stream_sync_deg(table, acc, deg, comb, base_row, nchunks, idxbuf, rowbuf,
                     onesbuf, grp=G):
    def group(g, _):
        pltpu.sync_copy(comb.at[pl.ds(base_row + g * 2 * grp, 2 * grp)],
                        idxbuf.at[pl.ds(0, 2 * grp)])

        def chunk(r, _):
            pltpu.sync_copy(table.at[idxbuf.at[2 * r]], rowbuf)
            pltpu.sync_copy(rowbuf, acc.at[idxbuf.at[2 * r + 1]], add=True)
            pltpu.sync_copy(onesbuf, deg.at[idxbuf.at[2 * r + 1]], add=True)
            return 0
        lax.fori_loop(0, grp, chunk, 0)
        return 0
    lax.fori_loop(0, nchunks // grp, group, 0)


@functools.partial(
    pl.kernel,
    out_type=[
        jax.ShapeDtypeStruct((NC, NPAD, HID), jnp.bfloat16),
        jax.ShapeDtypeStruct((NC, NPAD, 16), jnp.float32),
        jax.ShapeDtypeStruct((NC, NPAD, 16), jnp.float32),
    ],
    mesh=_mesh,
    compiler_params=pltpu.CompilerParams(use_tc_tiling_on_sc=False),
    scratch_types=[
        pltpu.VMEM((4 * G, CH), jnp.int32),
        pltpu.VMEM((CH, HID), jnp.bfloat16),
        pltpu.VMEM((CH, 16), jnp.float32),
        pltpu.VMEM((CH, 16), jnp.float32),
        pltpu.VMEM_SHARED((NPAD, HID), jnp.bfloat16),
        pltpu.VMEM_SHARED((NPAD, 16), jnp.float32),
        pltpu.VMEM_SHARED((NPAD, 16), jnp.float32),
    ],
)
def _sc_stage_a(xpb, xl16, combp, combl, zrowb, zrow16, ones16,
                aggp_out, degp_out, aggl_out,
                idxbuf, rowbufb, rowbuf16, onesbuf, accp, degacc, accl):
    cid = lax.axis_index("c")
    sid = lax.axis_index("s")
    sl = pl.ds(sid * ROWS_PER_TILE, ROWS_PER_TILE)

    pltpu.sync_copy(ones16, onesbuf)
    pltpu.sync_copy(zrowb, accp.at[sl])
    pltpu.sync_copy(zrow16, degacc.at[sl])
    pltpu.sync_copy(zrow16, accl.at[sl])
    plsc.subcore_barrier()

    cntp = CP0 + cid * (CP1 - CP0)
    basep = cid * (NS * CP0) + sid * cntp
    cntl = CL0 + cid * (CL1 - CL0)
    basel = cid * (NS * CL0) + sid * cntl
    _stream_sync_deg(xpb, accp, degacc, combp, basep * 2, cntp, idxbuf,
                     rowbufb, onesbuf, grp=2 * G)
    _stream_sync(xl16, accl, combl, basel * 2, cntl, idxbuf, rowbuf16,
                 goff=0, soff=1)

    plsc.subcore_barrier()
    pltpu.sync_copy(accp.at[sl], aggp_out.at[cid, sl])
    pltpu.sync_copy(degacc.at[sl], degp_out.at[cid, sl])
    pltpu.sync_copy(accl.at[sl], aggl_out.at[cid, sl])


@functools.partial(
    pl.kernel,
    out_type=[
        jax.ShapeDtypeStruct((NC, NPAD, HID), jnp.bfloat16),
        jax.ShapeDtypeStruct((NC, NPAD, 16), jnp.float32),
    ],
    mesh=_mesh,
    compiler_params=pltpu.CompilerParams(use_tc_tiling_on_sc=False),
    scratch_types=[
        pltpu.VMEM((4 * G, CH), jnp.int32),
        pltpu.VMEM((CH, HID), jnp.bfloat16),
        pltpu.VMEM((CH, 16), jnp.float32),
        pltpu.VMEM_SHARED((NPAD, HID), jnp.bfloat16),
        pltpu.VMEM_SHARED((NPAD, 16), jnp.float32),
    ],
)
def _sc_stage_c(z1l, invp16, combp, combl, zrowb, zrow16,
                aggl2_out, w_out,
                idxbuf, rowbuf, rowbuf16, accl2, wacc):
    cid = lax.axis_index("c")
    sid = lax.axis_index("s")
    sl = pl.ds(sid * ROWS_PER_TILE, ROWS_PER_TILE)

    pltpu.sync_copy(zrowb, accl2.at[sl])
    pltpu.sync_copy(zrow16, wacc.at[sl])
    plsc.subcore_barrier()

    cntp = CP0C + cid * (CP1C - CP0C)
    basep = cid * (NS * CP0C) + sid * cntp
    cntl = CL0C + cid * (CL1C - CL0C)
    basel = cid * (NS * CL0C) + sid * cntl
    _stream_sync(z1l, accl2, combl, basel * 2, cntl, idxbuf, rowbuf,
                 goff=0, soff=1)
    _stream_sync(invp16, wacc, combp, basep * 2, cntp, idxbuf, rowbuf16,
                 goff=1, soff=0, grp=2 * G)

    plsc.subcore_barrier()
    pltpu.sync_copy(accl2.at[sl], aggl2_out.at[cid, sl])
    pltpu.sync_copy(wacc.at[sl], w_out.at[cid, sl])


BR = 1280
GRID = NPAD // BR


def _tc_stage_b(xp_ref, aggp0_ref, aggp1_ref, degp0_ref, degp1_ref,
                xl16_ref, aggl0_ref, aggl1_ref, wp1_ref, wl1p_ref,
                hp_ref, z1l_ref, invp16_ref, invl16_ref):
    i = pl.program_id(0)
    rows = lax.broadcasted_iota(jnp.int32, (BR, 1), 0) + i * BR
    mask = rows < N

    degp = degp0_ref[:, :1] + degp1_ref[:, :1]
    invp = jnp.where(mask, 1.0 / jnp.maximum(degp, 1.0), 0.0)
    aggp = aggp0_ref[...].astype(jnp.float32) + aggp1_ref[...].astype(jnp.float32)
    hp = jnp.maximum(jnp.dot(aggp * invp + xp_ref[...], wp1_ref[...],
                             preferred_element_type=jnp.float32), 0.0)
    hp_ref[...] = jnp.where(mask, hp, 0.0)

    aggl = aggl0_ref[...] + aggl1_ref[...]
    degl = aggl[:, 15:16]
    invl = jnp.where(mask, 1.0 / jnp.maximum(degl, 1.0), 0.0)
    z1 = jnp.maximum(jnp.dot(aggl * invl + xl16_ref[...], wl1p_ref[...],
                             preferred_element_type=jnp.float32), 0.0)
    z1l_ref[...] = jnp.where(mask, z1, 0.0).astype(jnp.bfloat16)

    invp16_ref[...] = jnp.broadcast_to(invp, (BR, 16))
    invl16_ref[...] = jnp.broadcast_to(invl, (BR, 16))


def _tc_stage_d(hp_ref, z1l_ref, aggl20_ref, aggl21_ref, invl16_ref,
                lab16_ref, w0_ref, w1_ref, wl2_ref, wf16_ref, bf16_ref,
                wg1p_ref, wp2_ref, wg2_ref, lab_any_ref, bfs_ref,
                sums_ref, outm_ref, labs_v, labd_v, dsem):
    i = pl.program_id(0)
    rows = lax.broadcasted_iota(jnp.int32, (BR, 1), 0) + i * BR
    mask = rows < N

    invl = invl16_ref[:, :1]
    aggl2 = aggl20_ref[...].astype(jnp.float32) + aggl21_ref[...].astype(jnp.float32)
    z1l = z1l_ref[...].astype(jnp.float32)
    zv = jnp.dot(aggl2 * invl + z1l, wl2_ref[...],
                 preferred_element_type=jnp.float32)

    lab = lab16_ref[...]
    logits = jnp.dot(zv, wf16_ref[...], preferred_element_type=jnp.float32) \
        + bf16_ref[...]
    lane = lax.broadcasted_iota(jnp.int32, (BR, 16), 1)
    lmask = lane < 10
    m = jnp.max(jnp.where(lmask, logits, -3e38), axis=1, keepdims=True)
    p = jnp.where(lmask, jnp.exp(logits - m), 0.0)
    val = jnp.sum(p * lab, axis=1, keepdims=True) / jnp.sum(p, axis=1, keepdims=True)
    logterm = jnp.where(mask, jnp.log(val + 1e-12), 0.0)

    hp = hp_ref[...]
    wrow = w0_ref[:, :1] + w1_ref[:, :1]
    relu_g = jnp.maximum(jnp.dot(lab, wg1p_ref[...],
                                 preferred_element_type=jnp.float32), 0.0)

    r_zv = jnp.sum(zv, axis=0, keepdims=True)
    r_hp = jnp.sum(hp, axis=0, keepdims=True)
    r_wh = jnp.sum(wrow * hp, axis=0, keepdims=True)
    r_rg = jnp.sum(relu_g, axis=0, keepdims=True)
    r_lab = jnp.concatenate(
        [jnp.sum(lab, axis=0, keepdims=True), jnp.zeros((1, 112), jnp.float32)],
        axis=1)
    lane128 = lax.broadcasted_iota(jnp.int32, (1, 128), 1)
    r_log = jnp.where(lane128 == 0, jnp.sum(logterm), 0.0)
    add = jnp.concatenate(
        [r_zv, r_hp, r_wh, r_rg, r_lab, r_log, jnp.zeros((2, 128), jnp.float32)],
        axis=0)

    @pl.when(i == 0)
    def _():
        sums_ref[...] = jnp.zeros((8, 128), jnp.float32)

    sums_ref[...] += add

    @pl.when(i == GRID - 1)
    def _():
        _final_combine(sums_ref, lab_any_ref, wp2_ref, wg2_ref, wg1p_ref,
                       bfs_ref, outm_ref, labs_v, labd_v, dsem)


def _final_combine(sums_ref, lab_any_ref, wp2_ref, wg2_ref, wg1p_ref,
                   bfs_ref, out_ref, labs_v, labd_v, dsem):
    s = bfs_ref[0]
    dd = bfs_ref[1]
    cp_s = pltpu.make_async_copy(lab_any_ref.at[pl.ds(s, 1)], labs_v, dsem)
    cp_s.start()
    cp_d = pltpu.make_async_copy(lab_any_ref.at[pl.ds(dd, 1)], labd_v, dsem)
    cp_d.start()
    cp_s.wait()
    cp_d.wait()
    lab_s = labs_v[...]
    lab_d = labd_v[...]
    wg1p = wg1p_ref[...]
    g_s = jnp.dot(lab_s, wg1p, preferred_element_type=jnp.float32)
    g_d = jnp.dot(lab_d, wg1p, preferred_element_type=jnp.float32)
    g_sd = jnp.dot(lab_s + lab_d, wg1p, preferred_element_type=jnp.float32)

    lane16 = lax.broadcasted_iota(jnp.int32, (1, 16), 1)
    stop16 = jnp.where(lane16 == 10, 1.0, 0.0)
    s2 = sums_ref[3:4, :] + jnp.maximum(
        jnp.dot(stop16, wg1p, preferred_element_type=jnp.float32), 0.0)
    n2 = 10001.0
    mean_h2 = (s2 - jnp.maximum(g_d, 0.0) + jnp.maximum(g_sd, 0.0)) / n2
    h2s = jnp.where(s == dd, jnp.maximum(g_sd, 0.0), jnp.maximum(g_s, 0.0))
    ht_head = jnp.dot(mean_h2 + h2s / n2, wg2_ref[...],
                      preferred_element_type=jnp.float32)

    zpocket = jnp.dot((sums_ref[2:3, :] + sums_ref[1:2, :]) / float(N),
                      wp2_ref[...], preferred_element_type=jnp.float32)
    hinit_head = sums_ref[0:1, :] / float(N)
    sumlab = sums_ref[4:5, :]
    hinit_tail = sumlab / float(N)
    lane128 = lax.broadcasted_iota(jnp.int32, (1, 128), 1)
    ht_tail = (sumlab + jnp.where(lane128 == 10, 1.0, 0.0)) / n2
    logrow = sums_ref[5:6, :]
    out_ref[...] = jnp.concatenate(
        [logrow, hinit_head, hinit_tail, ht_head, ht_tail, zpocket,
         jnp.zeros((2, 128), jnp.float32)], axis=0)


def _comb(src, dst, epad):
    e = src.shape[0]
    s = jnp.concatenate([src, jnp.zeros((epad - e,), jnp.int32)])
    d = jnp.concatenate([dst, jnp.full((epad - e,), N, jnp.int32)])
    return jnp.stack([s.reshape(-1, CH), d.reshape(-1, CH)],
                     axis=1).reshape(-1, CH)


def kernel(x_p, edge_index_p, x_l, edge_index_l, bfs_index,
           Wp1, Wp2, Wl1, Wl2, Wg1, Wg2, Wf, bf):
    f32 = jnp.float32
    combp = _comb(edge_index_p[0], edge_index_p[1], EPP)
    combl = _comb(edge_index_l[0], edge_index_l[1], ELP)

    xp_pad = jnp.pad(x_p, ((0, NPAD - N), (0, 0)))
    xpb = xp_pad.astype(jnp.bfloat16)
    xl16 = jnp.pad(
        jnp.concatenate([x_l, jnp.ones((N, 1), f32)], axis=1),
        ((0, NPAD - N), (0, 0)))
    lab16 = jnp.pad(x_l[:, 4:], ((0, NPAD - N), (0, 5)))
    zrowb = jnp.zeros((ROWS_PER_TILE, HID), jnp.bfloat16)
    zrow16 = jnp.zeros((ROWS_PER_TILE, 16), f32)
    ones16 = jnp.ones((CH, 16), f32)

    aggp2, degp2, aggl2 = _sc_stage_a(
        xpb, xl16, combp, combl, zrowb, zrow16, ones16)
    aggp_f = [aggp2[0], aggp2[1]]
    degp = [degp2[0], degp2[1]]

    wl1p = jnp.pad(Wl1, ((0, 1), (0, 0)))
    row_spec = pl.BlockSpec((BR, HID), lambda i: (i, 0))
    row16_spec = pl.BlockSpec((BR, 16), lambda i: (i, 0))
    w_spec = pl.BlockSpec((HID, HID), lambda i: (0, 0))
    hp, z1l, invp16, invl16 = pl.pallas_call(
        _tc_stage_b,
        grid=(GRID,),
        in_specs=[row_spec, row_spec, row_spec, row16_spec, row16_spec,
                  row16_spec, row16_spec, row16_spec, w_spec,
                  pl.BlockSpec((16, HID), lambda i: (0, 0))],
        out_specs=[row_spec, row_spec, row16_spec, row16_spec],
        out_shape=[
            jax.ShapeDtypeStruct((NPAD, HID), f32),
            jax.ShapeDtypeStruct((NPAD, HID), jnp.bfloat16),
            jax.ShapeDtypeStruct((NPAD, 16), f32),
            jax.ShapeDtypeStruct((NPAD, 16), f32),
        ],
    )(xp_pad, aggp_f[0], aggp_f[1], degp[0], degp[1],
      xl16, aggl2[0], aggl2[1], Wp1, wl1p)

    aggl2p, w2 = _sc_stage_c(
        z1l, invp16, combp, combl, zrowb, zrow16)

    wf16 = jnp.pad(Wf, ((0, 0), (0, 5)))
    bf16 = jnp.pad(bf, (0, 5)).reshape(1, 16)
    wg1p = jnp.pad(Wg1, ((0, 5), (0, 0)))
    _, outm = pl.pallas_call(
        _tc_stage_d,
        grid=(GRID,),
        in_specs=[row_spec, row_spec, row_spec, row_spec, row16_spec,
                  row16_spec, row16_spec, row16_spec, w_spec,
                  pl.BlockSpec((HID, 16), lambda i: (0, 0)),
                  pl.BlockSpec((1, 16), lambda i: (0, 0)),
                  pl.BlockSpec((16, HID), lambda i: (0, 0)),
                  w_spec, w_spec,
                  pl.BlockSpec(memory_space=pl.ANY),
                  pl.BlockSpec(memory_space=pltpu.SMEM)],
        out_specs=[pl.BlockSpec((8, 128), lambda i: (0, 0)),
                   pl.BlockSpec((8, 128), lambda i: (0, 0))],
        out_shape=[jax.ShapeDtypeStruct((8, 128), f32),
                   jax.ShapeDtypeStruct((8, 128), f32)],
        scratch_shapes=[pltpu.VMEM((1, 16), f32), pltpu.VMEM((1, 16), f32),
                        pltpu.SemaphoreType.DMA],
    )(hp, z1l, aggl2p[0], aggl2p[1], invl16, lab16, w2[0], w2[1],
      Wl2, wf16, bf16, wg1p, Wp2, Wg2, lab16, bfs_index[0])

    return jnp.concatenate([outm[0, 0:1], outm[1], outm[2, :11], outm[3],
                            outm[4, :11], outm[5]])

# --- scband reference (transcript-rebuilt; emitter-appended) ---
"""Pipeline reference for scband-teacher-forcer-33629593928300 (READ-ONLY COPY).

The authoritative reference and input builder live on the scoring server;
editing this copy changes nothing except your own understanding.
"""

import jax, jax.numpy as jnp
import numpy as np

N_P = 10000; E_P = 320000; D_P = 128
N_L = 10000; E_L = 160000; D_L = 15
HID = 128; NUM_ATOMS = 11


def gcn_conv(x, src, dst, W):
    n = x.shape[0]
    agg = jax.ops.segment_sum(x[src], dst, num_segments=n)
    deg = jax.ops.segment_sum(jnp.ones((src.shape[0], 1), x.dtype), dst, num_segments=n)
    return (agg / jnp.clip(deg, 1.0) + x) @ W


def gcn_encoder(x, edge_index, W1, W2):
    src, dst = edge_index[0], edge_index[1]
    h = jax.nn.relu(gcn_conv(x, src, dst, W1))
    return gcn_conv(h, src, dst, W2)


def setup_inputs(seed: int = 0):
    key = jax.random.key(seed)
    ks = jax.random.split(key, 12)
    x_p = jax.random.normal(ks[0], (N_P, D_P), jnp.float32)
    edge_index_p = jax.random.randint(ks[1], (2, E_P), 0, N_P)
    x_l = jax.random.uniform(ks[2], (N_L, D_L), dtype=jnp.float32)
    edge_index_l = jax.random.randint(ks[3], (2, E_L), 0, N_L)
    bfs_index = jax.random.randint(ks[4], (5000, 2), 0, N_L)
    s = lambda k, i, o: jax.random.normal(k, (i, o), jnp.float32) / np.sqrt(i)
    Wp1 = s(ks[5], D_P, HID); Wp2 = s(ks[6], HID, HID)
    Wl1 = s(ks[7], D_L, HID); Wl2 = s(ks[8], HID, HID)
    Wg1 = s(ks[9], NUM_ATOMS, HID); Wg2 = s(ks[10], HID, HID)
    Wf = s(ks[11], HID, NUM_ATOMS)
    bf = jnp.zeros((NUM_ATOMS,), jnp.float32)
    return {"x_p": x_p, "edge_index_p": edge_index_p, "x_l": x_l,
            "edge_index_l": edge_index_l, "bfs_index": bfs_index,
            "Wp1": Wp1, "Wp2": Wp2, "Wl1": Wl1, "Wl2": Wl2,
            "Wg1": Wg1, "Wg2": Wg2, "Wf": Wf, "bf": bf}


def reference(x_p, edge_index_p, x_l, edge_index_l, bfs_index,
              Wp1, Wp2, Wl1, Wl2, Wg1, Wg2, Wf, bf):
    # pocket and ligand GCN encoders
    z_pocket_atoms = gcn_encoder(x_p, edge_index_p, Wp1, Wp2)
    z_pocket = jnp.mean(z_pocket_atoms, axis=0)
    z_v = gcn_encoder(x_l, edge_index_l, Wl1, Wl2)
    # atom classifier f with label mask (last class 'Stop' masked to -inf)
    label_mask = jnp.concatenate([jnp.zeros((NUM_ATOMS - 1,), jnp.float32),
                                  jnp.full((1,), -jnp.inf, jnp.float32)])
    logits = z_v @ Wf + bf + label_mask
    lab_pred = jax.nn.softmax(logits, axis=1)
    # teacher-forced log prob against ground-truth atom labels x_l[:, 4:]
    log_prob = jnp.sum(jnp.log(jnp.sum(lab_pred * x_l[:, 4:], axis=1) + 1e-12))
    lab_v = x_l[:, 4:]
    H_init = jnp.mean(jnp.concatenate([z_v, lab_v], axis=1), axis=0)
    # append Stop node, run decoder GCN on initial edge from bfs_index[0]
    l_stop = jnp.zeros((NUM_ATOMS,), jnp.float32).at[-1].set(1.0)
    lab_v2 = jnp.concatenate([lab_v, l_stop[None, :]], axis=0)
    ei_init = jnp.stack([bfs_index[0, 0:1], bfs_index[0, 1:2]])
    z_v2 = gcn_encoder(lab_v2, ei_init, Wg1, Wg2)
    H_t = jnp.mean(jnp.concatenate([z_v2, lab_v2], axis=1), axis=0)
    return jnp.concatenate([log_prob[None], H_init, H_t, z_pocket])

if __name__ == "__main__":
    import jax
    _d = setup_inputs()
    print(jax.jit(kernel)(*tuple(_d.values())))

</pallas_src>

<mosaic_0001>
#map = affine_map<(d0, d1) -> (0, 0)>
#map1 = affine_map<(d0, d1) -> (0, 0, 0)>
module attributes {stable_mosaic.version = 14 : i64} {
  func.func @_sc_stage_a(%arg0: i32, %arg1: i32, %arg2: memref<10240x128xbf16, #tpu.memory_space<hbm>>, %arg3: memref<10240x16xf32, #tpu.memory_space<hbm>>, %arg4: memref<5120x128xi32, #tpu.memory_space<hbm>>, %arg5: memref<2560x128xi32, #tpu.memory_space<hbm>>, %arg6: memref<640x128xbf16, #tpu.memory_space<hbm>>, %arg7: memref<640x16xf32, #tpu.memory_space<hbm>>, %arg8: memref<128x16xf32, #tpu.memory_space<hbm>>, %arg9: memref<2x10240x128xbf16, #tpu.memory_space<hbm>>, %arg10: memref<2x10240x16xf32, #tpu.memory_space<hbm>>, %arg11: memref<2x10240x16xf32, #tpu.memory_space<hbm>>, %arg12: memref<32x128xi32, #tpu.memory_space<vmem>>, %arg13: memref<128x128xbf16, #tpu.memory_space<vmem>>, %arg14: memref<128x16xf32, #tpu.memory_space<vmem>>, %arg15: memref<128x16xf32, #tpu.memory_space<vmem>>, %arg16: memref<10240x128xbf16, #tpu.memory_space<vmem_shared>>, %arg17: memref<10240x16xf32, #tpu.memory_space<vmem_shared>>, %arg18: memref<10240x16xf32, #tpu.memory_space<vmem_shared>>) attributes {dimension_semantics = [#tpu.dimension_semantics<core_parallel>, #tpu.dimension_semantics<subcore_parallel>], iteration_bounds = array<i64: 2, 16>, scalar_prefetch = 0 : i64, scratch_operands = 7 : i64, tpu.core_type = #tpu.core_type<sc_vector_subcore>, window_params = [{transform_indices = #map}, {transform_indices = #map}, {transform_indices = #map}, {transform_indices = #map}, {transform_indices = #map}, {transform_indices = #map}, {transform_indices = #map}, {transform_indices = #map1}, {transform_indices = #map1}, {transform_indices = #map1}]} {
    %mul3A = arith.constant 640 : i32
    %mul3A_0 = arith.muli %arg1, %mul3A : i32
    "tpu.region"() ({
      %run_scoped3A = tpu.sem_alloc : memref<!tpu.dma_semaphore, #tpu.memory_space<semaphore_mem>>
      tpu.enqueue_dma source(%arg8 : memref<128x16xf32, #tpu.memory_space<hbm>>) target(%arg15 : memref<128x16xf32, #tpu.memory_space<vmem>>) target_semaphore(%run_scoped3A : memref<!tpu.dma_semaphore, #tpu.memory_space<semaphore_mem>>)
      tpu.wait_dma2 semaphore(%run_scoped3A : memref<!tpu.dma_semaphore, #tpu.memory_space<semaphore_mem>>) src(%arg8 : memref<128x16xf32, #tpu.memory_space<hbm>>) dst(%arg15 : memref<128x16xf32, #tpu.memory_space<vmem>>)
      tpu.yield
    }) : () -> ()
    "tpu.region"() ({
      %run_scoped3A = tpu.sem_alloc : memref<!tpu.dma_semaphore, #tpu.memory_space<semaphore_mem>>
      %dma_start3A = arith.constant 0 : i32
      %dma_start3A_84 = tpu.memref_slice %arg16[%mul3A_0, %dma_start3A] : memref<10240x128xbf16, #tpu.memory_space<vmem_shared>> -> memref<640x128xbf16, #tpu.memory_space<vmem_shared>>
      tpu.enqueue_dma source(%arg6 : memref<640x128xbf16, #tpu.memory_space<hbm>>) target(%dma_start3A_84 : memref<640x128xbf16, #tpu.memory_space<vmem_shared>>) target_semaphore(%run_scoped3A : memref<!tpu.dma_semaphore, #tpu.memory_space<semaphore_mem>>)
      %dma_wait3A = arith.constant 0 : i32
      %dma_wait3A_85 = tpu.memref_slice %arg16[%mul3A_0, %dma_wait3A] : memref<10240x128xbf16, #tpu.memory_space<vmem_shared>> -> memref<640x128xbf16, #tpu.memory_space<vmem_shared>>
      tpu.wait_dma2 semaphore(%run_scoped3A : memref<!tpu.dma_semaphore, #tpu.memory_space<semaphore_mem>>) src(%arg6 : memref<640x128xbf16, #tpu.memory_space<hbm>>) dst(%dma_wait3A_85 : memref<640x128xbf16, #tpu.memory_space<vmem_shared>>)
      tpu.yield
    }) : () -> ()
    "tpu.region"() ({
      %run_scoped3A = tpu.sem_alloc : memref<!tpu.dma_semaphore, #tpu.memory_space<semaphore_mem>>
      %dma_start3A = arith.constant 0 : i32
      %dma_start3A_84 = tpu.memref_slice %arg17[%mul3A_0, %dma_start3A] : memref<10240x16xf32, #tpu.memory_space<vmem_shared>> -> memref<640x16xf32, #tpu.memory_space<vmem_shared>>
      tpu.enqueue_dma source(%arg7 : memref<640x16xf32, #tpu.memory_space<hbm>>) target(%dma_start3A_84 : memref<640x16xf32, #tpu.memory_space<vmem_shared>>) target_semaphore(%run_scoped3A : memref<!tpu.dma_semaphore, #tpu.memory_space<semaphore_mem>>)
      %dma_wait3A = arith.constant 0 : i32
      %dma_wait3A_85 = tpu.memref_slice %arg17[%mul3A_0, %dma_wait3A] : memref<10240x16xf32, #tpu.memory_space<vmem_shared>> -> memref<640x16xf32, #tpu.memory_space<vmem_shared>>
      tpu.wait_dma2 semaphore(%run_scoped3A : memref<!tpu.dma_semaphore, #tpu.memory_space<semaphore_mem>>) src(%arg7 : memref<640x16xf32, #tpu.memory_space<hbm>>) dst(%dma_wait3A_85 : memref<640x16xf32, #tpu.memory_space<vmem_shared>>)
      tpu.yield
    }) : () -> ()
    "tpu.region"() ({
      %run_scoped3A = tpu.sem_alloc : memref<!tpu.dma_semaphore, #tpu.memory_space<semaphore_mem>>
      %dma_start3A = arith.constant 0 : i32
      %dma_start3A_84 = tpu.memref_slice %arg18[%mul3A_0, %dma_start3A] : memref<10240x16xf32, #tpu.memory_space<vmem_shared>> -> memref<640x16xf32, #tpu.memory_space<vmem_shared>>
      tpu.enqueue_dma source(%arg7 : memref<640x16xf32, #tpu.memory_space<hbm>>) target(%dma_start3A_84 : memref<640x16xf32, #tpu.memory_space<vmem_shared>>) target_semaphore(%run_scoped3A : memref<!tpu.dma_semaphore, #tpu.memory_space<semaphore_mem>>)
      %dma_wait3A = arith.constant 0 : i32
      %dma_wait3A_85 = tpu.memref_slice %arg18[%mul3A_0, %dma_wait3A] : memref<10240x16xf32, #tpu.memory_space<vmem_shared>> -> memref<640x16xf32, #tpu.memory_space<vmem_shared>>
      tpu.wait_dma2 semaphore(%run_scoped3A : memref<!tpu.dma_semaphore, #tpu.memory_space<semaphore_mem>>) src(%arg7 : memref<640x16xf32, #tpu.memory_space<hbm>>) dst(%dma_wait3A_85 : memref<640x16xf32, #tpu.memory_space<vmem_shared>>)
      tpu.yield
    }) : () -> ()
    %barrier3A = arith.constant 0 : index
    tpu.barrier barrier_id(%barrier3A)
    %mul3A_1 = arith.constant -64 : i32
    %mul3A_2 = arith.muli %arg0, %mul3A_1 : i32
    %add3A = arith.constant 112 : i32
    %add3A_3 = arith.addi %add3A, %mul3A_2 : i32
    %mul3A_4 = arith.constant 1792 : i32
    %mul3A_5 = arith.muli %arg0, %mul3A_4 : i32
    %mul3A_6 = arith.muli %arg1, %add3A_3 : i32
    %add3A_7 = arith.addi %mul3A_5, %mul3A_6 : i32
    %mul3A_8 = arith.constant -32 : i32
    %mul3A_9 = arith.muli %arg0, %mul3A_8 : i32
    %add3A_10 = arith.constant 56 : i32
    %add3A_11 = arith.addi %add3A_10, %mul3A_9 : i32
    %mul3A_12 = arith.constant 896 : i32
    %mul3A_13 = arith.muli %arg0, %mul3A_12 : i32
    %mul3A_14 = arith.muli %arg1, %add3A_11 : i32
    %add3A_15 = arith.addi %mul3A_13, %mul3A_14 : i32
    %mul3A_16 = arith.constant 2 : i32
    %mul3A_17 = arith.muli %add3A_7, %mul3A_16 : i32
    %jit3A = arith.constant 16 : i32
    %div3A = arith.divsi %add3A_3, %jit3A : i32
    %sign3A = arith.constant 0 : i32
    %sign3A_18 = arith.cmpi sgt, %add3A_3, %sign3A : i32
    %sign3A_19 = arith.extui %sign3A_18 : i1 to i32
    %sign3A_20 = arith.constant 0 : i32
    %sign3A_21 = arith.cmpi slt, %add3A_3, %sign3A_20 : i32
    %sign3A_22 = arith.extui %sign3A_21 : i1 to i32
    %sign3A_23 = arith.subi %sign3A_19, %sign3A_22 : i32
    %sign3A_24 = arith.constant 0 : i32
    %sign3A_25 = arith.cmpi sgt, %jit3A, %sign3A_24 : i32
    %sign3A_26 = arith.extui %sign3A_25 : i1 to i32
    %sign3A_27 = arith.constant 0 : i32
    %sign3A_28 = arith.cmpi slt, %jit3A, %sign3A_27 : i32
    %sign3A_29 = arith.extui %sign3A_28 : i1 to i32
    %sign3A_30 = arith.subi %sign3A_26, %sign3A_29 : i32
    %ne3A = arith.cmpi ne, %sign3A_23, %sign3A_30 : i32
    %rem3A = arith.remsi %add3A_3, %jit3A : i32
    %ne3A_31 = arith.constant 0 : i32
    %ne3A_32 = arith.cmpi ne, %rem3A, %ne3A_31 : i32
    %and3A = arith.andi %ne3A, %ne3A_32 : i1
    %sub3A = arith.constant 1 : i32
    %sub3A_33 = arith.subi %div3A, %sub3A : i32
    %select_n3A = arith.select %and3A, %sub3A_33, %div3A : i32
    %while3A = arith.constant 0 : i32
    %while3A_34 = arith.constant 0 : i32
    %while3A_35 = arith.subi %select_n3A, %while3A : i32
    %while3A_36 = arith.addi %while3A, %while3A_35 : i32
    %while3A_37 = arith.constant 1 : i32
    %while3A_38 = arith.divsi %while3A_35, %while3A_37 : i32
    %while3A_39 = arith.muli %while3A_38, %while3A_37 : i32
    %while3A_40 = arith.addi %while3A, %while3A_39 : i32
    %while3A_41 = arith.constant 1 : i32
    %while3A_42 = scf.for %while3A_84 = %while3A to %while3A_40 step %while3A_41 iter_args(%while3A_85 = %while3A_34) -> (i32)  : i32 {
      %mul3A_86 = arith.constant 2 : i32
      %mul3A_87 = arith.muli %while3A_84, %mul3A_86 : i32
      %mul3A_88 = arith.constant 16 : i32
      %mul3A_89 = arith.muli %mul3A_87, %mul3A_88 : i32
      %add3A_90 = arith.addi %mul3A_17, %mul3A_89 : i32
      "tpu.region"() ({
        %run_scoped3A = tpu.sem_alloc : memref<!tpu.dma_semaphore, #tpu.memory_space<semaphore_mem>>
        %dma_start3A = arith.constant 0 : i32
        %dma_start3A_98 = arith.constant 0 : i32
        %dma_start3A_99 = tpu.memref_slice %arg12[%dma_start3A, %dma_start3A_98] : memref<32x128xi32, #tpu.memory_space<vmem>> -> memref<32x128xi32, #tpu.memory_space<vmem>>
        %dma_start3A_100 = arith.constant 0 : i32
        %dma_start3A_101 = tpu.memref_slice %arg4[%add3A_90, %dma_start3A_100] : memref<5120x128xi32, #tpu.memory_space<hbm>> -> memref<32x128xi32, #tpu.memory_space<hbm>>
        %dma_start3A_102 = arith.constant 0 : i32
        %dma_start3A_103 = arith.constant 0 : i32
        %dma_start3A_104 = tpu.memref_slice %arg12[%dma_start3A_102, %dma_start3A_103] : memref<32x128xi32, #tpu.memory_space<vmem>> -> memref<32x128xi32, #tpu.memory_space<vmem>>
        %dma_start3A_105 = arith.constant 0 : i32
        %dma_start3A_106 = tpu.memref_slice %arg4[%add3A_90, %dma_start3A_105] : memref<5120x128xi32, #tpu.memory_space<hbm>> -> memref<32x128xi32, #tpu.memory_space<hbm>>
        tpu.enqueue_dma source(%dma_start3A_106 : memref<32x128xi32, #tpu.memory_space<hbm>>) target(%dma_start3A_104 : memref<32x128xi32, #tpu.memory_space<vmem>>) target_semaphore(%run_scoped3A : memref<!tpu.dma_semaphore, #tpu.memory_space<semaphore_mem>>)
        %dma_wait3A = arith.constant 0 : i32
        %dma_wait3A_107 = arith.constant 0 : i32
        %dma_wait3A_108 = tpu.memref_slice %arg12[%dma_wait3A, %dma_wait3A_107] : memref<32x128xi32, #tpu.memory_space<vmem>> -> memref<32x128xi32, #tpu.memory_space<vmem>>
        %dma_wait3A_109 = arith.constant 0 : i32
        %dma_wait3A_110 = tpu.memref_slice %arg4[%add3A_90, %dma_wait3A_109] : memref<5120x128xi32, #tpu.memory_space<hbm>> -> memref<32x128xi32, #tpu.memory_space<hbm>>
        %dma_wait3A_111 = arith.constant 0 : i32
        %dma_wait3A_112 = arith.constant 0 : i32
        %dma_wait3A_113 = tpu.memref_slice %arg12[%dma_wait3A_111, %dma_wait3A_112] : memref<32x128xi32, #tpu.memory_space<vmem>> -> memref<32x128xi32, #tpu.memory_space<vmem>>
        %dma_wait3A_114 = arith.constant 0 : i32
        %dma_wait3A_115 = tpu.memref_slice %arg4[%add3A_90, %dma_wait3A_114] : memref<5120x128xi32, #tpu.memory_space<hbm>> -> memref<32x128xi32, #tpu.memory_space<hbm>>
        tpu.wait_dma2 semaphore(%run_scoped3A : memref<!tpu.dma_semaphore, #tpu.memory_space<semaphore_mem>>) src(%dma_wait3A_115 : memref<32x128xi32, #tpu.memory_space<hbm>>) dst(%dma_wait3A_113 : memref<32x128xi32, #tpu.memory_space<vmem>>)
        tpu.yield
      }) : () -> ()
      %scan3A = arith.constant 0 : i32
      %scan3A_91 = arith.constant 0 : i32
      %scan3A_92 = arith.constant 16 : i32
      %scan3A_93 = arith.addi %scan3A_91, %scan3A_92 : i32
      %scan3A_94 = arith.constant 1 : i32
      %scan3A_95 = scf.for %scan3A_98 = %scan3A_91 to %scan3A_93 step %scan3A_94 iter_args(%scan3A_99 = %scan3A) -> (i32)  : i32 {
        %mul3A_100 = arith.constant 2 : i32
        %mul3A_101 = arith.muli %mul3A_100, %scan3A_98 : i32
        "tpu.region"() ({
          %run_scoped3A = tpu.sem_alloc : memref<!tpu.dma_semaphore, #tpu.memory_space<semaphore_mem>>
          %dma_start3A = arith.constant 0 : i32
          %dma_start3A_111 = tpu.memref_slice %arg12[%mul3A_101, %dma_start3A] : memref<32x128xi32, #tpu.memory_space<vmem>> -> memref<1x128xi32, #tpu.memory_space<vmem>>
          %dma_start3A_112 = tpu.memref_squeeze %dma_start3A_111 : memref<1x128xi32, #tpu.memory_space<vmem>> -> memref<128xi32, #tpu.memory_space<vmem>>
          %dma_start3A_113 = arith.constant 0 : i32
          %dma_start3A_114 = arith.constant 0 : i32
          %dma_start3A_115 = tpu.memref_slice %arg2[%dma_start3A_113, %dma_start3A_114] : memref<10240x128xbf16, #tpu.memory_space<hbm>> -> memref<10240x128xbf16, #tpu.memory_space<hbm>>
          tpu.enqueue_indirect_dma source(%dma_start3A_115 : memref<10240x128xbf16, #tpu.memory_space<hbm>>) target(%arg13 : memref<128x128xbf16, #tpu.memory_space<vmem>>) offsets(%dma_start3A_112 : memref<128xi32, #tpu.memory_space<vmem>>) semaphore(%run_scoped3A : memref<!tpu.dma_semaphore, #tpu.memory_space<semaphore_mem>>)
          %dma_wait3A = arith.constant 0 : i32
          %dma_wait3A_116 = tpu.memref_slice %arg12[%mul3A_101, %dma_wait3A] : memref<32x128xi32, #tpu.memory_space<vmem>> -> memref<1x128xi32, #tpu.memory_space<vmem>>
          %dma_wait3A_117 = tpu.memref_squeeze %dma_wait3A_116 : memref<1x128xi32, #tpu.memory_space<vmem>> -> memref<128xi32, #tpu.memory_space<vmem>>
          %dma_wait3A_118 = arith.constant 0 : i32
          %dma_wait3A_119 = arith.constant 0 : i32
          %dma_wait3A_120 = tpu.memref_slice %arg2[%dma_wait3A_118, %dma_wait3A_119] : memref<10240x128xbf16, #tpu.memory_space<hbm>> -> memref<10240x128xbf16, #tpu.memory_space<hbm>>
          tpu.wait_indirect_dma semaphore(%run_scoped3A : memref<!tpu.dma_semaphore, #tpu.memory_space<semaphore_mem>>) src(%dma_wait3A_120 : memref<10240x128xbf16, #tpu.memory_space<hbm>>) dst(%arg13 : memref<128x128xbf16, #tpu.memory_space<vmem>>)
          tpu.yield
        }) : () -> ()
        %mul3A_102 = arith.constant 2 : i32
        %mul3A_103 = arith.muli %mul3A_102, %scan3A_98 : i32
        %add3A_104 = arith.constant 1 : i32
        %add3A_105 = arith.addi %mul3A_103, %add3A_104 : i32
        "tpu.region"() ({
          %run_scoped3A = tpu.sem_alloc : memref<!tpu.dma_semaphore, #tpu.memory_space<semaphore_mem>>
          %dma_start3A = arith.constant 0 : i32
          %dma_start3A_111 = tpu.memref_slice %arg12[%add3A_105, %dma_start3A] : memref<32x128xi32, #tpu.memory_space<vmem>> -> memref<1x128xi32, #tpu.memory_space<vmem>>
          %dma_start3A_112 = tpu.memref_squeeze %dma_start3A_111 : memref<1x128xi32, #tpu.memory_space<vmem>> -> memref<128xi32, #tpu.memory_space<vmem>>
          %dma_start3A_113 = arith.constant 0 : i32
          %dma_start3A_114 = arith.constant 0 : i32
          %dma_start3A_115 = tpu.memref_slice %arg16[%dma_start3A_113, %dma_start3A_114] : memref<10240x128xbf16, #tpu.memory_space<vmem_shared>> -> memref<10240x128xbf16, #tpu.memory_space<vmem_shared>>
          tpu.enqueue_indirect_dma source(%arg13 : memref<128x128xbf16, #tpu.memory_space<vmem>>) target(%dma_start3A_115 : memref<10240x128xbf16, #tpu.memory_space<vmem_shared>>) offsets(%dma_start3A_112 : memref<128xi32, #tpu.memory_space<vmem>>) semaphore(%run_scoped3A : memref<!tpu.dma_semaphore, #tpu.memory_space<semaphore_mem>>) {add = true}
          %dma_wait3A = arith.constant 0 : i32
          %dma_wait3A_116 = tpu.memref_slice %arg12[%add3A_105, %dma_wait3A] : memref<32x128xi32, #tpu.memory_space<vmem>> -> memref<1x128xi32, #tpu.memory_space<vmem>>
          %dma_wait3A_117 = tpu.memref_squeeze %dma_wait3A_116 : memref<1x128xi32, #tpu.memory_space<vmem>> -> memref<128xi32, #tpu.memory_space<vmem>>
          %dma_wait3A_118 = arith.constant 0 : i32
          %dma_wait3A_119 = arith.constant 0 : i32
          %dma_wait3A_120 = tpu.memref_slice %arg16[%dma_wait3A_118, %dma_wait3A_119] : memref<10240x128xbf16, #tpu.memory_space<vmem_shared>> -> memref<10240x128xbf16, #tpu.memory_space<vmem_shared>>
          tpu.wait_indirect_dma semaphore(%run_scoped3A : memref<!tpu.dma_semaphore, #tpu.memory_space<semaphore_mem>>) src(%arg13 : memref<128x128xbf16, #tpu.memory_space<vmem>>) dst(%dma_wait3A_120 : memref<10240x128xbf16, #tpu.memory_space<vmem_shared>>)
          tpu.yield
        }) : () -> ()
        %mul3A_106 = arith.constant 2 : i32
        %mul3A_107 = arith.muli %mul3A_106, %scan3A_98 : i32
        %add3A_108 = arith.constant 1 : i32
        %add3A_109 = arith.addi %mul3A_107, %add3A_108 : i32
        "tpu.region"() ({
          %run_scoped3A = tpu.sem_alloc : memref<!tpu.dma_semaphore, #tpu.memory_space<semaphore_mem>>
          %dma_start3A = arith.constant 0 : i32
          %dma_start3A_111 = tpu.memref_slice %arg12[%add3A_109, %dma_start3A] : memref<32x128xi32, #tpu.memory_space<vmem>> -> memref<1x128xi32, #tpu.memory_space<vmem>>
          %dma_start3A_112 = tpu.memref_squeeze %dma_start3A_111 : memref<1x128xi32, #tpu.memory_space<vmem>> -> memref<128xi32, #tpu.memory_space<vmem>>
          %dma_start3A_113 = arith.constant 0 : i32
          %dma_start3A_114 = arith.constant 0 : i32
          %dma_start3A_115 = tpu.memref_slice %arg17[%dma_start3A_113, %dma_start3A_114] : memref<10240x16xf32, #tpu.memory_space<vmem_shared>> -> memref<10240x16xf32, #tpu.memory_space<vmem_shared>>
          tpu.enqueue_indirect_dma source(%arg15 : memref<128x16xf32, #tpu.memory_space<vmem>>) target(%dma_start3A_115 : memref<10240x16xf32, #tpu.memory_space<vmem_shared>>) offsets(%dma_start3A_112 : memref<128xi32, #tpu.memory_space<vmem>>) semaphore(%run_scoped3A : memref<!tpu.dma_semaphore, #tpu.memory_space<semaphore_mem>>) {add = true}
          %dma_wait3A = arith.constant 0 : i32
          %dma_wait3A_116 = tpu.memref_slice %arg12[%add3A_109, %dma_wait3A] : memref<32x128xi32, #tpu.memory_space<vmem>> -> memref<1x128xi32, #tpu.memory_space<vmem>>
          %dma_wait3A_117 = tpu.memref_squeeze %dma_wait3A_116 : memref<1x128xi32, #tpu.memory_space<vmem>> -> memref<128xi32, #tpu.memory_space<vmem>>
          %dma_wait3A_118 = arith.constant 0 : i32
          %dma_wait3A_119 = arith.constant 0 : i32
          %dma_wait3A_120 = tpu.memref_slice %arg17[%dma_wait3A_118, %dma_wait3A_119] : memref<10240x16xf32, #tpu.memory_space<vmem_shared>> -> memref<10240x16xf32, #tpu.memory_space<vmem_shared>>
          tpu.wait_indirect_dma semaphore(%run_scoped3A : memref<!tpu.dma_semaphore, #tpu.memory_space<semaphore_mem>>) src(%arg15 : memref<128x16xf32, #tpu.memory_space<vmem>>) dst(%dma_wait3A_120 : memref<10240x16xf32, #tpu.memory_space<vmem_shared>>)
          tpu.yield
        }) : () -> ()
        %scan3A_110 = arith.constant 0 : i32
        scf.yield %scan3A_110 : i32
      }
      %scan3A_96 = arith.constant 16 : i32
      %while3A_97 = arith.constant 0 : i32
      scf.yield %while3A_97 : i32
    }
    %while3A_43 = arith.constant 1 : i32
    %while3A_44 = scf.for %while3A_84 = %while3A_40 to %while3A_36 step %while3A_43 iter_args(%while3A_85 = %while3A_42) -> (i32)  : i32 {
      %mul3A_86 = arith.constant 2 : i32
      %mul3A_87 = arith.muli %while3A_84, %mul3A_86 : i32
      %mul3A_88 = arith.constant 16 : i32
      %mul3A_89 = arith.muli %mul3A_87, %mul3A_88 : i32
      %add3A_90 = arith.addi %mul3A_17, %mul3A_89 : i32
      "tpu.region"() ({
        %run_scoped3A = tpu.sem_alloc : memref<!tpu.dma_semaphore, #tpu.memory_space<semaphore_mem>>
        %dma_start3A = arith.constant 0 : i32
        %dma_start3A_98 = arith.constant 0 : i32
        %dma_start3A_99 = tpu.memref_slice %arg12[%dma_start3A, %dma_start3A_98] : memref<32x128xi32, #tpu.memory_space<vmem>> -> memref<32x128xi32, #tpu.memory_space<vmem>>
        %dma_start3A_100 = arith.constant 0 : i32
        %dma_start3A_101 = tpu.memref_slice %arg4[%add3A_90, %dma_start3A_100] : memref<5120x128xi32, #tpu.memory_space<hbm>> -> memref<32x128xi32, #tpu.memory_space<hbm>>
        %dma_start3A_102 = arith.constant 0 : i32
        %dma_start3A_103 = arith.constant 0 : i32
        %dma_start3A_104 = tpu.memref_slice %arg12[%dma_start3A_102, %dma_start3A_103] : memref<32x128xi32, #tpu.memory_space<vmem>> -> memref<32x128xi32, #tpu.memory_space<vmem>>
        %dma_start3A_105 = arith.constant 0 : i32
        %dma_start3A_106 = tpu.memref_slice %arg4[%add3A_90, %dma_start3A_105] : memref<5120x128xi32, #tpu.memory_space<hbm>> -> memref<32x128xi32, #tpu.memory_space<hbm>>
        tpu.enqueue_dma source(%dma_start3A_106 : memref<32x128xi32, #tpu.memory_space<hbm>>) target(%dma_start3A_104 : memref<32x128xi32, #tpu.memory_space<vmem>>) target_semaphore(%run_scoped3A : memref<!tpu.dma_semaphore, #tpu.memory_space<semaphore_mem>>)
        %dma_wait3A = arith.constant 0 : i32
        %dma_wait3A_107 = arith.constant 0 : i32
        %dma_wait3A_108 = tpu.memref_slice %arg12[%dma_wait3A, %dma_wait3A_107] : memref<32x128xi32, #tpu.memory_space<vmem>> -> memref<32x128xi32, #tpu.memory_space<vmem>>
        %dma_wait3A_109 = arith.constant 0 : i32
        %dma_wait3A_110 = tpu.memref_slice %arg4[%add3A_90, %dma_wait3A_109] : memref<5120x128xi32, #tpu.memory_space<hbm>> -> memref<32x128xi32, #tpu.memory_space<hbm>>
        %dma_wait3A_111 = arith.constant 0 : i32
        %dma_wait3A_112 = arith.constant 0 : i32
        %dma_wait3A_113 = tpu.memref_slice %arg12[%dma_wait3A_111, %dma_wait3A_112] : memref<32x128xi32, #tpu.memory_space<vmem>> -> memref<32x128xi32, #tpu.memory_space<vmem>>
        %dma_wait3A_114 = arith.constant 0 : i32
        %dma_wait3A_115 = tpu.memref_slice %arg4[%add3A_90, %dma_wait3A_114] : memref<5120x128xi32, #tpu.memory_space<hbm>> -> memref<32x128xi32, #tpu.memory_space<hbm>>
        tpu.wait_dma2 semaphore(%run_scoped3A : memref<!tpu.dma_semaphore, #tpu.memory_space<semaphore_mem>>) src(%dma_wait3A_115 : memref<32x128xi32, #tpu.memory_space<hbm>>) dst(%dma_wait3A_113 : memref<32x128xi32, #tpu.memory_space<vmem>>)
        tpu.yield
      }) : () -> ()
      %scan3A = arith.constant 0 : i32
      %scan3A_91 = arith.constant 0 : i32
      %scan3A_92 = arith.constant 16 : i32
      %scan3A_93 = arith.addi %scan3A_91, %scan3A_92 : i32
      %scan3A_94 = arith.constant 1 : i32
      %scan3A_95 = scf.for %scan3A_98 = %scan3A_91 to %scan3A_93 step %scan3A_94 iter_args(%scan3A_99 = %scan3A) -> (i32)  : i32 {
        %mul3A_100 = arith.constant 2 : i32
        %mul3A_101 = arith.muli %mul3A_100, %scan3A_98 : i32
        "tpu.region"() ({
          %run_scoped3A = tpu.sem_alloc : memref<!tpu.dma_semaphore, #tpu.memory_space<semaphore_mem>>
          %dma_start3A = arith.constant 0 : i32
          %dma_start3A_111 = tpu.memref_slice %arg12[%mul3A_101, %dma_start3A] : memref<32x128xi32, #tpu.memory_space<vmem>> -> memref<1x128xi32, #tpu.memory_space<vmem>>
          %dma_start3A_112 = tpu.memref_squeeze %dma_start3A_111 : memref<1x128xi32, #tpu.memory_space<vmem>> -> memref<128xi32, #tpu.memory_space<vmem>>
          %dma_start3A_113 = arith.constant 0 : i32
          %dma_start3A_114 = arith.constant 0 : i32
          %dma_start3A_115 = tpu.memref_slice %arg2[%dma_start3A_113, %dma_start3A_114] : memref<10240x128xbf16, #tpu.memory_space<hbm>> -> memref<10240x128xbf16, #tpu.memory_space<hbm>>
          tpu.enqueue_indirect_dma source(%dma_start3A_115 : memref<10240x128xbf16, #tpu.memory_space<hbm>>) target(%arg13 : memref<128x128xbf16, #tpu.memory_space<vmem>>) offsets(%dma_start3A_112 : memref<128xi32, #tpu.memory_space<vmem>>) semaphore(%run_scoped3A : memref<!tpu.dma_semaphore, #tpu.memory_space<semaphore_mem>>)
          %dma_wait3A = arith.constant 0 : i32
          %dma_wait3A_116 = tpu.memref_slice %arg12[%mul3A_101, %dma_wait3A] : memref<32x128xi32, #tpu.memory_space<vmem>> -> memref<1x128xi32, #tpu.memory_space<vmem>>
          %dma_wait3A_117 = tpu.memref_squeeze %dma_wait3A_116 : memref<1x128xi32, #tpu.memory_space<vmem>> -> memref<128xi32, #tpu.memory_space<vmem>>
          %dma_wait3A_118 = arith.constant 0 : i32
          %dma_wait3A_119 = arith.constant 0 : i32
          %dma_wait3A_120 = tpu.memref_slice %arg2[%dma_wait3A_118, %dma_wait3A_119] : memref<10240x128xbf16, #tpu.memory_space<hbm>> -> memref<10240x128xbf16, #tpu.memory_space<hbm>>
          tpu.wait_indirect_dma semaphore(%run_scoped3A : memref<!tpu.dma_semaphore, #tpu.memory_space<semaphore_mem>>) src(%dma_wait3A_120 : memref<10240x128xbf16, #tpu.memory_space<hbm>>) dst(%arg13 : memref<128x128xbf16, #tpu.memory_space<vmem>>)
          tpu.yield
        }) : () -> ()
        %mul3A_102 = arith.constant 2 : i32
        %mul3A_103 = arith.muli %mul3A_102, %scan3A_98 : i32
        %add3A_104 = arith.constant 1 : i32
        %add3A_105 = arith.addi %mul3A_103, %add3A_104 : i32
        "tpu.region"() ({
          %run_scoped3A = tpu.sem_alloc : memref<!tpu.dma_semaphore, #tpu.memory_space<semaphore_mem>>
          %dma_start3A = arith.constant 0 : i32
          %dma_start3A_111 = tpu.memref_slice %arg12[%add3A_105, %dma_start3A] : memref<32x128xi32, #tpu.memory_space<vmem>> -> memref<1x128xi32, #tpu.memory_space<vmem>>
          %dma_start3A_112 = tpu.memref_squeeze %dma_start3A_111 : memref<1x128xi32, #tpu.memory_space<vmem>> -> memref<128xi32, #tpu.memory_space<vmem>>
          %dma_start3A_113 = arith.constant 0 : i32
          %dma_start3A_114 = arith.constant 0 : i32
          %dma_start3A_115 = tpu.memref_slice %arg16[%dma_start3A_113, %dma_start3A_114] : memref<10240x128xbf16, #tpu.memory_space<vmem_shared>> -> memref<10240x128xbf16, #tpu.memory_space<vmem_shared>>
          tpu.enqueue_indirect_dma source(%arg13 : memref<128x128xbf16, #tpu.memory_space<vmem>>) target(%dma_start3A_115 : memref<10240x128xbf16, #tpu.memory_space<vmem_shared>>) offsets(%dma_start3A_112 : memref<128xi32, #tpu.memory_space<vmem>>) semaphore(%run_scoped3A : memref<!tpu.dma_semaphore, #tpu.memory_space<semaphore_mem>>) {add = true}
          %dma_wait3A = arith.constant 0 : i32
          %dma_wait3A_116 = tpu.memref_slice %arg12[%add3A_105, %dma_wait3A] : memref<32x128xi32, #tpu.memory_space<vmem>> -> memref<1x128xi32, #tpu.memory_space<vmem>>
          %dma_wait3A_117 = tpu.memref_squeeze %dma_wait3A_116 : memref<1x128xi32, #tpu.memory_space<vmem>> -> memref<128xi32, #tpu.memory_space<vmem>>
          %dma_wait3A_118 = arith.constant 0 : i32
          %dma_wait3A_119 = arith.constant 0 : i32
          %dma_wait3A_120 = tpu.memref_slice %arg16[%dma_wait3A_118, %dma_wait3A_119] : memref<10240x128xbf16, #tpu.memory_space<vmem_shared>> -> memref<10240x128xbf16, #tpu.memory_space<vmem_shared>>
          tpu.wait_indirect_dma semaphore(%run_scoped3A : memref<!tpu.dma_semaphore, #tpu.memory_space<semaphore_mem>>) src(%arg13 : memref<128x128xbf16, #tpu.memory_space<vmem>>) dst(%dma_wait3A_120 : memref<10240x128xbf16, #tpu.memory_space<vmem_shared>>)
          tpu.yield
        }) : () -> ()
        %mul3A_106 = arith.constant 2 : i32
        %mul3A_107 = arith.muli %mul3A_106, %scan3A_98 : i32
        %add3A_108 = arith.constant 1 : i32
        %add3A_109 = arith.addi %mul3A_107, %add3A_108 : i32
        "tpu.region"() ({
          %run_scoped3A = tpu.sem_alloc : memref<!tpu.dma_semaphore, #tpu.memory_space<semaphore_mem>>
          %dma_start3A = arith.constant 0 : i32
          %dma_start3A_111 = tpu.memref_slice %arg12[%add3A_109, %dma_start3A] : memref<32x128xi32, #tpu.memory_space<vmem>> -> memref<1x128xi32, #tpu.memory_space<vmem>>
          %dma_start3A_112 = tpu.memref_squeeze %dma_start3A_111 : memref<1x128xi32, #tpu.memory_space<vmem>> -> memref<128xi32, #tpu.memory_space<vmem>>
          %dma_start3A_113 = arith.constant 0 : i32
          %dma_start3A_114 = arith.constant 0 : i32
          %dma_start3A_115 = tpu.memref_slice %arg17[%dma_start3A_113, %dma_start3A_114] : memref<10240x16xf32, #tpu.memory_space<vmem_shared>> -> memref<10240x16xf32, #tpu.memory_space<vmem_shared>>
          tpu.enqueue_indirect_dma source(%arg15 : memref<128x16xf32, #tpu.memory_space<vmem>>) target(%dma_start3A_115 : memref<10240x16xf32, #tpu.memory_space<vmem_shared>>) offsets(%dma_start3A_112 : memref<128xi32, #tpu.memory_space<vmem>>) semaphore(%run_scoped3A : memref<!tpu.dma_semaphore, #tpu.memory_space<semaphore_mem>>) {add = true}
          %dma_wait3A = arith.constant 0 : i32
          %dma_wait3A_116 = tpu.memref_slice %arg12[%add3A_109, %dma_wait3A] : memref<32x128xi32, #tpu.memory_space<vmem>> -> memref<1x128xi32, #tpu.memory_space<vmem>>
          %dma_wait3A_117 = tpu.memref_squeeze %dma_wait3A_116 : memref<1x128xi32, #tpu.memory_space<vmem>> -> memref<128xi32, #tpu.memory_space<vmem>>
          %dma_wait3A_118 = arith.constant 0 : i32
          %dma_wait3A_119 = arith.constant 0 : i32
          %dma_wait3A_120 = tpu.memref_slice %arg17[%dma_wait3A_118, %dma_wait3A_119] : memref<10240x16xf32, #tpu.memory_space<vmem_shared>> -> memref<10240x16xf32, #tpu.memory_space<vmem_shared>>
          tpu.wait_indirect_dma semaphore(%run_scoped3A : memref<!tpu.dma_semaphore, #tpu.memory_space<semaphore_mem>>) src(%arg15 : memref<128x16xf32, #tpu.memory_space<vmem>>) dst(%dma_wait3A_120 : memref<10240x16xf32, #tpu.memory_space<vmem_shared>>)
          tpu.yield
        }) : () -> ()
        %scan3A_110 = arith.constant 0 : i32
        scf.yield %scan3A_110 : i32
      }
      %scan3A_96 = arith.constant 16 : i32
      %while3A_97 = arith.constant 0 : i32
      scf.yield %while3A_97 : i32
    }
    %mul3A_45 = arith.constant 2 : i32
    %mul3A_46 = arith.muli %add3A_15, %mul3A_45 : i32
    %jit3A_47 = arith.constant 8 : i32
    %div3A_48 = arith.divsi %add3A_11, %jit3A_47 : i32
    %sign3A_49 = arith.constant 0 : i32
    %sign3A_50 = arith.cmpi sgt, %add3A_11, %sign3A_49 : i32
    %sign3A_51 = arith.extui %sign3A_50 : i1 to i32
    %sign3A_52 = arith.constant 0 : i32
    %sign3A_53 = arith.cmpi slt, %add3A_11, %sign3A_52 : i32
    %sign3A_54 = arith.extui %sign3A_53 : i1 to i32
    %sign3A_55 = arith.subi %sign3A_51, %sign3A_54 : i32
    %sign3A_56 = arith.constant 0 : i32
    %sign3A_57 = arith.cmpi sgt, %jit3A_47, %sign3A_56 : i32
    %sign3A_58 = arith.extui %sign3A_57 : i1 to i32
    %sign3A_59 = arith.constant 0 : i32
    %sign3A_60 = arith.cmpi slt, %jit3A_47, %sign3A_59 : i32
    %sign3A_61 = arith.extui %sign3A_60 : i1 to i32
    %sign3A_62 = arith.subi %sign3A_58, %sign3A_61 : i32
    %ne3A_63 = arith.cmpi ne, %sign3A_55, %sign3A_62 : i32
    %rem3A_64 = arith.remsi %add3A_11, %jit3A_47 : i32
    %ne3A_65 = arith.constant 0 : i32
    %ne3A_66 = arith.cmpi ne, %rem3A_64, %ne3A_65 : i32
    %and3A_67 = arith.andi %ne3A_63, %ne3A_66 : i1
    %sub3A_68 = arith.constant 1 : i32
    %sub3A_69 = arith.subi %div3A_48, %sub3A_68 : i32
    %select_n3A_70 = arith.select %and3A_67, %sub3A_69, %div3A_48 : i32
    %while3A_71 = arith.constant 0 : i32
    %while3A_72 = arith.constant 0 : i32
    %while3A_73 = arith.subi %select_n3A_70, %while3A_71 : i32
    %while3A_74 = arith.addi %while3A_71, %while3A_73 : i32
    %while3A_75 = arith.constant 1 : i32
    %while3A_76 = arith.divsi %while3A_73, %while3A_75 : i32
    %while3A_77 = arith.muli %while3A_76, %while3A_75 : i32
    %while3A_78 = arith.addi %while3A_71, %while3A_77 : i32
    %while3A_79 = arith.constant 1 : i32
    %while3A_80 = scf.for %while3A_84 = %while3A_71 to %while3A_78 step %while3A_79 iter_args(%while3A_85 = %while3A_72) -> (i32)  : i32 {
      %mul3A_86 = arith.constant 2 : i32
      %mul3A_87 = arith.muli %while3A_84, %mul3A_86 : i32
      %mul3A_88 = arith.constant 8 : i32
      %mul3A_89 = arith.muli %mul3A_87, %mul3A_88 : i32
      %add3A_90 = arith.addi %mul3A_46, %mul3A_89 : i32
      "tpu.region"() ({
        %run_scoped3A = tpu.sem_alloc : memref<!tpu.dma_semaphore, #tpu.memory_space<semaphore_mem>>
        %dma_start3A = arith.constant 0 : i32
        %dma_start3A_98 = arith.constant 0 : i32
        %dma_start3A_99 = tpu.memref_slice %arg12[%dma_start3A, %dma_start3A_98] : memref<32x128xi32, #tpu.memory_space<vmem>> -> memref<16x128xi32, #tpu.memory_space<vmem>>
        %dma_start3A_100 = arith.constant 0 : i32
        %dma_start3A_101 = tpu.memref_slice %arg5[%add3A_90, %dma_start3A_100] : memref<2560x128xi32, #tpu.memory_space<hbm>> -> memref<16x128xi32, #tpu.memory_space<hbm>>
        %dma_start3A_102 = arith.constant 0 : i32
        %dma_start3A_103 = arith.constant 0 : i32
        %dma_start3A_104 = tpu.memref_slice %arg12[%dma_start3A_102, %dma_start3A_103] : memref<32x128xi32, #tpu.memory_space<vmem>> -> memref<16x128xi32, #tpu.memory_space<vmem>>
        %dma_start3A_105 = arith.constant 0 : i32
        %dma_start3A_106 = tpu.memref_slice %arg5[%add3A_90, %dma_start3A_105] : memref<2560x128xi32, #tpu.memory_space<hbm>> -> memref<16x128xi32, #tpu.memory_space<hbm>>
        tpu.enqueue_dma source(%dma_start3A_106 : memref<16x128xi32, #tpu.memory_space<hbm>>) target(%dma_start3A_104 : memref<16x128xi32, #tpu.memory_space<vmem>>) target_semaphore(%run_scoped3A : memref<!tpu.dma_semaphore, #tpu.memory_space<semaphore_mem>>)
        %dma_wait3A = arith.constant 0 : i32
        %dma_wait3A_107 = arith.constant 0 : i32
        %dma_wait3A_108 = tpu.memref_slice %arg12[%dma_wait3A, %dma_wait3A_107] : memref<32x128xi32, #tpu.memory_space<vmem>> -> memref<16x128xi32, #tpu.memory_space<vmem>>
        %dma_wait3A_109 = arith.constant 0 : i32
        %dma_wait3A_110 = tpu.memref_slice %arg5[%add3A_90, %dma_wait3A_109] : memref<2560x128xi32, #tpu.memory_space<hbm>> -> memref<16x128xi32, #tpu.memory_space<hbm>>
        %dma_wait3A_111 = arith.constant 0 : i32
        %dma_wait3A_112 = arith.constant 0 : i32
        %dma_wait3A_113 = tpu.memref_slice %arg12[%dma_wait3A_111, %dma_wait3A_112] : memref<32x128xi32, #tpu.memory_space<vmem>> -> memref<16x128xi32, #tpu.memory_space<vmem>>
        %dma_wait3A_114 = arith.constant 0 : i32
        %dma_wait3A_115 = tpu.memref_slice %arg5[%add3A_90, %dma_wait3A_114] : memref<2560x128xi32, #tpu.memory_space<hbm>> -> memref<16x128xi32, #tpu.memory_space<hbm>>
        tpu.wait_dma2 semaphore(%run_scoped3A : memref<!tpu.dma_semaphore, #tpu.memory_space<semaphore_mem>>) src(%dma_wait3A_115 : memref<16x128xi32, #tpu.memory_space<hbm>>) dst(%dma_wait3A_113 : memref<16x128xi32, #tpu.memory_space<vmem>>)
        tpu.yield
      }) : () -> ()
      %scan3A = arith.constant 0 : i32
      %scan3A_91 = arith.constant 0 : i32
      %scan3A_92 = arith.constant 8 : i32
      %scan3A_93 = arith.addi %scan3A_91, %scan3A_92 : i32
      %scan3A_94 = arith.constant 1 : i32
      %scan3A_95 = scf.for %scan3A_98 = %scan3A_91 to %scan3A_93 step %scan3A_94 iter_args(%scan3A_99 = %scan3A) -> (i32)  : i32 {
        %mul3A_100 = arith.constant 2 : i32
        %mul3A_101 = arith.muli %mul3A_100, %scan3A_98 : i32
        %add3A_102 = arith.constant 0 : i32
        %add3A_103 = arith.addi %mul3A_101, %add3A_102 : i32
        "tpu.region"() ({
          %run_scoped3A = tpu.sem_alloc : memref<!tpu.dma_semaphore, #tpu.memory_space<semaphore_mem>>
          %dma_start3A = arith.constant 0 : i32
          %dma_start3A_109 = tpu.memref_slice %arg12[%add3A_103, %dma_start3A] : memref<32x128xi32, #tpu.memory_space<vmem>> -> memref<1x128xi32, #tpu.memory_space<vmem>>
          %dma_start3A_110 = tpu.memref_squeeze %dma_start3A_109 : memref<1x128xi32, #tpu.memory_space<vmem>> -> memref<128xi32, #tpu.memory_space<vmem>>
          %dma_start3A_111 = arith.constant 0 : i32
          %dma_start3A_112 = arith.constant 0 : i32
          %dma_start3A_113 = tpu.memref_slice %arg3[%dma_start3A_111, %dma_start3A_112] : memref<10240x16xf32, #tpu.memory_space<hbm>> -> memref<10240x16xf32, #tpu.memory_space<hbm>>
          tpu.enqueue_indirect_dma source(%dma_start3A_113 : memref<10240x16xf32, #tpu.memory_space<hbm>>) target(%arg14 : memref<128x16xf32, #tpu.memory_space<vmem>>) offsets(%dma_start3A_110 : memref<128xi32, #tpu.memory_space<vmem>>) semaphore(%run_scoped3A : memref<!tpu.dma_semaphore, #tpu.memory_space<semaphore_mem>>)
          %dma_wait3A = arith.constant 0 : i32
          %dma_wait3A_114 = tpu.memref_slice %arg12[%add3A_103, %dma_wait3A] : memref<32x128xi32, #tpu.memory_space<vmem>> -> memref<1x128xi32, #tpu.memory_space<vmem>>
          %dma_wait3A_115 = tpu.memref_squeeze %dma_wait3A_114 : memref<1x128xi32, #tpu.memory_space<vmem>> -> memref<128xi32, #tpu.memory_space<vmem>>
          %dma_wait3A_116 = arith.constant 0 : i32
          %dma_wait3A_117 = arith.constant 0 : i32
          %dma_wait3A_118 = tpu.memref_slice %arg3[%dma_wait3A_116, %dma_wait3A_117] : memref<10240x16xf32, #tpu.memory_space<hbm>> -> memref<10240x16xf32, #tpu.memory_space<hbm>>
          tpu.wait_indirect_dma semaphore(%run_scoped3A : memref<!tpu.dma_semaphore, #tpu.memory_space<semaphore_mem>>) src(%dma_wait3A_118 : memref<10240x16xf32, #tpu.memory_space<hbm>>) dst(%arg14 : memref<128x16xf32, #tpu.memory_space<vmem>>)
          tpu.yield
        }) : () -> ()
        %mul3A_104 = arith.constant 2 : i32
        %mul3A_105 = arith.muli %mul3A_104, %scan3A_98 : i32
        %add3A_106 = arith.constant 1 : i32
        %add3A_107 = arith.addi %mul3A_105, %add3A_106 : i32
        "tpu.region"() ({
          %run_scoped3A = tpu.sem_alloc : memref<!tpu.dma_semaphore, #tpu.memory_space<semaphore_mem>>
          %dma_start3A = arith.constant 0 : i32
          %dma_start3A_109 = tpu.memref_slice %arg12[%add3A_107, %dma_start3A] : memref<32x128xi32, #tpu.memory_space<vmem>> -> memref<1x128xi32, #tpu.memory_space<vmem>>
          %dma_start3A_110 = tpu.memref_squeeze %dma_start3A_109 : memref<1x128xi32, #tpu.memory_space<vmem>> -> memref<128xi32, #tpu.memory_space<vmem>>
          %dma_start3A_111 = arith.constant 0 : i32
          %dma_start3A_112 = arith.constant 0 : i32
          %dma_start3A_113 = tpu.memref_slice %arg18[%dma_start3A_111, %dma_start3A_112] : memref<10240x16xf32, #tpu.memory_space<vmem_shared>> -> memref<10240x16xf32, #tpu.memory_space<vmem_shared>>
          tpu.enqueue_indirect_dma source(%arg14 : memref<128x16xf32, #tpu.memory_space<vmem>>) target(%dma_start3A_113 : memref<10240x16xf32, #tpu.memory_space<vmem_shared>>) offsets(%dma_start3A_110 : memref<128xi32, #tpu.memory_space<vmem>>) semaphore(%run_scoped3A : memref<!tpu.dma_semaphore, #tpu.memory_space<semaphore_mem>>) {add = true}
          %dma_wait3A = arith.constant 0 : i32
          %dma_wait3A_114 = tpu.memref_slice %arg12[%add3A_107, %dma_wait3A] : memref<32x128xi32, #tpu.memory_space<vmem>> -> memref<1x128xi32, #tpu.memory_space<vmem>>
          %dma_wait3A_115 = tpu.memref_squeeze %dma_wait3A_114 : memref<1x128xi32, #tpu.memory_space<vmem>> -> memref<128xi32, #tpu.memory_space<vmem>>
          %dma_wait3A_116 = arith.constant 0 : i32
          %dma_wait3A_117 = arith.constant 0 : i32
          %dma_wait3A_118 = tpu.memref_slice %arg18[%dma_wait3A_116, %dma_wait3A_117] : memref<10240x16xf32, #tpu.memory_space<vmem_shared>> -> memref<10240x16xf32, #tpu.memory_space<vmem_shared>>
          tpu.wait_indirect_dma semaphore(%run_scoped3A : memref<!tpu.dma_semaphore, #tpu.memory_space<semaphore_mem>>) src(%arg14 : memref<128x16xf32, #tpu.memory_space<vmem>>) dst(%dma_wait3A_118 : memref<10240x16xf32, #tpu.memory_space<vmem_shared>>)
          tpu.yield
        }) : () -> ()
        %scan3A_108 = arith.constant 0 : i32
        scf.yield %scan3A_108 : i32
      }
      %scan3A_96 = arith.constant 8 : i32
      %while3A_97 = arith.constant 0 : i32
      scf.yield %while3A_97 : i32
    }
    %while3A_81 = arith.constant 1 : i32
    %while3A_82 = scf.for %while3A_84 = %while3A_78 to %while3A_74 step %while3A_81 iter_args(%while3A_85 = %while3A_80) -> (i32)  : i32 {
      %mul3A_86 = arith.constant 2 : i32
      %mul3A_87 = arith.muli %while3A_84, %mul3A_86 : i32
      %mul3A_88 = arith.constant 8 : i32
      %mul3A_89 = arith.muli %mul3A_87, %mul3A_88 : i32
      %add3A_90 = arith.addi %mul3A_46, %mul3A_89 : i32
      "tpu.region"() ({
        %run_scoped3A = tpu.sem_alloc : memref<!tpu.dma_semaphore, #tpu.memory_space<semaphore_mem>>
        %dma_start3A = arith.constant 0 : i32
        %dma_start3A_98 = arith.constant 0 : i32
        %dma_start3A_99 = tpu.memref_slice %arg12[%dma_start3A, %dma_start3A_98] : memref<32x128xi32, #tpu.memory_space<vmem>> -> memref<16x128xi32, #tpu.memory_space<vmem>>
        %dma_start3A_100 = arith.constant 0 : i32
        %dma_start3A_101 = tpu.memref_slice %arg5[%add3A_90, %dma_start3A_100] : memref<2560x128xi32, #tpu.memory_space<hbm>> -> memref<16x128xi32, #tpu.memory_space<hbm>>
        %dma_start3A_102 = arith.constant 0 : i32
        %dma_start3A_103 = arith.constant 0 : i32
        %dma_start3A_104 = tpu.memref_slice %arg12[%dma_start3A_102, %dma_start3A_103] : memref<32x128xi32, #tpu.memory_space<vmem>> -> memref<16x128xi32, #tpu.memory_space<vmem>>
        %dma_start3A_105 = arith.constant 0 : i32
        %dma_start3A_106 = tpu.memref_slice %arg5[%add3A_90, %dma_start3A_105] : memref<2560x128xi32, #tpu.memory_space<hbm>> -> memref<16x128xi32, #tpu.memory_space<hbm>>
        tpu.enqueue_dma source(%dma_start3A_106 : memref<16x128xi32, #tpu.memory_space<hbm>>) target(%dma_start3A_104 : memref<16x128xi32, #tpu.memory_space<vmem>>) target_semaphore(%run_scoped3A : memref<!tpu.dma_semaphore, #tpu.memory_space<semaphore_mem>>)
        %dma_wait3A = arith.constant 0 : i32
        %dma_wait3A_107 = arith.constant 0 : i32
        %dma_wait3A_108 = tpu.memref_slice %arg12[%dma_wait3A, %dma_wait3A_107] : memref<32x128xi32, #tpu.memory_space<vmem>> -> memref<16x128xi32, #tpu.memory_space<vmem>>
        %dma_wait3A_109 = arith.constant 0 : i32
        %dma_wait3A_110 = tpu.memref_slice %arg5[%add3A_90, %dma_wait3A_109] : memref<2560x128xi32, #tpu.memory_space<hbm>> -> memref<16x128xi32, #tpu.memory_space<hbm>>
        %dma_wait3A_111 = arith.constant 0 : i32
        %dma_wait3A_112 = arith.constant 0 : i32
        %dma_wait3A_113 = tpu.memref_slice %arg12[%dma_wait3A_111, %dma_wait3A_112] : memref<32x128xi32, #tpu.memory_space<vmem>> -> memref<16x128xi32, #tpu.memory_space<vmem>>
        %dma_wait3A_114 = arith.constant 0 : i32
        %dma_wait3A_115 = tpu.memref_slice %arg5[%add3A_90, %dma_wait3A_114] : memref<2560x128xi32, #tpu.memory_space<hbm>> -> memref<16x128xi32, #tpu.memory_space<hbm>>
        tpu.wait_dma2 semaphore(%run_scoped3A : memref<!tpu.dma_semaphore, #tpu.memory_space<semaphore_mem>>) src(%dma_wait3A_115 : memref<16x128xi32, #tpu.memory_space<hbm>>) dst(%dma_wait3A_113 : memref<16x128xi32, #tpu.memory_space<vmem>>)
        tpu.yield
      }) : () -> ()
      %scan3A = arith.constant 0 : i32
      %scan3A_91 = arith.constant 0 : i32
      %scan3A_92 = arith.constant 8 : i32
      %scan3A_93 = arith.addi %scan3A_91, %scan3A_92 : i32
      %scan3A_94 = arith.constant 1 : i32
      %scan3A_95 = scf.for %scan3A_98 = %scan3A_91 to %scan3A_93 step %scan3A_94 iter_args(%scan3A_99 = %scan3A) -> (i32)  : i32 {
        %mul3A_100 = arith.constant 2 : i32
        %mul3A_101 = arith.muli %mul3A_100, %scan3A_98 : i32
        %add3A_102 = arith.constant 0 : i32
        %add3A_103 = arith.addi %mul3A_101, %add3A_102 : i32
        "tpu.region"() ({
          %run_scoped3A = tpu.sem_alloc : memref<!tpu.dma_semaphore, #tpu.memory_space<semaphore_mem>>
          %dma_start3A = arith.constant 0 : i32
          %dma_start3A_109 = tpu.memref_slice %arg12[%add3A_103, %dma_start3A] : memref<32x128xi32, #tpu.memory_space<vmem>> -> memref<1x128xi32, #tpu.memory_space<vmem>>
          %dma_start3A_110 = tpu.memref_squeeze %dma_start3A_109 : memref<1x128xi32, #tpu.memory_space<vmem>> -> memref<128xi32, #tpu.memory_space<vmem>>
          %dma_start3A_111 = arith.constant 0 : i32
          %dma_start3A_112 = arith.constant 0 : i32
          %dma_start3A_113 = tpu.memref_slice %arg3[%dma_start3A_111, %dma_start3A_112] : memref<10240x16xf32, #tpu.memory_space<hbm>> -> memref<10240x16xf32, #tpu.memory_space<hbm>>
          tpu.enqueue_indirect_dma source(%dma_start3A_113 : memref<10240x16xf32, #tpu.memory_space<hbm>>) target(%arg14 : memref<128x16xf32, #tpu.memory_space<vmem>>) offsets(%dma_start3A_110 : memref<128xi32, #tpu.memory_space<vmem>>) semaphore(%run_scoped3A : memref<!tpu.dma_semaphore, #tpu.memory_space<semaphore_mem>>)
          %dma_wait3A = arith.constant 0 : i32
          %dma_wait3A_114 = tpu.memref_slice %arg12[%add3A_103, %dma_wait3A] : memref<32x128xi32, #tpu.memory_space<vmem>> -> memref<1x128xi32, #tpu.memory_space<vmem>>
          %dma_wait3A_115 = tpu.memref_squeeze %dma_wait3A_114 : memref<1x128xi32, #tpu.memory_space<vmem>> -> memref<128xi32, #tpu.memory_space<vmem>>
          %dma_wait3A_116 = arith.constant 0 : i32
          %dma_wait3A_117 = arith.constant 0 : i32
          %dma_wait3A_118 = tpu.memref_slice %arg3[%dma_wait3A_116, %dma_wait3A_117] : memref<10240x16xf32, #tpu.memory_space<hbm>> -> memref<10240x16xf32, #tpu.memory_space<hbm>>
          tpu.wait_indirect_dma semaphore(%run_scoped3A : memref<!tpu.dma_semaphore, #tpu.memory_space<semaphore_mem>>) src(%dma_wait3A_118 : memref<10240x16xf32, #tpu.memory_space<hbm>>) dst(%arg14 : memref<128x16xf32, #tpu.memory_space<vmem>>)
          tpu.yield
        }) : () -> ()
        %mul3A_104 = arith.constant 2 : i32
        %mul3A_105 = arith.muli %mul3A_104, %scan3A_98 : i32
        %add3A_106 = arith.constant 1 : i32
        %add3A_107 = arith.addi %mul3A_105, %add3A_106 : i32
        "tpu.region"() ({
          %run_scoped3A = tpu.sem_alloc : memref<!tpu.dma_semaphore, #tpu.memory_space<semaphore_mem>>
          %dma_start3A = arith.constant 0 : i32
          %dma_start3A_109 = tpu.memref_slice %arg12[%add3A_107, %dma_start3A] : memref<32x128xi32, #tpu.memory_space<vmem>> -> memref<1x128xi32, #tpu.memory_space<vmem>>
          %dma_start3A_110 = tpu.memref_squeeze %dma_start3A_109 : memref<1x128xi32, #tpu.memory_space<vmem>> -> memref<128xi32, #tpu.memory_space<vmem>>
          %dma_start3A_111 = arith.constant 0 : i32
          %dma_start3A_112 = arith.constant 0 : i32
          %dma_start3A_113 = tpu.memref_slice %arg18[%dma_start3A_111, %dma_start3A_112] : memref<10240x16xf32, #tpu.memory_space<vmem_shared>> -> memref<10240x16xf32, #tpu.memory_space<vmem_shared>>
          tpu.enqueue_indirect_dma source(%arg14 : memref<128x16xf32, #tpu.memory_space<vmem>>) target(%dma_start3A_113 : memref<10240x16xf32, #tpu.memory_space<vmem_shared>>) offsets(%dma_start3A_110 : memref<128xi32, #tpu.memory_space<vmem>>) semaphore(%run_scoped3A : memref<!tpu.dma_semaphore, #tpu.memory_space<semaphore_mem>>) {add = true}
          %dma_wait3A = arith.constant 0 : i32
          %dma_wait3A_114 = tpu.memref_slice %arg12[%add3A_107, %dma_wait3A] : memref<32x128xi32, #tpu.memory_space<vmem>> -> memref<1x128xi32, #tpu.memory_space<vmem>>
          %dma_wait3A_115 = tpu.memref_squeeze %dma_wait3A_114 : memref<1x128xi32, #tpu.memory_space<vmem>> -> memref<128xi32, #tpu.memory_space<vmem>>
          %dma_wait3A_116 = arith.constant 0 : i32
          %dma_wait3A_117 = arith.constant 0 : i32
          %dma_wait3A_118 = tpu.memref_slice %arg18[%dma_wait3A_116, %dma_wait3A_117] : memref<10240x16xf32, #tpu.memory_space<vmem_shared>> -> memref<10240x16xf32, #tpu.memory_space<vmem_shared>>
          tpu.wait_indirect_dma semaphore(%run_scoped3A : memref<!tpu.dma_semaphore, #tpu.memory_space<semaphore_mem>>) src(%arg14 : memref<128x16xf32, #tpu.memory_space<vmem>>) dst(%dma_wait3A_118 : memref<10240x16xf32, #tpu.memory_space<vmem_shared>>)
          tpu.yield
        }) : () -> ()
        %scan3A_108 = arith.constant 0 : i32
        scf.yield %scan3A_108 : i32
      }
      %scan3A_96 = arith.constant 8 : i32
      %while3A_97 = arith.constant 0 : i32
      scf.yield %while3A_97 : i32
    }
    %barrier3A_83 = arith.constant 0 : index
    tpu.barrier barrier_id(%barrier3A_83)
    "tpu.region"() ({
      %run_scoped3A = tpu.sem_alloc : memref<!tpu.dma_semaphore, #tpu.memory_space<semaphore_mem>>
      %dma_start3A = arith.constant 0 : i32
      %dma_start3A_84 = tpu.memref_slice %arg9[%arg0, %mul3A_0, %dma_start3A] : memref<2x10240x128xbf16, #tpu.memory_space<hbm>> -> memref<1x640x128xbf16, #tpu.memory_space<hbm>>
      %dma_start3A_85 = tpu.memref_squeeze %dma_start3A_84 : memref<1x640x128xbf16, #tpu.memory_space<hbm>> -> memref<640x128xbf16, #tpu.memory_space<hbm>>
      %dma_start3A_86 = arith.constant 0 : i32
      %dma_start3A_87 = tpu.memref_slice %arg16[%mul3A_0, %dma_start3A_86] : memref<10240x128xbf16, #tpu.memory_space<vmem_shared>> -> memref<640x128xbf16, #tpu.memory_space<vmem_shared>>
      tpu.enqueue_dma source(%dma_start3A_87 : memref<640x128xbf16, #tpu.memory_space<vmem_shared>>) target(%dma_start3A_85 : memref<640x128xbf16, #tpu.memory_space<hbm>>) target_semaphore(%run_scoped3A : memref<!tpu.dma_semaphore, #tpu.memory_space<semaphore_mem>>)
      %dma_wait3A = arith.constant 0 : i32
      %dma_wait3A_88 = tpu.memref_slice %arg9[%arg0, %mul3A_0, %dma_wait3A] : memref<2x10240x128xbf16, #tpu.memory_space<hbm>> -> memref<1x640x128xbf16, #tpu.memory_space<hbm>>
      %dma_wait3A_89 = tpu.memref_squeeze %dma_wait3A_88 : memref<1x640x128xbf16, #tpu.memory_space<hbm>> -> memref<640x128xbf16, #tpu.memory_space<hbm>>
      %dma_wait3A_90 = arith.constant 0 : i32
      %dma_wait3A_91 = tpu.memref_slice %arg16[%mul3A_0, %dma_wait3A_90] : memref<10240x128xbf16, #tpu.memory_space<vmem_shared>> -> memref<640x128xbf16, #tpu.memory_space<vmem_shared>>
      tpu.wait_dma2 semaphore(%run_scoped3A : memref<!tpu.dma_semaphore, #tpu.memory_space<semaphore_mem>>) src(%dma_wait3A_91 : memref<640x128xbf16, #tpu.memory_space<vmem_shared>>) dst(%dma_wait3A_89 : memref<640x128xbf16, #tpu.memory_space<hbm>>)
      tpu.yield
    }) : () -> ()
    "tpu.region"() ({
      %run_scoped3A = tpu.sem_alloc : memref<!tpu.dma_semaphore, #tpu.memory_space<semaphore_mem>>
      %dma_start3A = arith.constant 0 : i32
      %dma_start3A_84 = tpu.memref_slice %arg10[%arg0, %mul3A_0, %dma_start3A] : memref<2x10240x16xf32, #tpu.memory_space<hbm>> -> memref<1x640x16xf32, #tpu.memory_space<hbm>>
      %dma_start3A_85 = tpu.memref_squeeze %dma_start3A_84 : memref<1x640x16xf32, #tpu.memory_space<hbm>> -> memref<640x16xf32, #tpu.memory_space<hbm>>
      %dma_start3A_86 = arith.constant 0 : i32
      %dma_start3A_87 = tpu.memref_slice %arg17[%mul3A_0, %dma_start3A_86] : memref<10240x16xf32, #tpu.memory_space<vmem_shared>> -> memref<640x16xf32, #tpu.memory_space<vmem_shared>>
      tpu.enqueue_dma source(%dma_start3A_87 : memref<640x16xf32, #tpu.memory_space<vmem_shared>>) target(%dma_start3A_85 : memref<640x16xf32, #tpu.memory_space<hbm>>) target_semaphore(%run_scoped3A : memref<!tpu.dma_semaphore, #tpu.memory_space<semaphore_mem>>)
      %dma_wait3A = arith.constant 0 : i32
      %dma_wait3A_88 = tpu.memref_slice %arg10[%arg0, %mul3A_0, %dma_wait3A] : memref<2x10240x16xf32, #tpu.memory_space<hbm>> -> memref<1x640x16xf32, #tpu.memory_space<hbm>>
      %dma_wait3A_89 = tpu.memref_squeeze %dma_wait3A_88 : memref<1x640x16xf32, #tpu.memory_space<hbm>> -> memref<640x16xf32, #tpu.memory_space<hbm>>
      %dma_wait3A_90 = arith.constant 0 : i32
      %dma_wait3A_91 = tpu.memref_slice %arg17[%mul3A_0, %dma_wait3A_90] : memref<10240x16xf32, #tpu.memory_space<vmem_shared>> -> memref<640x16xf32, #tpu.memory_space<vmem_shared>>
      tpu.wait_dma2 semaphore(%run_scoped3A : memref<!tpu.dma_semaphore, #tpu.memory_space<semaphore_mem>>) src(%dma_wait3A_91 : memref<640x16xf32, #tpu.memory_space<vmem_shared>>) dst(%dma_wait3A_89 : memref<640x16xf32, #tpu.memory_space<hbm>>)
      tpu.yield
    }) : () -> ()
    "tpu.region"() ({
      %run_scoped3A = tpu.sem_alloc : memref<!tpu.dma_semaphore, #tpu.memory_space<semaphore_mem>>
      %dma_start3A = arith.constant 0 : i32
      %dma_start3A_84 = tpu.memref_slice %arg11[%arg0, %mul3A_0, %dma_start3A] : memref<2x10240x16xf32, #tpu.memory_space<hbm>> -> memref<1x640x16xf32, #tpu.memory_space<hbm>>
      %dma_start3A_85 = tpu.memref_squeeze %dma_start3A_84 : memref<1x640x16xf32, #tpu.memory_space<hbm>> -> memref<640x16xf32, #tpu.memory_space<hbm>>
      %dma_start3A_86 = arith.constant 0 : i32
      %dma_start3A_87 = tpu.memref_slice %arg18[%mul3A_0, %dma_start3A_86] : memref<10240x16xf32, #tpu.memory_space<vmem_shared>> -> memref<640x16xf32, #tpu.memory_space<vmem_shared>>
      tpu.enqueue_dma source(%dma_start3A_87 : memref<640x16xf32, #tpu.memory_space<vmem_shared>>) target(%dma_start3A_85 : memref<640x16xf32, #tpu.memory_space<hbm>>) target_semaphore(%run_scoped3A : memref<!tpu.dma_semaphore, #tpu.memory_space<semaphore_mem>>)
      %dma_wait3A = arith.constant 0 : i32
      %dma_wait3A_88 = tpu.memref_slice %arg11[%arg0, %mul3A_0, %dma_wait3A] : memref<2x10240x16xf32, #tpu.memory_space<hbm>> -> memref<1x640x16xf32, #tpu.memory_space<hbm>>
      %dma_wait3A_89 = tpu.memref_squeeze %dma_wait3A_88 : memref<1x640x16xf32, #tpu.memory_space<hbm>> -> memref<640x16xf32, #tpu.memory_space<hbm>>
      %dma_wait3A_90 = arith.constant 0 : i32
      %dma_wait3A_91 = tpu.memref_slice %arg18[%mul3A_0, %dma_wait3A_90] : memref<10240x16xf32, #tpu.memory_space<vmem_shared>> -> memref<640x16xf32, #tpu.memory_space<vmem_shared>>
      tpu.wait_dma2 semaphore(%run_scoped3A : memref<!tpu.dma_semaphore, #tpu.memory_space<semaphore_mem>>) src(%dma_wait3A_91 : memref<640x16xf32, #tpu.memory_space<vmem_shared>>) dst(%dma_wait3A_89 : memref<640x16xf32, #tpu.memory_space<hbm>>)
      tpu.yield
    }) : () -> ()
    return
  }
}

#map = affine_map<(d0, d1) -> (0, 0)>
#map1 = affine_map<(d0, d1) -> (0, 0, 0)>
module attributes {stable_mosaic.version = 14 : i64} {
  func.func @_sc_stage_c(%arg0: i32, %arg1: i32, %arg2: memref<10240x128xbf16, #tpu.memory_space<hbm>>, %arg3: memref<10240x16xf32, #tpu.memory_space<hbm>>, %arg4: memref<5120x128xi32, #tpu.memory_space<hbm>>, %arg5: memref<2560x128xi32, #tpu.memory_space<hbm>>, %arg6: memref<640x128xbf16, #tpu.memory_space<hbm>>, %arg7: memref<640x16xf32, #tpu.memory_space<hbm>>, %arg8: memref<2x10240x128xbf16, #tpu.memory_space<hbm>>, %arg9: memref<2x10240x16xf32, #tpu.memory_space<hbm>>, %arg10: memref<32x128xi32, #tpu.memory_space<vmem>>, %arg11: memref<128x128xbf16, #tpu.memory_space<vmem>>, %arg12: memref<128x16xf32, #tpu.memory_space<vmem>>, %arg13: memref<10240x128xbf16, #tpu.memory_space<vmem_shared>>, %arg14: memref<10240x16xf32, #tpu.memory_space<vmem_shared>>) attributes {dimension_semantics = [#tpu.dimension_semantics<core_parallel>, #tpu.dimension_semantics<subcore_parallel>], iteration_bounds = array<i64: 2, 16>, scalar_prefetch = 0 : i64, scratch_operands = 5 : i64, tpu.core_type = #tpu.core_type<sc_vector_subcore>, window_params = [{transform_indices = #map}, {transform_indices = #map}, {transform_indices = #map}, {transform_indices = #map}, {transform_indices = #map}, {transform_indices = #map}, {transform_indices = #map1}, {transform_indices = #map1}]} {
    %mul3A = arith.constant 640 : i32
    %mul3A_0 = arith.muli %arg1, %mul3A : i32
    "tpu.region"() ({
      %run_scoped3A = tpu.sem_alloc : memref<!tpu.dma_semaphore, #tpu.memory_space<semaphore_mem>>
      %dma_start3A = arith.constant 0 : i32
      %dma_start3A_84 = tpu.memref_slice %arg13[%mul3A_0, %dma_start3A] : memref<10240x128xbf16, #tpu.memory_space<vmem_shared>> -> memref<640x128xbf16, #tpu.memory_space<vmem_shared>>
      tpu.enqueue_dma source(%arg6 : memref<640x128xbf16, #tpu.memory_space<hbm>>) target(%dma_start3A_84 : memref<640x128xbf16, #tpu.memory_space<vmem_shared>>) target_semaphore(%run_scoped3A : memref<!tpu.dma_semaphore, #tpu.memory_space<semaphore_mem>>)
      %dma_wait3A = arith.constant 0 : i32
      %dma_wait3A_85 = tpu.memref_slice %arg13[%mul3A_0, %dma_wait3A] : memref<10240x128xbf16, #tpu.memory_space<vmem_shared>> -> memref<640x128xbf16, #tpu.memory_space<vmem_shared>>
      tpu.wait_dma2 semaphore(%run_scoped3A : memref<!tpu.dma_semaphore, #tpu.memory_space<semaphore_mem>>) src(%arg6 : memref<640x128xbf16, #tpu.memory_space<hbm>>) dst(%dma_wait3A_85 : memref<640x128xbf16, #tpu.memory_space<vmem_shared>>)
      tpu.yield
    }) : () -> ()
    "tpu.region"() ({
      %run_scoped3A = tpu.sem_alloc : memref<!tpu.dma_semaphore, #tpu.memory_space<semaphore_mem>>
      %dma_start3A = arith.constant 0 : i32
      %dma_start3A_84 = tpu.memref_slice %arg14[%mul3A_0, %dma_start3A] : memref<10240x16xf32, #tpu.memory_space<vmem_shared>> -> memref<640x16xf32, #tpu.memory_space<vmem_shared>>
      tpu.enqueue_dma source(%arg7 : memref<640x16xf32, #tpu.memory_space<hbm>>) target(%dma_start3A_84 : memref<640x16xf32, #tpu.memory_space<vmem_shared>>) target_semaphore(%run_scoped3A : memref<!tpu.dma_semaphore, #tpu.memory_space<semaphore_mem>>)
      %dma_wait3A = arith.constant 0 : i32
      %dma_wait3A_85 = tpu.memref_slice %arg14[%mul3A_0, %dma_wait3A] : memref<10240x16xf32, #tpu.memory_space<vmem_shared>> -> memref<640x16xf32, #tpu.memory_space<vmem_shared>>
      tpu.wait_dma2 semaphore(%run_scoped3A : memref<!tpu.dma_semaphore, #tpu.memory_space<semaphore_mem>>) src(%arg7 : memref<640x16xf32, #tpu.memory_space<hbm>>) dst(%dma_wait3A_85 : memref<640x16xf32, #tpu.memory_space<vmem_shared>>)
      tpu.yield
    }) : () -> ()
    %barrier3A = arith.constant 0 : index
    tpu.barrier barrier_id(%barrier3A)
    %mul3A_1 = arith.constant -64 : i32
    %mul3A_2 = arith.muli %arg0, %mul3A_1 : i32
    %add3A = arith.constant 112 : i32
    %add3A_3 = arith.addi %add3A, %mul3A_2 : i32
    %mul3A_4 = arith.constant 1792 : i32
    %mul3A_5 = arith.muli %arg0, %mul3A_4 : i32
    %mul3A_6 = arith.muli %arg1, %add3A_3 : i32
    %add3A_7 = arith.addi %mul3A_5, %mul3A_6 : i32
    %mul3A_8 = arith.constant -32 : i32
    %mul3A_9 = arith.muli %arg0, %mul3A_8 : i32
    %add3A_10 = arith.constant 56 : i32
    %add3A_11 = arith.addi %add3A_10, %mul3A_9 : i32
    %mul3A_12 = arith.constant 896 : i32
    %mul3A_13 = arith.muli %arg0, %mul3A_12 : i32
    %mul3A_14 = arith.muli %arg1, %add3A_11 : i32
    %add3A_15 = arith.addi %mul3A_13, %mul3A_14 : i32
    %mul3A_16 = arith.constant 2 : i32
    %mul3A_17 = arith.muli %add3A_15, %mul3A_16 : i32
    %jit3A = arith.constant 8 : i32
    %div3A = arith.divsi %add3A_11, %jit3A : i32
    %sign3A = arith.constant 0 : i32
    %sign3A_18 = arith.cmpi sgt, %add3A_11, %sign3A : i32
    %sign3A_19 = arith.extui %sign3A_18 : i1 to i32
    %sign3A_20 = arith.constant 0 : i32
    %sign3A_21 = arith.cmpi slt, %add3A_11, %sign3A_20 : i32
    %sign3A_22 = arith.extui %sign3A_21 : i1 to i32
    %sign3A_23 = arith.subi %sign3A_19, %sign3A_22 : i32
    %sign3A_24 = arith.constant 0 : i32
    %sign3A_25 = arith.cmpi sgt, %jit3A, %sign3A_24 : i32
    %sign3A_26 = arith.extui %sign3A_25 : i1 to i32
    %sign3A_27 = arith.constant 0 : i32
    %sign3A_28 = arith.cmpi slt, %jit3A, %sign3A_27 : i32
    %sign3A_29 = arith.extui %sign3A_28 : i1 to i32
    %sign3A_30 = arith.subi %sign3A_26, %sign3A_29 : i32
    %ne3A = arith.cmpi ne, %sign3A_23, %sign3A_30 : i32
    %rem3A = arith.remsi %add3A_11, %jit3A : i32
    %ne3A_31 = arith.constant 0 : i32
    %ne3A_32 = arith.cmpi ne, %rem3A, %ne3A_31 : i32
    %and3A = arith.andi %ne3A, %ne3A_32 : i1
    %sub3A = arith.constant 1 : i32
    %sub3A_33 = arith.subi %div3A, %sub3A : i32
    %select_n3A = arith.select %and3A, %sub3A_33, %div3A : i32
    %while3A = arith.constant 0 : i32
    %while3A_34 = arith.constant 0 : i32
    %while3A_35 = arith.subi %select_n3A, %while3A : i32
    %while3A_36 = arith.addi %while3A, %while3A_35 : i32
    %while3A_37 = arith.constant 1 : i32
    %while3A_38 = arith.divsi %while3A_35, %while3A_37 : i32
    %while3A_39 = arith.muli %while3A_38, %while3A_37 : i32
    %while3A_40 = arith.addi %while3A, %while3A_39 : i32
    %while3A_41 = arith.constant 1 : i32
    %while3A_42 = scf.for %while3A_84 = %while3A to %while3A_40 step %while3A_41 iter_args(%while3A_85 = %while3A_34) -> (i32)  : i32 {
      %mul3A_86 = arith.constant 2 : i32
      %mul3A_87 = arith.muli %while3A_84, %mul3A_86 : i32
      %mul3A_88 = arith.constant 8 : i32
      %mul3A_89 = arith.muli %mul3A_87, %mul3A_88 : i32
      %add3A_90 = arith.addi %mul3A_17, %mul3A_89 : i32
      "tpu.region"() ({
        %run_scoped3A = tpu.sem_alloc : memref<!tpu.dma_semaphore, #tpu.memory_space<semaphore_mem>>
        %dma_start3A = arith.constant 0 : i32
        %dma_start3A_98 = arith.constant 0 : i32
        %dma_start3A_99 = tpu.memref_slice %arg10[%dma_start3A, %dma_start3A_98] : memref<32x128xi32, #tpu.memory_space<vmem>> -> memref<16x128xi32, #tpu.memory_space<vmem>>
        %dma_start3A_100 = arith.constant 0 : i32
        %dma_start3A_101 = tpu.memref_slice %arg5[%add3A_90, %dma_start3A_100] : memref<2560x128xi32, #tpu.memory_space<hbm>> -> memref<16x128xi32, #tpu.memory_space<hbm>>
        %dma_start3A_102 = arith.constant 0 : i32
        %dma_start3A_103 = arith.constant 0 : i32
        %dma_start3A_104 = tpu.memref_slice %arg10[%dma_start3A_102, %dma_start3A_103] : memref<32x128xi32, #tpu.memory_space<vmem>> -> memref<16x128xi32, #tpu.memory_space<vmem>>
        %dma_start3A_105 = arith.constant 0 : i32
        %dma_start3A_106 = tpu.memref_slice %arg5[%add3A_90, %dma_start3A_105] : memref<2560x128xi32, #tpu.memory_space<hbm>> -> memref<16x128xi32, #tpu.memory_space<hbm>>
        tpu.enqueue_dma source(%dma_start3A_106 : memref<16x128xi32, #tpu.memory_space<hbm>>) target(%dma_start3A_104 : memref<16x128xi32, #tpu.memory_space<vmem>>) target_semaphore(%run_scoped3A : memref<!tpu.dma_semaphore, #tpu.memory_space<semaphore_mem>>)
        %dma_wait3A = arith.constant 0 : i32
        %dma_wait3A_107 = arith.constant 0 : i32
        %dma_wait3A_108 = tpu.memref_slice %arg10[%dma_wait3A, %dma_wait3A_107] : memref<32x128xi32, #tpu.memory_space<vmem>> -> memref<16x128xi32, #tpu.memory_space<vmem>>
        %dma_wait3A_109 = arith.constant 0 : i32
        %dma_wait3A_110 = tpu.memref_slice %arg5[%add3A_90, %dma_wait3A_109] : memref<2560x128xi32, #tpu.memory_space<hbm>> -> memref<16x128xi32, #tpu.memory_space<hbm>>
        %dma_wait3A_111 = arith.constant 0 : i32
        %dma_wait3A_112 = arith.constant 0 : i32
        %dma_wait3A_113 = tpu.memref_slice %arg10[%dma_wait3A_111, %dma_wait3A_112] : memref<32x128xi32, #tpu.memory_space<vmem>> -> memref<16x128xi32, #tpu.memory_space<vmem>>
        %dma_wait3A_114 = arith.constant 0 : i32
        %dma_wait3A_115 = tpu.memref_slice %arg5[%add3A_90, %dma_wait3A_114] : memref<2560x128xi32, #tpu.memory_space<hbm>> -> memref<16x128xi32, #tpu.memory_space<hbm>>
        tpu.wait_dma2 semaphore(%run_scoped3A : memref<!tpu.dma_semaphore, #tpu.memory_space<semaphore_mem>>) src(%dma_wait3A_115 : memref<16x128xi32, #tpu.memory_space<hbm>>) dst(%dma_wait3A_113 : memref<16x128xi32, #tpu.memory_space<vmem>>)
        tpu.yield
      }) : () -> ()
      %scan3A = arith.constant 0 : i32
      %scan3A_91 = arith.constant 0 : i32
      %scan3A_92 = arith.constant 8 : i32
      %scan3A_93 = arith.addi %scan3A_91, %scan3A_92 : i32
      %scan3A_94 = arith.constant 1 : i32
      %scan3A_95 = scf.for %scan3A_98 = %scan3A_91 to %scan3A_93 step %scan3A_94 iter_args(%scan3A_99 = %scan3A) -> (i32)  : i32 {
        %mul3A_100 = arith.constant 2 : i32
        %mul3A_101 = arith.muli %mul3A_100, %scan3A_98 : i32
        %add3A_102 = arith.constant 0 : i32
        %add3A_103 = arith.addi %mul3A_101, %add3A_102 : i32
        "tpu.region"() ({
          %run_scoped3A = tpu.sem_alloc : memref<!tpu.dma_semaphore, #tpu.memory_space<semaphore_mem>>
          %dma_start3A = arith.constant 0 : i32
          %dma_start3A_109 = tpu.memref_slice %arg10[%add3A_103, %dma_start3A] : memref<32x128xi32, #tpu.memory_space<vmem>> -> memref<1x128xi32, #tpu.memory_space<vmem>>
          %dma_start3A_110 = tpu.memref_squeeze %dma_start3A_109 : memref<1x128xi32, #tpu.memory_space<vmem>> -> memref<128xi32, #tpu.memory_space<vmem>>
          %dma_start3A_111 = arith.constant 0 : i32
          %dma_start3A_112 = arith.constant 0 : i32
          %dma_start3A_113 = tpu.memref_slice %arg2[%dma_start3A_111, %dma_start3A_112] : memref<10240x128xbf16, #tpu.memory_space<hbm>> -> memref<10240x128xbf16, #tpu.memory_space<hbm>>
          tpu.enqueue_indirect_dma source(%dma_start3A_113 : memref<10240x128xbf16, #tpu.memory_space<hbm>>) target(%arg11 : memref<128x128xbf16, #tpu.memory_space<vmem>>) offsets(%dma_start3A_110 : memref<128xi32, #tpu.memory_space<vmem>>) semaphore(%run_scoped3A : memref<!tpu.dma_semaphore, #tpu.memory_space<semaphore_mem>>)
          %dma_wait3A = arith.constant 0 : i32
          %dma_wait3A_114 = tpu.memref_slice %arg10[%add3A_103, %dma_wait3A] : memref<32x128xi32, #tpu.memory_space<vmem>> -> memref<1x128xi32, #tpu.memory_space<vmem>>
          %dma_wait3A_115 = tpu.memref_squeeze %dma_wait3A_114 : memref<1x128xi32, #tpu.memory_space<vmem>> -> memref<128xi32, #tpu.memory_space<vmem>>
          %dma_wait3A_116 = arith.constant 0 : i32
          %dma_wait3A_117 = arith.constant 0 : i32
          %dma_wait3A_118 = tpu.memref_slice %arg2[%dma_wait3A_116, %dma_wait3A_117] : memref<10240x128xbf16, #tpu.memory_space<hbm>> -> memref<10240x128xbf16, #tpu.memory_space<hbm>>
          tpu.wait_indirect_dma semaphore(%run_scoped3A : memref<!tpu.dma_semaphore, #tpu.memory_space<semaphore_mem>>) src(%dma_wait3A_118 : memref<10240x128xbf16, #tpu.memory_space<hbm>>) dst(%arg11 : memref<128x128xbf16, #tpu.memory_space<vmem>>)
          tpu.yield
        }) : () -> ()
        %mul3A_104 = arith.constant 2 : i32
        %mul3A_105 = arith.muli %mul3A_104, %scan3A_98 : i32
        %add3A_106 = arith.constant 1 : i32
        %add3A_107 = arith.addi %mul3A_105, %add3A_106 : i32
        "tpu.region"() ({
          %run_scoped3A = tpu.sem_alloc : memref<!tpu.dma_semaphore, #tpu.memory_space<semaphore_mem>>
          %dma_start3A = arith.constant 0 : i32
          %dma_start3A_109 = tpu.memref_slice %arg10[%add3A_107, %dma_start3A] : memref<32x128xi32, #tpu.memory_space<vmem>> -> memref<1x128xi32, #tpu.memory_space<vmem>>
          %dma_start3A_110 = tpu.memref_squeeze %dma_start3A_109 : memref<1x128xi32, #tpu.memory_space<vmem>> -> memref<128xi32, #tpu.memory_space<vmem>>
          %dma_start3A_111 = arith.constant 0 : i32
          %dma_start3A_112 = arith.constant 0 : i32
          %dma_start3A_113 = tpu.memref_slice %arg13[%dma_start3A_111, %dma_start3A_112] : memref<10240x128xbf16, #tpu.memory_space<vmem_shared>> -> memref<10240x128xbf16, #tpu.memory_space<vmem_shared>>
          tpu.enqueue_indirect_dma source(%arg11 : memref<128x128xbf16, #tpu.memory_space<vmem>>) target(%dma_start3A_113 : memref<10240x128xbf16, #tpu.memory_space<vmem_shared>>) offsets(%dma_start3A_110 : memref<128xi32, #tpu.memory_space<vmem>>) semaphore(%run_scoped3A : memref<!tpu.dma_semaphore, #tpu.memory_space<semaphore_mem>>) {add = true}
          %dma_wait3A = arith.constant 0 : i32
          %dma_wait3A_114 = tpu.memref_slice %arg10[%add3A_107, %dma_wait3A] : memref<32x128xi32, #tpu.memory_space<vmem>> -> memref<1x128xi32, #tpu.memory_space<vmem>>
          %dma_wait3A_115 = tpu.memref_squeeze %dma_wait3A_114 : memref<1x128xi32, #tpu.memory_space<vmem>> -> memref<128xi32, #tpu.memory_space<vmem>>
          %dma_wait3A_116 = arith.constant 0 : i32
          %dma_wait3A_117 = arith.constant 0 : i32
          %dma_wait3A_118 = tpu.memref_slice %arg13[%dma_wait3A_116, %dma_wait3A_117] : memref<10240x128xbf16, #tpu.memory_space<vmem_shared>> -> memref<10240x128xbf16, #tpu.memory_space<vmem_shared>>
          tpu.wait_indirect_dma semaphore(%run_scoped3A : memref<!tpu.dma_semaphore, #tpu.memory_space<semaphore_mem>>) src(%arg11 : memref<128x128xbf16, #tpu.memory_space<vmem>>) dst(%dma_wait3A_118 : memref<10240x128xbf16, #tpu.memory_space<vmem_shared>>)
          tpu.yield
        }) : () -> ()
        %scan3A_108 = arith.constant 0 : i32
        scf.yield %scan3A_108 : i32
      }
      %scan3A_96 = arith.constant 8 : i32
      %while3A_97 = arith.constant 0 : i32
      scf.yield %while3A_97 : i32
    }
    %while3A_43 = arith.constant 1 : i32
    %while3A_44 = scf.for %while3A_84 = %while3A_40 to %while3A_36 step %while3A_43 iter_args(%while3A_85 = %while3A_42) -> (i32)  : i32 {
      %mul3A_86 = arith.constant 2 : i32
      %mul3A_87 = arith.muli %while3A_84, %mul3A_86 : i32
      %mul3A_88 = arith.constant 8 : i32
      %mul3A_89 = arith.muli %mul3A_87, %mul3A_88 : i32
      %add3A_90 = arith.addi %mul3A_17, %mul3A_89 : i32
      "tpu.region"() ({
        %run_scoped3A = tpu.sem_alloc : memref<!tpu.dma_semaphore, #tpu.memory_space<semaphore_mem>>
        %dma_start3A = arith.constant 0 : i32
        %dma_start3A_98 = arith.constant 0 : i32
        %dma_start3A_99 = tpu.memref_slice %arg10[%dma_start3A, %dma_start3A_98] : memref<32x128xi32, #tpu.memory_space<vmem>> -> memref<16x128xi32, #tpu.memory_space<vmem>>
        %dma_start3A_100 = arith.constant 0 : i32
        %dma_start3A_101 = tpu.memref_slice %arg5[%add3A_90, %dma_start3A_100] : memref<2560x128xi32, #tpu.memory_space<hbm>> -> memref<16x128xi32, #tpu.memory_space<hbm>>
        %dma_start3A_102 = arith.constant 0 : i32
        %dma_start3A_103 = arith.constant 0 : i32
        %dma_start3A_104 = tpu.memref_slice %arg10[%dma_start3A_102, %dma_start3A_103] : memref<32x128xi32, #tpu.memory_space<vmem>> -> memref<16x128xi32, #tpu.memory_space<vmem>>
        %dma_start3A_105 = arith.constant 0 : i32
        %dma_start3A_106 = tpu.memref_slice %arg5[%add3A_90, %dma_start3A_105] : memref<2560x128xi32, #tpu.memory_space<hbm>> -> memref<16x128xi32, #tpu.memory_space<hbm>>
        tpu.enqueue_dma source(%dma_start3A_106 : memref<16x128xi32, #tpu.memory_space<hbm>>) target(%dma_start3A_104 : memref<16x128xi32, #tpu.memory_space<vmem>>) target_semaphore(%run_scoped3A : memref<!tpu.dma_semaphore, #tpu.memory_space<semaphore_mem>>)
        %dma_wait3A = arith.constant 0 : i32
        %dma_wait3A_107 = arith.constant 0 : i32
        %dma_wait3A_108 = tpu.memref_slice %arg10[%dma_wait3A, %dma_wait3A_107] : memref<32x128xi32, #tpu.memory_space<vmem>> -> memref<16x128xi32, #tpu.memory_space<vmem>>
        %dma_wait3A_109 = arith.constant 0 : i32
        %dma_wait3A_110 = tpu.memref_slice %arg5[%add3A_90, %dma_wait3A_109] : memref<2560x128xi32, #tpu.memory_space<hbm>> -> memref<16x128xi32, #tpu.memory_space<hbm>>
        %dma_wait3A_111 = arith.constant 0 : i32
        %dma_wait3A_112 = arith.constant 0 : i32
        %dma_wait3A_113 = tpu.memref_slice %arg10[%dma_wait3A_111, %dma_wait3A_112] : memref<32x128xi32, #tpu.memory_space<vmem>> -> memref<16x128xi32, #tpu.memory_space<vmem>>
        %dma_wait3A_114 = arith.constant 0 : i32
        %dma_wait3A_115 = tpu.memref_slice %arg5[%add3A_90, %dma_wait3A_114] : memref<2560x128xi32, #tpu.memory_space<hbm>> -> memref<16x128xi32, #tpu.memory_space<hbm>>
        tpu.wait_dma2 semaphore(%run_scoped3A : memref<!tpu.dma_semaphore, #tpu.memory_space<semaphore_mem>>) src(%dma_wait3A_115 : memref<16x128xi32, #tpu.memory_space<hbm>>) dst(%dma_wait3A_113 : memref<16x128xi32, #tpu.memory_space<vmem>>)
        tpu.yield
      }) : () -> ()
      %scan3A = arith.constant 0 : i32
      %scan3A_91 = arith.constant 0 : i32
      %scan3A_92 = arith.constant 8 : i32
      %scan3A_93 = arith.addi %scan3A_91, %scan3A_92 : i32
      %scan3A_94 = arith.constant 1 : i32
      %scan3A_95 = scf.for %scan3A_98 = %scan3A_91 to %scan3A_93 step %scan3A_94 iter_args(%scan3A_99 = %scan3A) -> (i32)  : i32 {
        %mul3A_100 = arith.constant 2 : i32
        %mul3A_101 = arith.muli %mul3A_100, %scan3A_98 : i32
        %add3A_102 = arith.constant 0 : i32
        %add3A_103 = arith.addi %mul3A_101, %add3A_102 : i32
        "tpu.region"() ({
          %run_scoped3A = tpu.sem_alloc : memref<!tpu.dma_semaphore, #tpu.memory_space<semaphore_mem>>
          %dma_start3A = arith.constant 0 : i32
          %dma_start3A_109 = tpu.memref_slice %arg10[%add3A_103, %dma_start3A] : memref<32x128xi32, #tpu.memory_space<vmem>> -> memref<1x128xi32, #tpu.memory_space<vmem>>
          %dma_start3A_110 = tpu.memref_squeeze %dma_start3A_109 : memref<1x128xi32, #tpu.memory_space<vmem>> -> memref<128xi32, #tpu.memory_space<vmem>>
          %dma_start3A_111 = arith.constant 0 : i32
          %dma_start3A_112 = arith.constant 0 : i32
          %dma_start3A_113 = tpu.memref_slice %arg2[%dma_start3A_111, %dma_start3A_112] : memref<10240x128xbf16, #tpu.memory_space<hbm>> -> memref<10240x128xbf16, #tpu.memory_space<hbm>>
          tpu.enqueue_indirect_dma source(%dma_start3A_113 : memref<10240x128xbf16, #tpu.memory_space<hbm>>) target(%arg11 : memref<128x128xbf16, #tpu.memory_space<vmem>>) offsets(%dma_start3A_110 : memref<128xi32, #tpu.memory_space<vmem>>) semaphore(%run_scoped3A : memref<!tpu.dma_semaphore, #tpu.memory_space<semaphore_mem>>)
          %dma_wait3A = arith.constant 0 : i32
          %dma_wait3A_114 = tpu.memref_slice %arg10[%add3A_103, %dma_wait3A] : memref<32x128xi32, #tpu.memory_space<vmem>> -> memref<1x128xi32, #tpu.memory_space<vmem>>
          %dma_wait3A_115 = tpu.memref_squeeze %dma_wait3A_114 : memref<1x128xi32, #tpu.memory_space<vmem>> -> memref<128xi32, #tpu.memory_space<vmem>>
          %dma_wait3A_116 = arith.constant 0 : i32
          %dma_wait3A_117 = arith.constant 0 : i32
          %dma_wait3A_118 = tpu.memref_slice %arg2[%dma_wait3A_116, %dma_wait3A_117] : memref<10240x128xbf16, #tpu.memory_space<hbm>> -> memref<10240x128xbf16, #tpu.memory_space<hbm>>
          tpu.wait_indirect_dma semaphore(%run_scoped3A : memref<!tpu.dma_semaphore, #tpu.memory_space<semaphore_mem>>) src(%dma_wait3A_118 : memref<10240x128xbf16, #tpu.memory_space<hbm>>) dst(%arg11 : memref<128x128xbf16, #tpu.memory_space<vmem>>)
          tpu.yield
        }) : () -> ()
        %mul3A_104 = arith.constant 2 : i32
        %mul3A_105 = arith.muli %mul3A_104, %scan3A_98 : i32
        %add3A_106 = arith.constant 1 : i32
        %add3A_107 = arith.addi %mul3A_105, %add3A_106 : i32
        "tpu.region"() ({
          %run_scoped3A = tpu.sem_alloc : memref<!tpu.dma_semaphore, #tpu.memory_space<semaphore_mem>>
          %dma_start3A = arith.constant 0 : i32
          %dma_start3A_109 = tpu.memref_slice %arg10[%add3A_107, %dma_start3A] : memref<32x128xi32, #tpu.memory_space<vmem>> -> memref<1x128xi32, #tpu.memory_space<vmem>>
          %dma_start3A_110 = tpu.memref_squeeze %dma_start3A_109 : memref<1x128xi32, #tpu.memory_space<vmem>> -> memref<128xi32, #tpu.memory_space<vmem>>
          %dma_start3A_111 = arith.constant 0 : i32
          %dma_start3A_112 = arith.constant 0 : i32
          %dma_start3A_113 = tpu.memref_slice %arg13[%dma_start3A_111, %dma_start3A_112] : memref<10240x128xbf16, #tpu.memory_space<vmem_shared>> -> memref<10240x128xbf16, #tpu.memory_space<vmem_shared>>
          tpu.enqueue_indirect_dma source(%arg11 : memref<128x128xbf16, #tpu.memory_space<vmem>>) target(%dma_start3A_113 : memref<10240x128xbf16, #tpu.memory_space<vmem_shared>>) offsets(%dma_start3A_110 : memref<128xi32, #tpu.memory_space<vmem>>) semaphore(%run_scoped3A : memref<!tpu.dma_semaphore, #tpu.memory_space<semaphore_mem>>) {add = true}
          %dma_wait3A = arith.constant 0 : i32
          %dma_wait3A_114 = tpu.memref_slice %arg10[%add3A_107, %dma_wait3A] : memref<32x128xi32, #tpu.memory_space<vmem>> -> memref<1x128xi32, #tpu.memory_space<vmem>>
          %dma_wait3A_115 = tpu.memref_squeeze %dma_wait3A_114 : memref<1x128xi32, #tpu.memory_space<vmem>> -> memref<128xi32, #tpu.memory_space<vmem>>
          %dma_wait3A_116 = arith.constant 0 : i32
          %dma_wait3A_117 = arith.constant 0 : i32
          %dma_wait3A_118 = tpu.memref_slice %arg13[%dma_wait3A_116, %dma_wait3A_117] : memref<10240x128xbf16, #tpu.memory_space<vmem_shared>> -> memref<10240x128xbf16, #tpu.memory_space<vmem_shared>>
          tpu.wait_indirect_dma semaphore(%run_scoped3A : memref<!tpu.dma_semaphore, #tpu.memory_space<semaphore_mem>>) src(%arg11 : memref<128x128xbf16, #tpu.memory_space<vmem>>) dst(%dma_wait3A_118 : memref<10240x128xbf16, #tpu.memory_space<vmem_shared>>)
          tpu.yield
        }) : () -> ()
        %scan3A_108 = arith.constant 0 : i32
        scf.yield %scan3A_108 : i32
      }
      %scan3A_96 = arith.constant 8 : i32
      %while3A_97 = arith.constant 0 : i32
      scf.yield %while3A_97 : i32
    }
    %mul3A_45 = arith.constant 2 : i32
    %mul3A_46 = arith.muli %add3A_7, %mul3A_45 : i32
    %jit3A_47 = arith.constant 16 : i32
    %div3A_48 = arith.divsi %add3A_3, %jit3A_47 : i32
    %sign3A_49 = arith.constant 0 : i32
    %sign3A_50 = arith.cmpi sgt, %add3A_3, %sign3A_49 : i32
    %sign3A_51 = arith.extui %sign3A_50 : i1 to i32
    %sign3A_52 = arith.constant 0 : i32
    %sign3A_53 = arith.cmpi slt, %add3A_3, %sign3A_52 : i32
    %sign3A_54 = arith.extui %sign3A_53 : i1 to i32
    %sign3A_55 = arith.subi %sign3A_51, %sign3A_54 : i32
    %sign3A_56 = arith.constant 0 : i32
    %sign3A_57 = arith.cmpi sgt, %jit3A_47, %sign3A_56 : i32
    %sign3A_58 = arith.extui %sign3A_57 : i1 to i32
    %sign3A_59 = arith.constant 0 : i32
    %sign3A_60 = arith.cmpi slt, %jit3A_47, %sign3A_59 : i32
    %sign3A_61 = arith.extui %sign3A_60 : i1 to i32
    %sign3A_62 = arith.subi %sign3A_58, %sign3A_61 : i32
    %ne3A_63 = arith.cmpi ne, %sign3A_55, %sign3A_62 : i32
    %rem3A_64 = arith.remsi %add3A_3, %jit3A_47 : i32
    %ne3A_65 = arith.constant 0 : i32
    %ne3A_66 = arith.cmpi ne, %rem3A_64, %ne3A_65 : i32
    %and3A_67 = arith.andi %ne3A_63, %ne3A_66 : i1
    %sub3A_68 = arith.constant 1 : i32
    %sub3A_69 = arith.subi %div3A_48, %sub3A_68 : i32
    %select_n3A_70 = arith.select %and3A_67, %sub3A_69, %div3A_48 : i32
    %while3A_71 = arith.constant 0 : i32
    %while3A_72 = arith.constant 0 : i32
    %while3A_73 = arith.subi %select_n3A_70, %while3A_71 : i32
    %while3A_74 = arith.addi %while3A_71, %while3A_73 : i32
    %while3A_75 = arith.constant 1 : i32
    %while3A_76 = arith.divsi %while3A_73, %while3A_75 : i32
    %while3A_77 = arith.muli %while3A_76, %while3A_75 : i32
    %while3A_78 = arith.addi %while3A_71, %while3A_77 : i32
    %while3A_79 = arith.constant 1 : i32
    %while3A_80 = scf.for %while3A_84 = %while3A_71 to %while3A_78 step %while3A_79 iter_args(%while3A_85 = %while3A_72) -> (i32)  : i32 {
      %mul3A_86 = arith.constant 2 : i32
      %mul3A_87 = arith.muli %while3A_84, %mul3A_86 : i32
      %mul3A_88 = arith.constant 16 : i32
      %mul3A_89 = arith.muli %mul3A_87, %mul3A_88 : i32
      %add3A_90 = arith.addi %mul3A_46, %mul3A_89 : i32
      "tpu.region"() ({
        %run_scoped3A = tpu.sem_alloc : memref<!tpu.dma_semaphore, #tpu.memory_space<semaphore_mem>>
        %dma_start3A = arith.constant 0 : i32
        %dma_start3A_98 = arith.constant 0 : i32
        %dma_start3A_99 = tpu.memref_slice %arg10[%dma_start3A, %dma_start3A_98] : memref<32x128xi32, #tpu.memory_space<vmem>> -> memref<32x128xi32, #tpu.memory_space<vmem>>
        %dma_start3A_100 = arith.constant 0 : i32
        %dma_start3A_101 = tpu.memref_slice %arg4[%add3A_90, %dma_start3A_100] : memref<5120x128xi32, #tpu.memory_space<hbm>> -> memref<32x128xi32, #tpu.memory_space<hbm>>
        %dma_start3A_102 = arith.constant 0 : i32
        %dma_start3A_103 = arith.constant 0 : i32
        %dma_start3A_104 = tpu.memref_slice %arg10[%dma_start3A_102, %dma_start3A_103] : memref<32x128xi32, #tpu.memory_space<vmem>> -> memref<32x128xi32, #tpu.memory_space<vmem>>
        %dma_start3A_105 = arith.constant 0 : i32
        %dma_start3A_106 = tpu.memref_slice %arg4[%add3A_90, %dma_start3A_105] : memref<5120x128xi32, #tpu.memory_space<hbm>> -> memref<32x128xi32, #tpu.memory_space<hbm>>
        tpu.enqueue_dma source(%dma_start3A_106 : memref<32x128xi32, #tpu.memory_space<hbm>>) target(%dma_start3A_104 : memref<32x128xi32, #tpu.memory_space<vmem>>) target_semaphore(%run_scoped3A : memref<!tpu.dma_semaphore, #tpu.memory_space<semaphore_mem>>)
        %dma_wait3A = arith.constant 0 : i32
        %dma_wait3A_107 = arith.constant 0 : i32
        %dma_wait3A_108 = tpu.memref_slice %arg10[%dma_wait3A, %dma_wait3A_107] : memref<32x128xi32, #tpu.memory_space<vmem>> -> memref<32x128xi32, #tpu.memory_space<vmem>>
        %dma_wait3A_109 = arith.constant 0 : i32
        %dma_wait3A_110 = tpu.memref_slice %arg4[%add3A_90, %dma_wait3A_109] : memref<5120x128xi32, #tpu.memory_space<hbm>> -> memref<32x128xi32, #tpu.memory_space<hbm>>
        %dma_wait3A_111 = arith.constant 0 : i32
        %dma_wait3A_112 = arith.constant 0 : i32
        %dma_wait3A_113 = tpu.memref_slice %arg10[%dma_wait3A_111, %dma_wait3A_112] : memref<32x128xi32, #tpu.memory_space<vmem>> -> memref<32x128xi32, #tpu.memory_space<vmem>>
        %dma_wait3A_114 = arith.constant 0 : i32
        %dma_wait3A_115 = tpu.memref_slice %arg4[%add3A_90, %dma_wait3A_114] : memref<5120x128xi32, #tpu.memory_space<hbm>> -> memref<32x128xi32, #tpu.memory_space<hbm>>
        tpu.wait_dma2 semaphore(%run_scoped3A : memref<!tpu.dma_semaphore, #tpu.memory_space<semaphore_mem>>) src(%dma_wait3A_115 : memref<32x128xi32, #tpu.memory_space<hbm>>) dst(%dma_wait3A_113 : memref<32x128xi32, #tpu.memory_space<vmem>>)
        tpu.yield
      }) : () -> ()
      %scan3A = arith.constant 0 : i32
      %scan3A_91 = arith.constant 0 : i32
      %scan3A_92 = arith.constant 16 : i32
      %scan3A_93 = arith.addi %scan3A_91, %scan3A_92 : i32
      %scan3A_94 = arith.constant 1 : i32
      %scan3A_95 = scf.for %scan3A_98 = %scan3A_91 to %scan3A_93 step %scan3A_94 iter_args(%scan3A_99 = %scan3A) -> (i32)  : i32 {
        %mul3A_100 = arith.constant 2 : i32
        %mul3A_101 = arith.muli %mul3A_100, %scan3A_98 : i32
        %add3A_102 = arith.constant 1 : i32
        %add3A_103 = arith.addi %mul3A_101, %add3A_102 : i32
        "tpu.region"() ({
          %run_scoped3A = tpu.sem_alloc : memref<!tpu.dma_semaphore, #tpu.memory_space<semaphore_mem>>
          %dma_start3A = arith.constant 0 : i32
          %dma_start3A_109 = tpu.memref_slice %arg10[%add3A_103, %dma_start3A] : memref<32x128xi32, #tpu.memory_space<vmem>> -> memref<1x128xi32, #tpu.memory_space<vmem>>
          %dma_start3A_110 = tpu.memref_squeeze %dma_start3A_109 : memref<1x128xi32, #tpu.memory_space<vmem>> -> memref<128xi32, #tpu.memory_space<vmem>>
          %dma_start3A_111 = arith.constant 0 : i32
          %dma_start3A_112 = arith.constant 0 : i32
          %dma_start3A_113 = tpu.memref_slice %arg3[%dma_start3A_111, %dma_start3A_112] : memref<10240x16xf32, #tpu.memory_space<hbm>> -> memref<10240x16xf32, #tpu.memory_space<hbm>>
          tpu.enqueue_indirect_dma source(%dma_start3A_113 : memref<10240x16xf32, #tpu.memory_space<hbm>>) target(%arg12 : memref<128x16xf32, #tpu.memory_space<vmem>>) offsets(%dma_start3A_110 : memref<128xi32, #tpu.memory_space<vmem>>) semaphore(%run_scoped3A : memref<!tpu.dma_semaphore, #tpu.memory_space<semaphore_mem>>)
          %dma_wait3A = arith.constant 0 : i32
          %dma_wait3A_114 = tpu.memref_slice %arg10[%add3A_103, %dma_wait3A] : memref<32x128xi32, #tpu.memory_space<vmem>> -> memref<1x128xi32, #tpu.memory_space<vmem>>
          %dma_wait3A_115 = tpu.memref_squeeze %dma_wait3A_114 : memref<1x128xi32, #tpu.memory_space<vmem>> -> memref<128xi32, #tpu.memory_space<vmem>>
          %dma_wait3A_116 = arith.constant 0 : i32
          %dma_wait3A_117 = arith.constant 0 : i32
          %dma_wait3A_118 = tpu.memref_slice %arg3[%dma_wait3A_116, %dma_wait3A_117] : memref<10240x16xf32, #tpu.memory_space<hbm>> -> memref<10240x16xf32, #tpu.memory_space<hbm>>
          tpu.wait_indirect_dma semaphore(%run_scoped3A : memref<!tpu.dma_semaphore, #tpu.memory_space<semaphore_mem>>) src(%dma_wait3A_118 : memref<10240x16xf32, #tpu.memory_space<hbm>>) dst(%arg12 : memref<128x16xf32, #tpu.memory_space<vmem>>)
          tpu.yield
        }) : () -> ()
        %mul3A_104 = arith.constant 2 : i32
        %mul3A_105 = arith.muli %mul3A_104, %scan3A_98 : i32
        %add3A_106 = arith.constant 0 : i32
        %add3A_107 = arith.addi %mul3A_105, %add3A_106 : i32
        "tpu.region"() ({
          %run_scoped3A = tpu.sem_alloc : memref<!tpu.dma_semaphore, #tpu.memory_space<semaphore_mem>>
          %dma_start3A = arith.constant 0 : i32
          %dma_start3A_109 = tpu.memref_slice %arg10[%add3A_107, %dma_start3A] : memref<32x128xi32, #tpu.memory_space<vmem>> -> memref<1x128xi32, #tpu.memory_space<vmem>>
          %dma_start3A_110 = tpu.memref_squeeze %dma_start3A_109 : memref<1x128xi32, #tpu.memory_space<vmem>> -> memref<128xi32, #tpu.memory_space<vmem>>
          %dma_start3A_111 = arith.constant 0 : i32
          %dma_start3A_112 = arith.constant 0 : i32
          %dma_start3A_113 = tpu.memref_slice %arg14[%dma_start3A_111, %dma_start3A_112] : memref<10240x16xf32, #tpu.memory_space<vmem_shared>> -> memref<10240x16xf32, #tpu.memory_space<vmem_shared>>
          tpu.enqueue_indirect_dma source(%arg12 : memref<128x16xf32, #tpu.memory_space<vmem>>) target(%dma_start3A_113 : memref<10240x16xf32, #tpu.memory_space<vmem_shared>>) offsets(%dma_start3A_110 : memref<128xi32, #tpu.memory_space<vmem>>) semaphore(%run_scoped3A : memref<!tpu.dma_semaphore, #tpu.memory_space<semaphore_mem>>) {add = true}
          %dma_wait3A = arith.constant 0 : i32
          %dma_wait3A_114 = tpu.memref_slice %arg10[%add3A_107, %dma_wait3A] : memref<32x128xi32, #tpu.memory_space<vmem>> -> memref<1x128xi32, #tpu.memory_space<vmem>>
          %dma_wait3A_115 = tpu.memref_squeeze %dma_wait3A_114 : memref<1x128xi32, #tpu.memory_space<vmem>> -> memref<128xi32, #tpu.memory_space<vmem>>
          %dma_wait3A_116 = arith.constant 0 : i32
          %dma_wait3A_117 = arith.constant 0 : i32
          %dma_wait3A_118 = tpu.memref_slice %arg14[%dma_wait3A_116, %dma_wait3A_117] : memref<10240x16xf32, #tpu.memory_space<vmem_shared>> -> memref<10240x16xf32, #tpu.memory_space<vmem_shared>>
          tpu.wait_indirect_dma semaphore(%run_scoped3A : memref<!tpu.dma_semaphore, #tpu.memory_space<semaphore_mem>>) src(%arg12 : memref<128x16xf32, #tpu.memory_space<vmem>>) dst(%dma_wait3A_118 : memref<10240x16xf32, #tpu.memory_space<vmem_shared>>)
          tpu.yield
        }) : () -> ()
        %scan3A_108 = arith.constant 0 : i32
        scf.yield %scan3A_108 : i32
      }
      %scan3A_96 = arith.constant 16 : i32
      %while3A_97 = arith.constant 0 : i32
      scf.yield %while3A_97 : i32
    }
    %while3A_81 = arith.constant 1 : i32
    %while3A_82 = scf.for %while3A_84 = %while3A_78 to %while3A_74 step %while3A_81 iter_args(%while3A_85 = %while3A_80) -> (i32)  : i32 {
      %mul3A_86 = arith.constant 2 : i32
      %mul3A_87 = arith.muli %while3A_84, %mul3A_86 : i32
      %mul3A_88 = arith.constant 16 : i32
      %mul3A_89 = arith.muli %mul3A_87, %mul3A_88 : i32
      %add3A_90 = arith.addi %mul3A_46, %mul3A_89 : i32
      "tpu.region"() ({
        %run_scoped3A = tpu.sem_alloc : memref<!tpu.dma_semaphore, #tpu.memory_space<semaphore_mem>>
        %dma_start3A = arith.constant 0 : i32
        %dma_start3A_98 = arith.constant 0 : i32
        %dma_start3A_99 = tpu.memref_slice %arg10[%dma_start3A, %dma_start3A_98] : memref<32x128xi32, #tpu.memory_space<vmem>> -> memref<32x128xi32, #tpu.memory_space<vmem>>
        %dma_start3A_100 = arith.constant 0 : i32
        %dma_start3A_101 = tpu.memref_slice %arg4[%add3A_90, %dma_start3A_100] : memref<5120x128xi32, #tpu.memory_space<hbm>> -> memref<32x128xi32, #tpu.memory_space<hbm>>
        %dma_start3A_102 = arith.constant 0 : i32
        %dma_start3A_103 = arith.constant 0 : i32
        %dma_start3A_104 = tpu.memref_slice %arg10[%dma_start3A_102, %dma_start3A_103] : memref<32x128xi32, #tpu.memory_space<vmem>> -> memref<32x128xi32, #tpu.memory_space<vmem>>
        %dma_start3A_105 = arith.constant 0 : i32
        %dma_start3A_106 = tpu.memref_slice %arg4[%add3A_90, %dma_start3A_105] : memref<5120x128xi32, #tpu.memory_space<hbm>> -> memref<32x128xi32, #tpu.memory_space<hbm>>
        tpu.enqueue_dma source(%dma_start3A_106 : memref<32x128xi32, #tpu.memory_space<hbm>>) target(%dma_start3A_104 : memref<32x128xi32, #tpu.memory_space<vmem>>) target_semaphore(%run_scoped3A : memref<!tpu.dma_semaphore, #tpu.memory_space<semaphore_mem>>)
        %dma_wait3A = arith.constant 0 : i32
        %dma_wait3A_107 = arith.constant 0 : i32
        %dma_wait3A_108 = tpu.memref_slice %arg10[%dma_wait3A, %dma_wait3A_107] : memref<32x128xi32, #tpu.memory_space<vmem>> -> memref<32x128xi32, #tpu.memory_space<vmem>>
        %dma_wait3A_109 = arith.constant 0 : i32
        %dma_wait3A_110 = tpu.memref_slice %arg4[%add3A_90, %dma_wait3A_109] : memref<5120x128xi32, #tpu.memory_space<hbm>> -> memref<32x128xi32, #tpu.memory_space<hbm>>
        %dma_wait3A_111 = arith.constant 0 : i32
        %dma_wait3A_112 = arith.constant 0 : i32
        %dma_wait3A_113 = tpu.memref_slice %arg10[%dma_wait3A_111, %dma_wait3A_112] : memref<32x128xi32, #tpu.memory_space<vmem>> -> memref<32x128xi32, #tpu.memory_space<vmem>>
        %dma_wait3A_114 = arith.constant 0 : i32
        %dma_wait3A_115 = tpu.memref_slice %arg4[%add3A_90, %dma_wait3A_114] : memref<5120x128xi32, #tpu.memory_space<hbm>> -> memref<32x128xi32, #tpu.memory_space<hbm>>
        tpu.wait_dma2 semaphore(%run_scoped3A : memref<!tpu.dma_semaphore, #tpu.memory_space<semaphore_mem>>) src(%dma_wait3A_115 : memref<32x128xi32, #tpu.memory_space<hbm>>) dst(%dma_wait3A_113 : memref<32x128xi32, #tpu.memory_space<vmem>>)
        tpu.yield
      }) : () -> ()
      %scan3A = arith.constant 0 : i32
      %scan3A_91 = arith.constant 0 : i32
      %scan3A_92 = arith.constant 16 : i32
      %scan3A_93 = arith.addi %scan3A_91, %scan3A_92 : i32
      %scan3A_94 = arith.constant 1 : i32
      %scan3A_95 = scf.for %scan3A_98 = %scan3A_91 to %scan3A_93 step %scan3A_94 iter_args(%scan3A_99 = %scan3A) -> (i32)  : i32 {
        %mul3A_100 = arith.constant 2 : i32
        %mul3A_101 = arith.muli %mul3A_100, %scan3A_98 : i32
        %add3A_102 = arith.constant 1 : i32
        %add3A_103 = arith.addi %mul3A_101, %add3A_102 : i32
        "tpu.region"() ({
          %run_scoped3A = tpu.sem_alloc : memref<!tpu.dma_semaphore, #tpu.memory_space<semaphore_mem>>
          %dma_start3A = arith.constant 0 : i32
          %dma_start3A_109 = tpu.memref_slice %arg10[%add3A_103, %dma_start3A] : memref<32x128xi32, #tpu.memory_space<vmem>> -> memref<1x128xi32, #tpu.memory_space<vmem>>
          %dma_start3A_110 = tpu.memref_squeeze %dma_start3A_109 : memref<1x128xi32, #tpu.memory_space<vmem>> -> memref<128xi32, #tpu.memory_space<vmem>>
          %dma_start3A_111 = arith.constant 0 : i32
          %dma_start3A_112 = arith.constant 0 : i32
          %dma_start3A_113 = tpu.memref_slice %arg3[%dma_start3A_111, %dma_start3A_112] : memref<10240x16xf32, #tpu.memory_space<hbm>> -> memref<10240x16xf32, #tpu.memory_space<hbm>>
          tpu.enqueue_indirect_dma source(%dma_start3A_113 : memref<10240x16xf32, #tpu.memory_space<hbm>>) target(%arg12 : memref<128x16xf32, #tpu.memory_space<vmem>>) offsets(%dma_start3A_110 : memref<128xi32, #tpu.memory_space<vmem>>) semaphore(%run_scoped3A : memref<!tpu.dma_semaphore, #tpu.memory_space<semaphore_mem>>)
          %dma_wait3A = arith.constant 0 : i32
          %dma_wait3A_114 = tpu.memref_slice %arg10[%add3A_103, %dma_wait3A] : memref<32x128xi32, #tpu.memory_space<vmem>> -> memref<1x128xi32, #tpu.memory_space<vmem>>
          %dma_wait3A_115 = tpu.memref_squeeze %dma_wait3A_114 : memref<1x128xi32, #tpu.memory_space<vmem>> -> memref<128xi32, #tpu.memory_space<vmem>>
          %dma_wait3A_116 = arith.constant 0 : i32
          %dma_wait3A_117 = arith.constant 0 : i32
          %dma_wait3A_118 = tpu.memref_slice %arg3[%dma_wait3A_116, %dma_wait3A_117] : memref<10240x16xf32, #tpu.memory_space<hbm>> -> memref<10240x16xf32, #tpu.memory_space<hbm>>
          tpu.wait_indirect_dma semaphore(%run_scoped3A : memref<!tpu.dma_semaphore, #tpu.memory_space<semaphore_mem>>) src(%dma_wait3A_118 : memref<10240x16xf32, #tpu.memory_space<hbm>>) dst(%arg12 : memref<128x16xf32, #tpu.memory_space<vmem>>)
          tpu.yield
        }) : () -> ()
        %mul3A_104 = arith.constant 2 : i32
        %mul3A_105 = arith.muli %mul3A_104, %scan3A_98 : i32
        %add3A_106 = arith.constant 0 : i32
        %add3A_107 = arith.addi %mul3A_105, %add3A_106 : i32
        "tpu.region"() ({
          %run_scoped3A = tpu.sem_alloc : memref<!tpu.dma_semaphore, #tpu.memory_space<semaphore_mem>>
          %dma_start3A = arith.constant 0 : i32
          %dma_start3A_109 = tpu.memref_slice %arg10[%add3A_107, %dma_start3A] : memref<32x128xi32, #tpu.memory_space<vmem>> -> memref<1x128xi32, #tpu.memory_space<vmem>>
          %dma_start3A_110 = tpu.memref_squeeze %dma_start3A_109 : memref<1x128xi32, #tpu.memory_space<vmem>> -> memref<128xi32, #tpu.memory_space<vmem>>
          %dma_start3A_111 = arith.constant 0 : i32
          %dma_start3A_112 = arith.constant 0 : i32
          %dma_start3A_113 = tpu.memref_slice %arg14[%dma_start3A_111, %dma_start3A_112] : memref<10240x16xf32, #tpu.memory_space<vmem_shared>> -> memref<10240x16xf32, #tpu.memory_space<vmem_shared>>
          tpu.enqueue_indirect_dma source(%arg12 : memref<128x16xf32, #tpu.memory_space<vmem>>) target(%dma_start3A_113 : memref<10240x16xf32, #tpu.memory_space<vmem_shared>>) offsets(%dma_start3A_110 : memref<128xi32, #tpu.memory_space<vmem>>) semaphore(%run_scoped3A : memref<!tpu.dma_semaphore, #tpu.memory_space<semaphore_mem>>) {add = true}
          %dma_wait3A = arith.constant 0 : i32
          %dma_wait3A_114 = tpu.memref_slice %arg10[%add3A_107, %dma_wait3A] : memref<32x128xi32, #tpu.memory_space<vmem>> -> memref<1x128xi32, #tpu.memory_space<vmem>>
          %dma_wait3A_115 = tpu.memref_squeeze %dma_wait3A_114 : memref<1x128xi32, #tpu.memory_space<vmem>> -> memref<128xi32, #tpu.memory_space<vmem>>
          %dma_wait3A_116 = arith.constant 0 : i32
          %dma_wait3A_117 = arith.constant 0 : i32
          %dma_wait3A_118 = tpu.memref_slice %arg14[%dma_wait3A_116, %dma_wait3A_117] : memref<10240x16xf32, #tpu.memory_space<vmem_shared>> -> memref<10240x16xf32, #tpu.memory_space<vmem_shared>>
          tpu.wait_indirect_dma semaphore(%run_scoped3A : memref<!tpu.dma_semaphore, #tpu.memory_space<semaphore_mem>>) src(%arg12 : memref<128x16xf32, #tpu.memory_space<vmem>>) dst(%dma_wait3A_118 : memref<10240x16xf32, #tpu.memory_space<vmem_shared>>)
          tpu.yield
        }) : () -> ()
        %scan3A_108 = arith.constant 0 : i32
        scf.yield %scan3A_108 : i32
      }
      %scan3A_96 = arith.constant 16 : i32
      %while3A_97 = arith.constant 0 : i32
      scf.yield %while3A_97 : i32
    }
    %barrier3A_83 = arith.constant 0 : index
    tpu.barrier barrier_id(%barrier3A_83)
    "tpu.region"() ({
      %run_scoped3A = tpu.sem_alloc : memref<!tpu.dma_semaphore, #tpu.memory_space<semaphore_mem>>
      %dma_start3A = arith.constant 0 : i32
      %dma_start3A_84 = tpu.memref_slice %arg8[%arg0, %mul3A_0, %dma_start3A] : memref<2x10240x128xbf16, #tpu.memory_space<hbm>> -> memref<1x640x128xbf16, #tpu.memory_space<hbm>>
      %dma_start3A_85 = tpu.memref_squeeze %dma_start3A_84 : memref<1x640x128xbf16, #tpu.memory_space<hbm>> -> memref<640x128xbf16, #tpu.memory_space<hbm>>
      %dma_start3A_86 = arith.constant 0 : i32
      %dma_start3A_87 = tpu.memref_slice %arg13[%mul3A_0, %dma_start3A_86] : memref<10240x128xbf16, #tpu.memory_space<vmem_shared>> -> memref<640x128xbf16, #tpu.memory_space<vmem_shared>>
      tpu.enqueue_dma source(%dma_start3A_87 : memref<640x128xbf16, #tpu.memory_space<vmem_shared>>) target(%dma_start3A_85 : memref<640x128xbf16, #tpu.memory_space<hbm>>) target_semaphore(%run_scoped3A : memref<!tpu.dma_semaphore, #tpu.memory_space<semaphore_mem>>)
      %dma_wait3A = arith.constant 0 : i32
      %dma_wait3A_88 = tpu.memref_slice %arg8[%arg0, %mul3A_0, %dma_wait3A] : memref<2x10240x128xbf16, #tpu.memory_space<hbm>> -> memref<1x640x128xbf16, #tpu.memory_space<hbm>>
      %dma_wait3A_89 = tpu.memref_squeeze %dma_wait3A_88 : memref<1x640x128xbf16, #tpu.memory_space<hbm>> -> memref<640x128xbf16, #tpu.memory_space<hbm>>
      %dma_wait3A_90 = arith.constant 0 : i32
      %dma_wait3A_91 = tpu.memref_slice %arg13[%mul3A_0, %dma_wait3A_90] : memref<10240x128xbf16, #tpu.memory_space<vmem_shared>> -> memref<640x128xbf16, #tpu.memory_space<vmem_shared>>
      tpu.wait_dma2 semaphore(%run_scoped3A : memref<!tpu.dma_semaphore, #tpu.memory_space<semaphore_mem>>) src(%dma_wait3A_91 : memref<640x128xbf16, #tpu.memory_space<vmem_shared>>) dst(%dma_wait3A_89 : memref<640x128xbf16, #tpu.memory_space<hbm>>)
      tpu.yield
    }) : () -> ()
    "tpu.region"() ({
      %run_scoped3A = tpu.sem_alloc : memref<!tpu.dma_semaphore, #tpu.memory_space<semaphore_mem>>
      %dma_start3A = arith.constant 0 : i32
      %dma_start3A_84 = tpu.memref_slice %arg9[%arg0, %mul3A_0, %dma_start3A] : memref<2x10240x16xf32, #tpu.memory_space<hbm>> -> memref<1x640x16xf32, #tpu.memory_space<hbm>>
      %dma_start3A_85 = tpu.memref_squeeze %dma_start3A_84 : memref<1x640x16xf32, #tpu.memory_space<hbm>> -> memref<640x16xf32, #tpu.memory_space<hbm>>
      %dma_start3A_86 = arith.constant 0 : i32
      %dma_start3A_87 = tpu.memref_slice %arg14[%mul3A_0, %dma_start3A_86] : memref<10240x16xf32, #tpu.memory_space<vmem_shared>> -> memref<640x16xf32, #tpu.memory_space<vmem_shared>>
      tpu.enqueue_dma source(%dma_start3A_87 : memref<640x16xf32, #tpu.memory_space<vmem_shared>>) target(%dma_start3A_85 : memref<640x16xf32, #tpu.memory_space<hbm>>) target_semaphore(%run_scoped3A : memref<!tpu.dma_semaphore, #tpu.memory_space<semaphore_mem>>)
      %dma_wait3A = arith.constant 0 : i32
      %dma_wait3A_88 = tpu.memref_slice %arg9[%arg0, %mul3A_0, %dma_wait3A] : memref<2x10240x16xf32, #tpu.memory_space<hbm>> -> memref<1x640x16xf32, #tpu.memory_space<hbm>>
      %dma_wait3A_89 = tpu.memref_squeeze %dma_wait3A_88 : memref<1x640x16xf32, #tpu.memory_space<hbm>> -> memref<640x16xf32, #tpu.memory_space<hbm>>
      %dma_wait3A_90 = arith.constant 0 : i32
      %dma_wait3A_91 = tpu.memref_slice %arg14[%mul3A_0, %dma_wait3A_90] : memref<10240x16xf32, #tpu.memory_space<vmem_shared>> -> memref<640x16xf32, #tpu.memory_space<vmem_shared>>
      tpu.wait_dma2 semaphore(%run_scoped3A : memref<!tpu.dma_semaphore, #tpu.memory_space<semaphore_mem>>) src(%dma_wait3A_91 : memref<640x16xf32, #tpu.memory_space<vmem_shared>>) dst(%dma_wait3A_89 : memref<640x16xf32, #tpu.memory_space<hbm>>)
      tpu.yield
    }) : () -> ()
    return
  }
}

module attributes {stable_mosaic.version = 14 : i64} {
  func.func @_tc_stage_b(%arg0: i32, %arg1: memref<1280x128xf32, #tpu.memory_space<vmem>>, %arg2: memref<1280x128xbf16, #tpu.memory_space<vmem>>, %arg3: memref<1280x128xbf16, #tpu.memory_space<vmem>>, %arg4: memref<1280x16xf32, #tpu.memory_space<vmem>>, %arg5: memref<1280x16xf32, #tpu.memory_space<vmem>>, %arg6: memref<1280x16xf32, #tpu.memory_space<vmem>>, %arg7: memref<1280x16xf32, #tpu.memory_space<vmem>>, %arg8: memref<1280x16xf32, #tpu.memory_space<vmem>>, %arg9: memref<128x128xf32, #tpu.memory_space<vmem>>, %arg10: memref<16x128xf32, #tpu.memory_space<vmem>>, %arg11: memref<1280x128xf32, #tpu.memory_space<vmem>>, %arg12: memref<1280x128xbf16, #tpu.memory_space<vmem>>, %arg13: memref<1280x16xf32, #tpu.memory_space<vmem>>, %arg14: memref<1280x16xf32, #tpu.memory_space<vmem>>) attributes {dimension_semantics = [#tpu.dimension_semantics<arbitrary>], iteration_bounds = array<i64: 8>, scalar_prefetch = 0 : i64, scratch_operands = 0 : i64, tpu.core_type = #tpu.core_type<tc>, window_params = [{transform_indices = @transform_0, window_bounds = array<i64: 1280, 128>}, {transform_indices = @transform_1, window_bounds = array<i64: 1280, 128>}, {transform_indices = @transform_2, window_bounds = array<i64: 1280, 128>}, {transform_indices = @transform_3, window_bounds = array<i64: 1280, 16>}, {transform_indices = @transform_4, window_bounds = array<i64: 1280, 16>}, {transform_indices = @transform_5, window_bounds = array<i64: 1280, 16>}, {transform_indices = @transform_6, window_bounds = array<i64: 1280, 16>}, {transform_indices = @transform_7, window_bounds = array<i64: 1280, 16>}, {pipeline_mode = #tpu.pipeline_mode<synchronous>, transform_indices = @transform_8, window_bounds = array<i64: 128, 128>}, {pipeline_mode = #tpu.pipeline_mode<synchronous>, transform_indices = @transform_9, window_bounds = array<i64: 16, 128>}, {transform_indices = @transform_10, window_bounds = array<i64: 1280, 128>}, {transform_indices = @transform_11, window_bounds = array<i64: 1280, 128>}, {transform_indices = @transform_12, window_bounds = array<i64: 1280, 16>}, {transform_indices = @transform_13, window_bounds = array<i64: 1280, 16>}]} {
    %iota3A = tpu.iota {dimensions = array<i32: 0>} : vector<1280x1xi32>
    %mul3A = arith.constant 1280 : i32
    %mul3A_0 = arith.muli %arg0, %mul3A : i32
    %add3A = vector.broadcast %mul3A_0 : i32 to vector<1280x1xi32>
    %add3A_1 = arith.addi %iota3A, %add3A : vector<1280x1xi32>
    %lt3A = arith.constant 10000 : i32
    %lt3A_2 = vector.broadcast %lt3A : i32 to vector<1280x1xi32>
    %lt3A_3 = arith.cmpi slt, %add3A_1, %lt3A_2 : vector<1280x1xi32>
    %get3A = arith.constant 0 : index
    %get3A_4 = arith.constant 0 : index
    %get3A_5 = vector.load %arg4[%get3A, %get3A_4] : memref<1280x16xf32, #tpu.memory_space<vmem>>, vector<1280x1xf32>
    %get3A_6 = arith.constant 0 : index
    %get3A_7 = arith.constant 0 : index
    %get3A_8 = vector.load %arg5[%get3A_6, %get3A_7] : memref<1280x16xf32, #tpu.memory_space<vmem>>, vector<1280x1xf32>
    %add3A_9 = arith.addf %get3A_5, %get3A_8 : vector<1280x1xf32>
    %max3A = arith.constant 1.000000e+00 : f32
    %max3A_10 = vector.broadcast %max3A : f32 to vector<1280x1xf32>
    %max3A_11 = arith.maximumf %add3A_9, %max3A_10 : vector<1280x1xf32>
    %div3A = arith.constant 1.000000e+00 : f32
    %div3A_12 = vector.broadcast %div3A : f32 to vector<1280x1xf32>
    %div3A_13 = arith.divf %div3A_12, %max3A_11 : vector<1280x1xf32>
    %jit3A = arith.constant 0.000000e+00 : f32
    %broadcast_in_dim3A = vector.broadcast %jit3A : f32 to vector<1280x1xf32>
    %select_n3A = arith.select %lt3A_3, %div3A_13, %broadcast_in_dim3A : vector<1280x1xi1>, vector<1280x1xf32>
    %get3A_14 = arith.constant 0 : index
    %get3A_15 = arith.constant 0 : index
    %get3A_16 = vector.load %arg2[%get3A_14, %get3A_15] : memref<1280x128xbf16, #tpu.memory_space<vmem>>, vector<1280x128xbf16>
    %convert_element_type3A = arith.extf %get3A_16 : vector<1280x128xbf16> to vector<1280x128xf32>
    %get3A_17 = arith.constant 0 : index
    %get3A_18 = arith.constant 0 : index
    %get3A_19 = vector.load %arg3[%get3A_17, %get3A_18] : memref<1280x128xbf16, #tpu.memory_space<vmem>>, vector<1280x128xbf16>
    %convert_element_type3A_20 = arith.extf %get3A_19 : vector<1280x128xbf16> to vector<1280x128xf32>
    %add3A_21 = arith.addf %convert_element_type3A, %convert_element_type3A_20 : vector<1280x128xf32>
    %mul3A_22 = vector.broadcast %select_n3A : vector<1280x1xf32> to vector<1280x128xf32>
    %mul3A_23 = arith.mulf %add3A_21, %mul3A_22 : vector<1280x128xf32>
    %get3A_24 = arith.constant 0 : index
    %get3A_25 = arith.constant 0 : index
    %get3A_26 = vector.load %arg1[%get3A_24, %get3A_25] : memref<1280x128xf32, #tpu.memory_space<vmem>>, vector<1280x128xf32>
    %add3A_27 = arith.addf %mul3A_23, %get3A_26 : vector<1280x128xf32>
    %get3A_28 = arith.constant 0 : index
    %get3A_29 = arith.constant 0 : index
    %get3A_30 = vector.load %arg9[%get3A_28, %get3A_29] : memref<128x128xf32, #tpu.memory_space<vmem>>, vector<128x128xf32>
    %dot_general3A = arith.constant dense<0.000000e+00> : vector<1280x128xf32>
    %dot_general3A_31 = tpu.matmul %add3A_27, %get3A_30, %dot_general3A {dimension_numbers = #tpu.dot_dimension_numbers<[1], [0], [0], [1], [0, 0, 1, 1], [], []>, transpose_lhs_hint = false} : vector<1280x128xf32>, vector<128x128xf32>, vector<1280x128xf32> -> vector<1280x128xf32>
    %max3A_32 = arith.constant 0.000000e+00 : f32
    %max3A_33 = vector.broadcast %max3A_32 : f32 to vector<1280x128xf32>
    %max3A_34 = arith.maximumf %dot_general3A_31, %max3A_33 : vector<1280x128xf32>
    %jit3A_35 = arith.constant 0.000000e+00 : f32
    %broadcast_in_dim3A_36 = vector.shape_cast %lt3A_3 : vector<1280x1xi1> to vector<1280x1xi1>
    %broadcast_in_dim3A_37 = vector.broadcast %broadcast_in_dim3A_36 : vector<1280x1xi1> to vector<1280x128xi1>
    %broadcast_in_dim3A_38 = vector.broadcast %jit3A_35 : f32 to vector<1280x128xf32>
    %select_n3A_39 = arith.select %broadcast_in_dim3A_37, %max3A_34, %broadcast_in_dim3A_38 : vector<1280x128xi1>, vector<1280x128xf32>
    %swap3A = arith.constant 0 : index
    %swap3A_40 = arith.constant 0 : index
    %swap3A_41 = vector.load %arg11[%swap3A, %swap3A_40] : memref<1280x128xf32, #tpu.memory_space<vmem>>, vector<1280x128xf32>
    tpu.vector_store %arg11[%swap3A, %swap3A_40], %select_n3A_39 {strides = array<i32>} : memref<1280x128xf32, #tpu.memory_space<vmem>>, vector<1280x128xf32>,
    %get3A_42 = arith.constant 0 : index
    %get3A_43 = arith.constant 0 : index
    %get3A_44 = vector.load %arg7[%get3A_42, %get3A_43] : memref<1280x16xf32, #tpu.memory_space<vmem>>, vector<1280x16xf32>
    %get3A_45 = arith.constant 0 : index
    %get3A_46 = arith.constant 0 : index
    %get3A_47 = vector.load %arg8[%get3A_45, %get3A_46] : memref<1280x16xf32, #tpu.memory_space<vmem>>, vector<1280x16xf32>
    %add3A_48 = arith.addf %get3A_44, %get3A_47 : vector<1280x16xf32>
    %slice3A = vector.extract_strided_slice %add3A_48 {offsets = [0, 15], sizes = [1280, 1], strides = [1, 1]} : vector<1280x16xf32> to vector<1280x1xf32>
    %max3A_49 = arith.constant 1.000000e+00 : f32
    %max3A_50 = vector.broadcast %max3A_49 : f32 to vector<1280x1xf32>
    %max3A_51 = arith.maximumf %slice3A, %max3A_50 : vector<1280x1xf32>
    %div3A_52 = arith.constant 1.000000e+00 : f32
    %div3A_53 = vector.broadcast %div3A_52 : f32 to vector<1280x1xf32>
    %div3A_54 = arith.divf %div3A_53, %max3A_51 : vector<1280x1xf32>
    %jit3A_55 = arith.constant 0.000000e+00 : f32
    %broadcast_in_dim3A_56 = vector.broadcast %jit3A_55 : f32 to vector<1280x1xf32>
    %select_n3A_57 = arith.select %lt3A_3, %div3A_54, %broadcast_in_dim3A_56 : vector<1280x1xi1>, vector<1280x1xf32>
    %mul3A_58 = vector.broadcast %select_n3A_57 : vector<1280x1xf32> to vector<1280x16xf32>
    %mul3A_59 = arith.mulf %add3A_48, %mul3A_58 : vector<1280x16xf32>
    %get3A_60 = arith.constant 0 : index
    %get3A_61 = arith.constant 0 : index
    %get3A_62 = vector.load %arg6[%get3A_60, %get3A_61] : memref<1280x16xf32, #tpu.memory_space<vmem>>, vector<1280x16xf32>
    %add3A_63 = arith.addf %mul3A_59, %get3A_62 : vector<1280x16xf32>
    %get3A_64 = arith.constant 0 : index
    %get3A_65 = arith.constant 0 : index
    %get3A_66 = vector.load %arg10[%get3A_64, %get3A_65] : memref<16x128xf32, #tpu.memory_space<vmem>>, vector<16x128xf32>
    %dot_general3A_67 = arith.constant dense<0.000000e+00> : vector<1280x128xf32>
    %dot_general3A_68 = tpu.matmul %add3A_63, %get3A_66, %dot_general3A_67 {dimension_numbers = #tpu.dot_dimension_numbers<[1], [0], [0], [1], [0, 0, 1, 1], [], []>, transpose_lhs_hint = false} : vector<1280x16xf32>, vector<16x128xf32>, vector<1280x128xf32> -> vector<1280x128xf32>
    %max3A_69 = arith.constant 0.000000e+00 : f32
    %max3A_70 = vector.broadcast %max3A_69 : f32 to vector<1280x128xf32>
    %max3A_71 = arith.maximumf %dot_general3A_68, %max3A_70 : vector<1280x128xf32>
    %jit3A_72 = arith.constant 0.000000e+00 : f32
    %broadcast_in_dim3A_73 = vector.shape_cast %lt3A_3 : vector<1280x1xi1> to vector<1280x1xi1>
    %broadcast_in_dim3A_74 = vector.broadcast %broadcast_in_dim3A_73 : vector<1280x1xi1> to vector<1280x128xi1>
    %broadcast_in_dim3A_75 = vector.broadcast %jit3A_72 : f32 to vector<1280x128xf32>
    %select_n3A_76 = arith.select %broadcast_in_dim3A_74, %max3A_71, %broadcast_in_dim3A_75 : vector<1280x128xi1>, vector<1280x128xf32>
    %convert_element_type3A_77 = arith.truncf %select_n3A_76 : vector<1280x128xf32> to vector<1280x128xbf16>
    %swap3A_78 = arith.constant 0 : index
    %swap3A_79 = arith.constant 0 : index
    %swap3A_80 = vector.load %arg12[%swap3A_78, %swap3A_79] : memref<1280x128xbf16, #tpu.memory_space<vmem>>, vector<1280x128xbf16>
    tpu.vector_store %arg12[%swap3A_78, %swap3A_79], %convert_element_type3A_77 {strides = array<i32>} : memref<1280x128xbf16, #tpu.memory_space<vmem>>, vector<1280x128xbf16>,
    %broadcast_in_dim3A_81 = vector.shape_cast %select_n3A : vector<1280x1xf32> to vector<1280x1xf32>
    %broadcast_in_dim3A_82 = vector.broadcast %broadcast_in_dim3A_81 : vector<1280x1xf32> to vector<1280x16xf32>
    %swap3A_83 = arith.constant 0 : index
    %swap3A_84 = arith.constant 0 : index
    %swap3A_85 = vector.load %arg13[%swap3A_83, %swap3A_84] : memref<1280x16xf32, #tpu.memory_space<vmem>>, vector<1280x16xf32>
    tpu.vector_store %arg13[%swap3A_83, %swap3A_84], %broadcast_in_dim3A_82 {strides = array<i32>} : memref<1280x16xf32, #tpu.memory_space<vmem>>, vector<1280x16xf32>,
    %broadcast_in_dim3A_86 = vector.shape_cast %select_n3A_57 : vector<1280x1xf32> to vector<1280x1xf32>
    %broadcast_in_dim3A_87 = vector.broadcast %broadcast_in_dim3A_86 : vector<1280x1xf32> to vector<1280x16xf32>
    %swap3A_88 = arith.constant 0 : index
    %swap3A_89 = arith.constant 0 : index
    %swap3A_90 = vector.load %arg14[%swap3A_88, %swap3A_89] : memref<1280x16xf32, #tpu.memory_space<vmem>>, vector<1280x16xf32>
    tpu.vector_store %arg14[%swap3A_88, %swap3A_89], %broadcast_in_dim3A_87 {strides = array<i32>} : memref<1280x16xf32, #tpu.memory_space<vmem>>, vector<1280x16xf32>,
    return
  }
  func.func @transform_0(%arg0: i32) -> (i32, i32) {
    %c0_i32 = arith.constant 0 : i32
    %c0_i32_0 = arith.constant 0 : i32
    return %arg0, %c0_i32 : i32, i32
  }
  func.func @transform_1(%arg0: i32) -> (i32, i32) {
    %c0_i32 = arith.constant 0 : i32
    %c0_i32_0 = arith.constant 0 : i32
    return %arg0, %c0_i32 : i32, i32
  }
  func.func @transform_2(%arg0: i32) -> (i32, i32) {
    %c0_i32 = arith.constant 0 : i32
    %c0_i32_0 = arith.constant 0 : i32
    return %arg0, %c0_i32 : i32, i32
  }
  func.func @transform_3(%arg0: i32) -> (i32, i32) {
    %c0_i32 = arith.constant 0 : i32
    %c0_i32_0 = arith.constant 0 : i32
    return %arg0, %c0_i32 : i32, i32
  }
  func.func @transform_4(%arg0: i32) -> (i32, i32) {
    %c0_i32 = arith.constant 0 : i32
    %c0_i32_0 = arith.constant 0 : i32
    return %arg0, %c0_i32 : i32, i32
  }
  func.func @transform_5(%arg0: i32) -> (i32, i32) {
    %c0_i32 = arith.constant 0 : i32
    %c0_i32_0 = arith.constant 0 : i32
    return %arg0, %c0_i32 : i32, i32
  }
  func.func @transform_6(%arg0: i32) -> (i32, i32) {
    %c0_i32 = arith.constant 0 : i32
    %c0_i32_0 = arith.constant 0 : i32
    return %arg0, %c0_i32 : i32, i32
  }
  func.func @transform_7(%arg0: i32) -> (i32, i32) {
    %c0_i32 = arith.constant 0 : i32
    %c0_i32_0 = arith.constant 0 : i32
    return %arg0, %c0_i32 : i32, i32
  }
  func.func @transform_8(%arg0: i32) -> (i32, i32) {
    %c0_i32 = arith.constant 0 : i32
    %c0_i32_0 = arith.constant 0 : i32
    %c0_i32_1 = arith.constant 0 : i32
    return %c0_i32, %c0_i32_0 : i32, i32
  }
  func.func @transform_9(%arg0: i32) -> (i32, i32) {
    %c0_i32 = arith.constant 0 : i32
    %c0_i32_0 = arith.constant 0 : i32
    %c0_i32_1 = arith.constant 0 : i32
    return %c0_i32, %c0_i32_0 : i32, i32
  }
  func.func @transform_10(%arg0: i32) -> (i32, i32) {
    %c0_i32 = arith.constant 0 : i32
    %c0_i32_0 = arith.constant 0 : i32
    return %arg0, %c0_i32 : i32, i32
  }
  func.func @transform_11(%arg0: i32) -> (i32, i32) {
    %c0_i32 = arith.constant 0 : i32
    %c0_i32_0 = arith.constant 0 : i32
    return %arg0, %c0_i32 : i32, i32
  }
  func.func @transform_12(%arg0: i32) -> (i32, i32) {
    %c0_i32 = arith.constant 0 : i32
    %c0_i32_0 = arith.constant 0 : i32
    return %arg0, %c0_i32 : i32, i32
  }
  func.func @transform_13(%arg0: i32) -> (i32, i32) {
    %c0_i32 = arith.constant 0 : i32
    %c0_i32_0 = arith.constant 0 : i32
    return %arg0, %c0_i32 : i32, i32
  }
}

module attributes {stable_mosaic.version = 14 : i64} {
  func.func @_tc_stage_d(%arg0: i32, %arg1: memref<1280x128xf32, #tpu.memory_space<vmem>>, %arg2: memref<1280x128xbf16, #tpu.memory_space<vmem>>, %arg3: memref<1280x128xbf16, #tpu.memory_space<vmem>>, %arg4: memref<1280x128xbf16, #tpu.memory_space<vmem>>, %arg5: memref<1280x16xf32, #tpu.memory_space<vmem>>, %arg6: memref<1280x16xf32, #tpu.memory_space<vmem>>, %arg7: memref<1280x16xf32, #tpu.memory_space<vmem>>, %arg8: memref<1280x16xf32, #tpu.memory_space<vmem>>, %arg9: memref<128x128xf32, #tpu.memory_space<vmem>>, %arg10: memref<128x16xf32, #tpu.memory_space<vmem>>, %arg11: memref<1x16xf32, #tpu.memory_space<vmem>>, %arg12: memref<16x128xf32, #tpu.memory_space<vmem>>, %arg13: memref<128x128xf32, #tpu.memory_space<vmem>>, %arg14: memref<128x128xf32, #tpu.memory_space<vmem>>, %arg15: memref<10240x16xf32, #tpu.memory_space<any>>, %arg16: memref<2xi32, #tpu.memory_space<smem>>, %arg17: memref<8x128xf32, #tpu.memory_space<vmem>>, %arg18: memref<8x128xf32, #tpu.memory_space<vmem>>, %arg19: memref<1x16xf32, #tpu.memory_space<vmem>>, %arg20: memref<1x16xf32, #tpu.memory_space<vmem>>, %arg21: memref<!tpu.dma_semaphore, #tpu.memory_space<semaphore_mem>>) attributes {dimension_semantics = [#tpu.dimension_semantics<arbitrary>], iteration_bounds = array<i64: 8>, scalar_prefetch = 0 : i64, scratch_operands = 3 : i64, tpu.core_type = #tpu.core_type<tc>, window_params = [{transform_indices = @transform_0, window_bounds = array<i64: 1280, 128>}, {transform_indices = @transform_1, window_bounds = array<i64: 1280, 128>}, {transform_indices = @transform_2, window_bounds = array<i64: 1280, 128>}, {transform_indices = @transform_3, window_bounds = array<i64: 1280, 128>}, {transform_indices = @transform_4, window_bounds = array<i64: 1280, 16>}, {transform_indices = @transform_5, window_bounds = array<i64: 1280, 16>}, {transform_indices = @transform_6, window_bounds = array<i64: 1280, 16>}, {transform_indices = @transform_7, window_bounds = array<i64: 1280, 16>}, {pipeline_mode = #tpu.pipeline_mode<synchronous>, transform_indices = @transform_8, window_bounds = array<i64: 128, 128>}, {pipeline_mode = #tpu.pipeline_mode<synchronous>, transform_indices = @transform_9, window_bounds = array<i64: 128, 16>}, {pipeline_mode = #tpu.pipeline_mode<synchronous>, transform_indices = @transform_10, window_bounds = array<i64: 1, 16>}, {pipeline_mode = #tpu.pipeline_mode<synchronous>, transform_indices = @transform_11, window_bounds = array<i64: 16, 128>}, {pipeline_mode = #tpu.pipeline_mode<synchronous>, transform_indices = @transform_12, window_bounds = array<i64: 128, 128>}, {pipeline_mode = #tpu.pipeline_mode<synchronous>, transform_indices = @transform_13, window_bounds = array<i64: 128, 128>}, {}, {transform_indices = @transform_15, window_bounds = array<i64: 2>}, {pipeline_mode = #tpu.pipeline_mode<synchronous>, transform_indices = @transform_16, window_bounds = array<i64: 8, 128>}, {pipeline_mode = #tpu.pipeline_mode<synchronous>, transform_indices = @transform_17, window_bounds = array<i64: 8, 128>}]} {
    %iota3A = tpu.iota {dimensions = array<i32: 0>} : vector<1280x1xi32>
    %mul3A = arith.constant 1280 : i32
    %mul3A_0 = arith.muli %arg0, %mul3A : i32
    %add3A = vector.broadcast %mul3A_0 : i32 to vector<1280x1xi32>
    %add3A_1 = arith.addi %iota3A, %add3A : vector<1280x1xi32>
    %lt3A = arith.constant 10000 : i32
    %lt3A_2 = vector.broadcast %lt3A : i32 to vector<1280x1xi32>
    %lt3A_3 = arith.cmpi slt, %add3A_1, %lt3A_2 : vector<1280x1xi32>
    %get3A = arith.constant 0 : index
    %get3A_4 = arith.constant 0 : index
    %get3A_5 = vector.load %arg5[%get3A, %get3A_4] : memref<1280x16xf32, #tpu.memory_space<vmem>>, vector<1280x1xf32>
    %get3A_6 = arith.constant 0 : index
    %get3A_7 = arith.constant 0 : index
    %get3A_8 = vector.load %arg3[%get3A_6, %get3A_7] : memref<1280x128xbf16, #tpu.memory_space<vmem>>, vector<1280x128xbf16>
    %convert_element_type3A = arith.extf %get3A_8 : vector<1280x128xbf16> to vector<1280x128xf32>
    %get3A_9 = arith.constant 0 : index
    %get3A_10 = arith.constant 0 : index
    %get3A_11 = vector.load %arg4[%get3A_9, %get3A_10] : memref<1280x128xbf16, #tpu.memory_space<vmem>>, vector<1280x128xbf16>
    %convert_element_type3A_12 = arith.extf %get3A_11 : vector<1280x128xbf16> to vector<1280x128xf32>
    %add3A_13 = arith.addf %convert_element_type3A, %convert_element_type3A_12 : vector<1280x128xf32>
    %get3A_14 = arith.constant 0 : index
    %get3A_15 = arith.constant 0 : index
    %get3A_16 = vector.load %arg2[%get3A_14, %get3A_15] : memref<1280x128xbf16, #tpu.memory_space<vmem>>, vector<1280x128xbf16>
    %convert_element_type3A_17 = arith.extf %get3A_16 : vector<1280x128xbf16> to vector<1280x128xf32>
    %mul3A_18 = vector.broadcast %get3A_5 : vector<1280x1xf32> to vector<1280x128xf32>
    %mul3A_19 = arith.mulf %add3A_13, %mul3A_18 : vector<1280x128xf32>
    %add3A_20 = arith.addf %mul3A_19, %convert_element_type3A_17 : vector<1280x128xf32>
    %get3A_21 = arith.constant 0 : index
    %get3A_22 = arith.constant 0 : index
    %get3A_23 = vector.load %arg9[%get3A_21, %get3A_22] : memref<128x128xf32, #tpu.memory_space<vmem>>, vector<128x128xf32>
    %dot_general3A = arith.constant dense<0.000000e+00> : vector<1280x128xf32>
    %dot_general3A_24 = tpu.matmul %add3A_20, %get3A_23, %dot_general3A {dimension_numbers = #tpu.dot_dimension_numbers<[1], [0], [0], [1], [0, 0, 1, 1], [], []>, transpose_lhs_hint = false} : vector<1280x128xf32>, vector<128x128xf32>, vector<1280x128xf32> -> vector<1280x128xf32>
    %get3A_25 = arith.constant 0 : index
    %get3A_26 = arith.constant 0 : index
    %get3A_27 = vector.load %arg6[%get3A_25, %get3A_26] : memref<1280x16xf32, #tpu.memory_space<vmem>>, vector<1280x16xf32>
    %get3A_28 = arith.constant 0 : index
    %get3A_29 = arith.constant 0 : index
    %get3A_30 = vector.load %arg10[%get3A_28, %get3A_29] : memref<128x16xf32, #tpu.memory_space<vmem>>, vector<128x16xf32>
    %dot_general3A_31 = arith.constant dense<0.000000e+00> : vector<1280x16xf32>
    %dot_general3A_32 = tpu.matmul %dot_general3A_24, %get3A_30, %dot_general3A_31 {dimension_numbers = #tpu.dot_dimension_numbers<[1], [0], [0], [1], [0, 0, 1, 1], [], []>, transpose_lhs_hint = false} : vector<1280x128xf32>, vector<128x16xf32>, vector<1280x16xf32> -> vector<1280x16xf32>
    %get3A_33 = arith.constant 0 : index
    %get3A_34 = arith.constant 0 : index
    %get3A_35 = vector.load %arg11[%get3A_33, %get3A_34] : memref<1x16xf32, #tpu.memory_space<vmem>>, vector<1x16xf32>
    %add3A_36 = vector.broadcast %get3A_35 : vector<1x16xf32> to vector<1280x16xf32>
    %add3A_37 = arith.addf %dot_general3A_32, %add3A_36 : vector<1280x16xf32>
    %iota3A_38 = tpu.iota {dimensions = array<i32: 1>} : vector<1280x16xi32>
    %lt3A_39 = arith.constant 10 : i32
    %lt3A_40 = vector.broadcast %lt3A_39 : i32 to vector<1280x16xi32>
    %lt3A_41 = arith.cmpi slt, %iota3A_38, %lt3A_40 : vector<1280x16xi32>
    %jit3A = arith.constant -3.000000e+38 : f32
    %broadcast_in_dim3A = vector.broadcast %jit3A : f32 to vector<1280x16xf32>
    %select_n3A = arith.select %lt3A_41, %add3A_37, %broadcast_in_dim3A : vector<1280x16xi1>, vector<1280x16xf32>
    %reduce_max3A = arith.constant dense<0xFF800000> : vector<1280xf32>
    %reduce_max3A_42 = vector.multi_reduction <maximumf>, %select_n3A, %reduce_max3A [1] : vector<1280x16xf32> to vector<1280xf32>
    %broadcast_in_dim3A_43 = vector.shape_cast %reduce_max3A_42 : vector<1280xf32> to vector<1280x1xf32>
    %sub3A = vector.broadcast %broadcast_in_dim3A_43 : vector<1280x1xf32> to vector<1280x16xf32>
    %sub3A_44 = arith.subf %add3A_37, %sub3A : vector<1280x16xf32>
    %exp3A = math.exp %sub3A_44 : vector<1280x16xf32>
    %jit3A_45 = arith.constant 0.000000e+00 : f32
    %broadcast_in_dim3A_46 = vector.broadcast %jit3A_45 : f32 to vector<1280x16xf32>
    %select_n3A_47 = arith.select %lt3A_41, %exp3A, %broadcast_in_dim3A_46 : vector<1280x16xi1>, vector<1280x16xf32>
    %mul3A_48 = arith.mulf %select_n3A_47, %get3A_27 : vector<1280x16xf32>
    %reduce_sum3A = arith.constant dense<0.000000e+00> : vector<1280xf32>
    %reduce_sum3A_49 = vector.multi_reduction <add>, %mul3A_48, %reduce_sum3A [1] : vector<1280x16xf32> to vector<1280xf32>
    %broadcast_in_dim3A_50 = vector.shape_cast %reduce_sum3A_49 : vector<1280xf32> to vector<1280x1xf32>
    %reduce_sum3A_51 = arith.constant dense<0.000000e+00> : vector<1280xf32>
    %reduce_sum3A_52 = vector.multi_reduction <add>, %select_n3A_47, %reduce_sum3A_51 [1] : vector<1280x16xf32> to vector<1280xf32>
    %broadcast_in_dim3A_53 = vector.shape_cast %reduce_sum3A_52 : vector<1280xf32> to vector<1280x1xf32>
    %div3A = arith.divf %broadcast_in_dim3A_50, %broadcast_in_dim3A_53 : vector<1280x1xf32>
    %add3A_54 = arith.constant 9.99999996E-13 : f32
    %add3A_55 = vector.broadcast %add3A_54 : f32 to vector<1280x1xf32>
    %add3A_56 = arith.addf %div3A, %add3A_55 : vector<1280x1xf32>
    %log3A = math.log %add3A_56 : vector<1280x1xf32>
    %jit3A_57 = arith.constant 0.000000e+00 : f32
    %broadcast_in_dim3A_58 = vector.broadcast %jit3A_57 : f32 to vector<1280x1xf32>
    %select_n3A_59 = arith.select %lt3A_3, %log3A, %broadcast_in_dim3A_58 : vector<1280x1xi1>, vector<1280x1xf32>
    %get3A_60 = arith.constant 0 : index
    %get3A_61 = arith.constant 0 : index
    %get3A_62 = vector.load %arg1[%get3A_60, %get3A_61] : memref<1280x128xf32, #tpu.memory_space<vmem>>, vector<1280x128xf32>
    %get3A_63 = arith.constant 0 : index
    %get3A_64 = arith.constant 0 : index
    %get3A_65 = vector.load %arg7[%get3A_63, %get3A_64] : memref<1280x16xf32, #tpu.memory_space<vmem>>, vector<1280x1xf32>
    %get3A_66 = arith.constant 0 : index
    %get3A_67 = arith.constant 0 : index
    %get3A_68 = vector.load %arg8[%get3A_66, %get3A_67] : memref<1280x16xf32, #tpu.memory_space<vmem>>, vector<1280x1xf32>
    %add3A_69 = arith.addf %get3A_65, %get3A_68 : vector<1280x1xf32>
    %get3A_70 = arith.constant 0 : index
    %get3A_71 = arith.constant 0 : index
    %get3A_72 = vector.load %arg12[%get3A_70, %get3A_71] : memref<16x128xf32, #tpu.memory_space<vmem>>, vector<16x128xf32>
    %dot_general3A_73 = arith.constant dense<0.000000e+00> : vector<1280x128xf32>
    %dot_general3A_74 = tpu.matmul %get3A_27, %get3A_72, %dot_general3A_73 {dimension_numbers = #tpu.dot_dimension_numbers<[1], [0], [0], [1], [0, 0, 1, 1], [], []>, transpose_lhs_hint = false} : vector<1280x16xf32>, vector<16x128xf32>, vector<1280x128xf32> -> vector<1280x128xf32>
    %max3A = arith.constant 0.000000e+00 : f32
    %max3A_75 = vector.broadcast %max3A : f32 to vector<1280x128xf32>
    %max3A_76 = arith.maximumf %dot_general3A_74, %max3A_75 : vector<1280x128xf32>
    %reduce_sum3A_77 = arith.constant dense<0.000000e+00> : vector<128xf32>
    %reduce_sum3A_78 = vector.multi_reduction <add>, %dot_general3A_24, %reduce_sum3A_77 [0] : vector<1280x128xf32> to vector<128xf32>
    %broadcast_in_dim3A_79 = vector.shape_cast %reduce_sum3A_78 : vector<128xf32> to vector<1x128xf32>
    %reduce_sum3A_80 = arith.constant dense<0.000000e+00> : vector<128xf32>
    %reduce_sum3A_81 = vector.multi_reduction <add>, %get3A_62, %reduce_sum3A_80 [0] : vector<1280x128xf32> to vector<128xf32>
    %broadcast_in_dim3A_82 = vector.shape_cast %reduce_sum3A_81 : vector<128xf32> to vector<1x128xf32>
    %mul3A_83 = vector.broadcast %add3A_69 : vector<1280x1xf32> to vector<1280x128xf32>
    %mul3A_84 = arith.mulf %mul3A_83, %get3A_62 : vector<1280x128xf32>
    %reduce_sum3A_85 = arith.constant dense<0.000000e+00> : vector<128xf32>
    %reduce_sum3A_86 = vector.multi_reduction <add>, %mul3A_84, %reduce_sum3A_85 [0] : vector<1280x128xf32> to vector<128xf32>
    %broadcast_in_dim3A_87 = vector.shape_cast %reduce_sum3A_86 : vector<128xf32> to vector<1x128xf32>
    %reduce_sum3A_88 = arith.constant dense<0.000000e+00> : vector<128xf32>
    %reduce_sum3A_89 = vector.multi_reduction <add>, %max3A_76, %reduce_sum3A_88 [0] : vector<1280x128xf32> to vector<128xf32>
    %broadcast_in_dim3A_90 = vector.shape_cast %reduce_sum3A_89 : vector<128xf32> to vector<1x128xf32>
    %reduce_sum3A_91 = arith.constant dense<0.000000e+00> : vector<16xf32>
    %reduce_sum3A_92 = vector.multi_reduction <add>, %get3A_27, %reduce_sum3A_91 [0] : vector<1280x16xf32> to vector<16xf32>
    %broadcast_in_dim3A_93 = vector.shape_cast %reduce_sum3A_92 : vector<16xf32> to vector<1x16xf32>
    %broadcast_in_dim3A_94 = arith.constant 0.000000e+00 : f32
    %broadcast_in_dim3A_95 = vector.broadcast %broadcast_in_dim3A_94 : f32 to vector<1x112xf32>
    %concatenate3A = tpu.concatenate %broadcast_in_dim3A_93, %broadcast_in_dim3A_95 in 1 : vector<1x16xf32>, vector<1x112xf32> -> vector<1x128xf32>
    %iota3A_96 = tpu.iota {dimensions = array<i32: 1>} : vector<1x128xi32>
    %eq3A = arith.constant 0 : i32
    %eq3A_97 = vector.broadcast %eq3A : i32 to vector<1x128xi32>
    %eq3A_98 = arith.cmpi eq, %iota3A_96, %eq3A_97 : vector<1x128xi32>
    %reduce_sum3A_99 = vector.shape_cast %select_n3A_59 : vector<1280x1xf32> to vector<1x1280x1xf32>
    %reduce_sum3A_100 = arith.constant dense<0.000000e+00> : vector<1xf32>
    %reduce_sum3A_101 = vector.multi_reduction <add>, %reduce_sum3A_99, %reduce_sum3A_100 [1, 2] : vector<1x1280x1xf32> to vector<1xf32>
    %reduce_sum3A_102 = vector.shape_cast %reduce_sum3A_101 : vector<1xf32> to vector<1x1x1xf32>
    %reduce_sum3A_103 = vector.extract %reduce_sum3A_102[0, 0, 0] : f32 from vector<1x1x1xf32>
    %jit3A_104 = arith.constant 0.000000e+00 : f32
    %broadcast_in_dim3A_105 = vector.broadcast %reduce_sum3A_103 : f32 to vector<1x128xf32>
    %broadcast_in_dim3A_106 = vector.broadcast %jit3A_104 : f32 to vector<1x128xf32>
    %select_n3A_107 = arith.select %eq3A_98, %broadcast_in_dim3A_105, %broadcast_in_dim3A_106 : vector<1x128xi1>, vector<1x128xf32>
    %broadcast_in_dim3A_108 = arith.constant 0.000000e+00 : f32
    %broadcast_in_dim3A_109 = vector.broadcast %broadcast_in_dim3A_108 : f32 to vector<2x128xf32>
    %concatenate3A_110 = tpu.concatenate %broadcast_in_dim3A_79, %broadcast_in_dim3A_82, %broadcast_in_dim3A_87, %broadcast_in_dim3A_90, %concatenate3A, %select_n3A_107, %broadcast_in_dim3A_109 in 0 : vector<1x128xf32>, vector<1x128xf32>, vector<1x128xf32>, vector<1x128xf32>, vector<1x128xf32>, vector<1x128xf32>, vector<2x128xf32> -> vector<8x128xf32>
    %eq3A_111 = arith.constant 0 : i32
    %eq3A_112 = arith.cmpi eq, %arg0, %eq3A_111 : i32
    %convert_element_type3A_113 = arith.extui %eq3A_112 : i1 to i32
    %cond3A = arith.constant 0 : i32
    %cond3A_114 = arith.cmpi ne, %convert_element_type3A_113, %cond3A : i32
    scf.if %cond3A_114 {
      %broadcast_in_dim3A_126 = arith.constant 0.000000e+00 : f32
      %broadcast_in_dim3A_127 = vector.broadcast %broadcast_in_dim3A_126 : f32 to vector<8x128xf32>
      %swap3A_128 = arith.constant 0 : index
      %swap3A_129 = arith.constant 0 : index
      %swap3A_130 = vector.load %arg17[%swap3A_128, %swap3A_129] : memref<8x128xf32, #tpu.memory_space<vmem>>, vector<8x128xf32>
      tpu.vector_store %arg17[%swap3A_128, %swap3A_129], %broadcast_in_dim3A_127 {strides = array<i32>} : memref<8x128xf32, #tpu.memory_space<vmem>>, vector<8x128xf32>,
    } else {
    }
    %get3A_115 = arith.constant 0 : index
    %get3A_116 = arith.constant 0 : index
    %get3A_117 = vector.load %arg17[%get3A_115, %get3A_116] : memref<8x128xf32, #tpu.memory_space<vmem>>, vector<8x128xf32>
    %add3A_118 = arith.addf %get3A_117, %concatenate3A_110 : vector<8x128xf32>
    %swap3A = arith.constant 0 : index
    %swap3A_119 = arith.constant 0 : index
    %swap3A_120 = vector.load %arg17[%swap3A, %swap3A_119] : memref<8x128xf32, #tpu.memory_space<vmem>>, vector<8x128xf32>
    tpu.vector_store %arg17[%swap3A, %swap3A_119], %add3A_118 {strides = array<i32>} : memref<8x128xf32, #tpu.memory_space<vmem>>, vector<8x128xf32>,
    %eq3A_121 = arith.constant 7 : i32
    %eq3A_122 = arith.cmpi eq, %arg0, %eq3A_121 : i32
    %convert_element_type3A_123 = arith.extui %eq3A_122 : i1 to i32
    %cond3A_124 = arith.constant 0 : i32
    %cond3A_125 = arith.cmpi ne, %convert_element_type3A_123, %cond3A_124 : i32
    scf.if %cond3A_125 {
      %get3A_126 = arith.constant 0 : index
      %get3A_127 = memref.load %arg16[%get3A_126] : memref<2xi32, #tpu.memory_space<smem>>
      %get3A_128 = arith.constant 1 : index
      %get3A_129 = memref.load %arg16[%get3A_128] : memref<2xi32, #tpu.memory_space<smem>>
      %dma_start3A = arith.constant 0 : i32
      %dma_start3A_130 = tpu.memref_slice %arg15[%get3A_127, %dma_start3A] : memref<10240x16xf32, #tpu.memory_space<any>> -> memref<1x16xf32, #tpu.memory_space<any>>
      tpu.enqueue_dma source(%dma_start3A_130 : memref<1x16xf32, #tpu.memory_space<any>>) target(%arg19 : memref<1x16xf32, #tpu.memory_space<vmem>>) target_semaphore(%arg21 : memref<!tpu.dma_semaphore, #tpu.memory_space<semaphore_mem>>)
      %dma_start3A_131 = arith.constant 0 : i32
      %dma_start3A_132 = tpu.memref_slice %arg15[%get3A_129, %dma_start3A_131] : memref<10240x16xf32, #tpu.memory_space<any>> -> memref<1x16xf32, #tpu.memory_space<any>>
      tpu.enqueue_dma source(%dma_start3A_132 : memref<1x16xf32, #tpu.memory_space<any>>) target(%arg20 : memref<1x16xf32, #tpu.memory_space<vmem>>) target_semaphore(%arg21 : memref<!tpu.dma_semaphore, #tpu.memory_space<semaphore_mem>>)
      %dma_wait3A = arith.constant 0 : i32
      %dma_wait3A_133 = tpu.memref_slice %arg15[%get3A_127, %dma_wait3A] : memref<10240x16xf32, #tpu.memory_space<any>> -> memref<1x16xf32, #tpu.memory_space<any>>
      tpu.wait_dma2 semaphore(%arg21 : memref<!tpu.dma_semaphore, #tpu.memory_space<semaphore_mem>>) src(%dma_wait3A_133 : memref<1x16xf32, #tpu.memory_space<any>>) dst(%arg19 : memref<1x16xf32, #tpu.memory_space<vmem>>)
      %dma_wait3A_134 = arith.constant 0 : i32
      %dma_wait3A_135 = tpu.memref_slice %arg15[%get3A_129, %dma_wait3A_134] : memref<10240x16xf32, #tpu.memory_space<any>> -> memref<1x16xf32, #tpu.memory_space<any>>
      tpu.wait_dma2 semaphore(%arg21 : memref<!tpu.dma_semaphore, #tpu.memory_space<semaphore_mem>>) src(%dma_wait3A_135 : memref<1x16xf32, #tpu.memory_space<any>>) dst(%arg20 : memref<1x16xf32, #tpu.memory_space<vmem>>)
      %get3A_136 = arith.constant 0 : index
      %get3A_137 = arith.constant 0 : index
      %get3A_138 = vector.load %arg19[%get3A_136, %get3A_137] : memref<1x16xf32, #tpu.memory_space<vmem>>, vector<1x16xf32>
      %get3A_139 = arith.constant 0 : index
      %get3A_140 = arith.constant 0 : index
      %get3A_141 = vector.load %arg20[%get3A_139, %get3A_140] : memref<1x16xf32, #tpu.memory_space<vmem>>, vector<1x16xf32>
      %get3A_142 = arith.constant 0 : index
      %get3A_143 = arith.constant 0 : index
      %get3A_144 = vector.load %arg12[%get3A_142, %get3A_143] : memref<16x128xf32, #tpu.memory_space<vmem>>, vector<16x128xf32>
      %dot_general3A_145 = arith.constant dense<0.000000e+00> : vector<1x128xf32>
      %dot_general3A_146 = tpu.matmul %get3A_138, %get3A_144, %dot_general3A_145 {dimension_numbers = #tpu.dot_dimension_numbers<[1], [0], [0], [1], [0, 0, 1, 1], [], []>, transpose_lhs_hint = false} : vector<1x16xf32>, vector<16x128xf32>, vector<1x128xf32> -> vector<1x128xf32>
      %dot_general3A_147 = arith.constant dense<0.000000e+00> : vector<1x128xf32>
      %dot_general3A_148 = tpu.matmul %get3A_141, %get3A_144, %dot_general3A_147 {dimension_numbers = #tpu.dot_dimension_numbers<[1], [0], [0], [1], [0, 0, 1, 1], [], []>, transpose_lhs_hint = false} : vector<1x16xf32>, vector<16x128xf32>, vector<1x128xf32> -> vector<1x128xf32>
      %add3A_149 = arith.addf %get3A_138, %get3A_141 : vector<1x16xf32>
      %dot_general3A_150 = arith.constant dense<0.000000e+00> : vector<1x128xf32>
      %dot_general3A_151 = tpu.matmul %add3A_149, %get3A_144, %dot_general3A_150 {dimension_numbers = #tpu.dot_dimension_numbers<[1], [0], [0], [1], [0, 0, 1, 1], [], []>, transpose_lhs_hint = false} : vector<1x16xf32>, vector<16x128xf32>, vector<1x128xf32> -> vector<1x128xf32>
      %iota3A_152 = tpu.iota {dimensions = array<i32: 1>} : vector<1x16xi32>
      %eq3A_153 = arith.constant 10 : i32
      %eq3A_154 = vector.broadcast %eq3A_153 : i32 to vector<1x16xi32>
      %eq3A_155 = arith.cmpi eq, %iota3A_152, %eq3A_154 : vector<1x16xi32>
      %jit3A_156 = arith.constant 1.000000e+00 : f32
      %jit3A_157 = arith.constant 0.000000e+00 : f32
      %broadcast_in_dim3A_158 = vector.broadcast %jit3A_156 : f32 to vector<1x16xf32>
      %broadcast_in_dim3A_159 = vector.broadcast %jit3A_157 : f32 to vector<1x16xf32>
      %select_n3A_160 = arith.select %eq3A_155, %broadcast_in_dim3A_158, %broadcast_in_dim3A_159 : vector<1x16xi1>, vector<1x16xf32>
      %get3A_161 = arith.constant 3 : index
      %get3A_162 = arith.constant 0 : index
      %get3A_163 = vector.load %arg17[%get3A_161, %get3A_162] : memref<8x128xf32, #tpu.memory_space<vmem>>, vector<1x128xf32>
      %dot_general3A_164 = arith.constant dense<0.000000e+00> : vector<1x128xf32>
      %dot_general3A_165 = tpu.matmul %select_n3A_160, %get3A_144, %dot_general3A_164 {dimension_numbers = #tpu.dot_dimension_numbers<[1], [0], [0], [1], [0, 0, 1, 1], [], []>, transpose_lhs_hint = false} : vector<1x16xf32>, vector<16x128xf32>, vector<1x128xf32> -> vector<1x128xf32>
      %max3A_166 = arith.constant 0.000000e+00 : f32
      %max3A_167 = vector.broadcast %max3A_166 : f32 to vector<1x128xf32>
      %max3A_168 = arith.maximumf %dot_general3A_165, %max3A_167 : vector<1x128xf32>
      %add3A_169 = arith.addf %get3A_163, %max3A_168 : vector<1x128xf32>
      %max3A_170 = arith.constant 0.000000e+00 : f32
      %max3A_171 = vector.broadcast %max3A_170 : f32 to vector<1x128xf32>
      %max3A_172 = arith.maximumf %dot_general3A_148, %max3A_171 : vector<1x128xf32>
      %sub3A_173 = arith.subf %add3A_169, %max3A_172 : vector<1x128xf32>
      %max3A_174 = arith.constant 0.000000e+00 : f32
      %max3A_175 = vector.broadcast %max3A_174 : f32 to vector<1x128xf32>
      %max3A_176 = arith.maximumf %dot_general3A_151, %max3A_175 : vector<1x128xf32>
      %add3A_177 = arith.addf %sub3A_173, %max3A_176 : vector<1x128xf32>
      %div3A_178 = arith.constant 1.000100e+04 : f32
      %div3A_179 = vector.broadcast %div3A_178 : f32 to vector<1x128xf32>
      %div3A_180 = arith.divf %add3A_177, %div3A_179 : vector<1x128xf32>
      %eq3A_181 = arith.cmpi eq, %get3A_127, %get3A_129 : i32
      %max3A_182 = arith.constant 0.000000e+00 : f32
      %max3A_183 = vector.broadcast %max3A_182 : f32 to vector<1x128xf32>
      %max3A_184 = arith.maximumf %dot_general3A_151, %max3A_183 : vector<1x128xf32>
      %max3A_185 = arith.constant 0.000000e+00 : f32
      %max3A_186 = vector.broadcast %max3A_185 : f32 to vector<1x128xf32>
      %max3A_187 = arith.maximumf %dot_general3A_146, %max3A_186 : vector<1x128xf32>
      %select_n3A_188 = arith.select %eq3A_181, %max3A_184, %max3A_187 : vector<1x128xf32>
      %div3A_189 = arith.constant 1.000100e+04 : f32
      %div3A_190 = vector.broadcast %div3A_189 : f32 to vector<1x128xf32>
      %div3A_191 = arith.divf %select_n3A_188, %div3A_190 : vector<1x128xf32>
      %add3A_192 = arith.addf %div3A_180, %div3A_191 : vector<1x128xf32>
      %get3A_193 = arith.constant 0 : index
      %get3A_194 = arith.constant 0 : index
      %get3A_195 = vector.load %arg14[%get3A_193, %get3A_194] : memref<128x128xf32, #tpu.memory_space<vmem>>, vector<128x128xf32>
      %dot_general3A_196 = arith.constant dense<0.000000e+00> : vector<1x128xf32>
      %dot_general3A_197 = tpu.matmul %add3A_192, %get3A_195, %dot_general3A_196 {dimension_numbers = #tpu.dot_dimension_numbers<[1], [0], [0], [1], [0, 0, 1, 1], [], []>, transpose_lhs_hint = false} : vector<1x128xf32>, vector<128x128xf32>, vector<1x128xf32> -> vector<1x128xf32>
      %get3A_198 = arith.constant 2 : index
      %get3A_199 = arith.constant 0 : index
      %get3A_200 = vector.load %arg17[%get3A_198, %get3A_199] : memref<8x128xf32, #tpu.memory_space<vmem>>, vector<1x128xf32>
      %get3A_201 = arith.constant 1 : index
      %get3A_202 = arith.constant 0 : index
      %get3A_203 = vector.load %arg17[%get3A_201, %get3A_202] : memref<8x128xf32, #tpu.memory_space<vmem>>, vector<1x128xf32>
      %add3A_204 = arith.addf %get3A_200, %get3A_203 : vector<1x128xf32>
      %div3A_205 = arith.constant 1.000000e+04 : f32
      %div3A_206 = vector.broadcast %div3A_205 : f32 to vector<1x128xf32>
      %div3A_207 = arith.divf %add3A_204, %div3A_206 : vector<1x128xf32>
      %get3A_208 = arith.constant 0 : index
      %get3A_209 = arith.constant 0 : index
      %get3A_210 = vector.load %arg13[%get3A_208, %get3A_209] : memref<128x128xf32, #tpu.memory_space<vmem>>, vector<128x128xf32>
      %dot_general3A_211 = arith.constant dense<0.000000e+00> : vector<1x128xf32>
      %dot_general3A_212 = tpu.matmul %div3A_207, %get3A_210, %dot_general3A_211 {dimension_numbers = #tpu.dot_dimension_numbers<[1], [0], [0], [1], [0, 0, 1, 1], [], []>, transpose_lhs_hint = false} : vector<1x128xf32>, vector<128x128xf32>, vector<1x128xf32> -> vector<1x128xf32>
      %get3A_213 = arith.constant 0 : index
      %get3A_214 = arith.constant 0 : index
      %get3A_215 = vector.load %arg17[%get3A_213, %get3A_214] : memref<8x128xf32, #tpu.memory_space<vmem>>, vector<1x128xf32>
      %div3A_216 = arith.constant 1.000000e+04 : f32
      %div3A_217 = vector.broadcast %div3A_216 : f32 to vector<1x128xf32>
      %div3A_218 = arith.divf %get3A_215, %div3A_217 : vector<1x128xf32>
      %get3A_219 = arith.constant 4 : index
      %get3A_220 = arith.constant 0 : index
      %get3A_221 = vector.load %arg17[%get3A_219, %get3A_220] : memref<8x128xf32, #tpu.memory_space<vmem>>, vector<1x128xf32>
      %div3A_222 = arith.constant 1.000000e+04 : f32
      %div3A_223 = vector.broadcast %div3A_222 : f32 to vector<1x128xf32>
      %div3A_224 = arith.divf %get3A_221, %div3A_223 : vector<1x128xf32>
      %iota3A_225 = tpu.iota {dimensions = array<i32: 1>} : vector<1x128xi32>
      %eq3A_226 = arith.constant 10 : i32
      %eq3A_227 = vector.broadcast %eq3A_226 : i32 to vector<1x128xi32>
      %eq3A_228 = arith.cmpi eq, %iota3A_225, %eq3A_227 : vector<1x128xi32>
      %jit3A_229 = arith.constant 1.000000e+00 : f32
      %jit3A_230 = arith.constant 0.000000e+00 : f32
      %broadcast_in_dim3A_231 = vector.broadcast %jit3A_229 : f32 to vector<1x128xf32>
      %broadcast_in_dim3A_232 = vector.broadcast %jit3A_230 : f32 to vector<1x128xf32>
      %select_n3A_233 = arith.select %eq3A_228, %broadcast_in_dim3A_231, %broadcast_in_dim3A_232 : vector<1x128xi1>, vector<1x128xf32>
      %add3A_234 = arith.addf %get3A_221, %select_n3A_233 : vector<1x128xf32>
      %div3A_235 = arith.constant 1.000100e+04 : f32
      %div3A_236 = vector.broadcast %div3A_235 : f32 to vector<1x128xf32>
      %div3A_237 = arith.divf %add3A_234, %div3A_236 : vector<1x128xf32>
      %get3A_238 = arith.constant 5 : index
      %get3A_239 = arith.constant 0 : index
      %get3A_240 = vector.load %arg17[%get3A_238, %get3A_239] : memref<8x128xf32, #tpu.memory_space<vmem>>, vector<1x128xf32>
      %broadcast_in_dim3A_241 = arith.constant 0.000000e+00 : f32
      %broadcast_in_dim3A_242 = vector.broadcast %broadcast_in_dim3A_241 : f32 to vector<2x128xf32>
      %concatenate3A_243 = tpu.concatenate %get3A_240, %div3A_218, %div3A_224, %dot_general3A_197, %div3A_237, %dot_general3A_212, %broadcast_in_dim3A_242 in 0 : vector<1x128xf32>, vector<1x128xf32>, vector<1x128xf32>, vector<1x128xf32>, vector<1x128xf32>, vector<1x128xf32>, vector<2x128xf32> -> vector<8x128xf32>
      %swap3A_244 = arith.constant 0 : index
      %swap3A_245 = arith.constant 0 : index
      %swap3A_246 = vector.load %arg18[%swap3A_244, %swap3A_245] : memref<8x128xf32, #tpu.memory_space<vmem>>, vector<8x128xf32>
      tpu.vector_store %arg18[%swap3A_244, %swap3A_245], %concatenate3A_243 {strides = array<i32>} : memref<8x128xf32, #tpu.memory_space<vmem>>, vector<8x128xf32>,
    } else {
    }
    return
  }
  func.func @transform_0(%arg0: i32) -> (i32, i32) {
    %c0_i32 = arith.constant 0 : i32
    %c0_i32_0 = arith.constant 0 : i32
    return %arg0, %c0_i32 : i32, i32
  }
  func.func @transform_1(%arg0: i32) -> (i32, i32) {
    %c0_i32 = arith.constant 0 : i32
    %c0_i32_0 = arith.constant 0 : i32
    return %arg0, %c0_i32 : i32, i32
  }
  func.func @transform_2(%arg0: i32) -> (i32, i32) {
    %c0_i32 = arith.constant 0 : i32
    %c0_i32_0 = arith.constant 0 : i32
    return %arg0, %c0_i32 : i32, i32
  }
  func.func @transform_3(%arg0: i32) -> (i32, i32) {
    %c0_i32 = arith.constant 0 : i32
    %c0_i32_0 = arith.constant 0 : i32
    return %arg0, %c0_i32 : i32, i32
  }
  func.func @transform_4(%arg0: i32) -> (i32, i32) {
    %c0_i32 = arith.constant 0 : i32
    %c0_i32_0 = arith.constant 0 : i32
    return %arg0, %c0_i32 : i32, i32
  }
  func.func @transform_5(%arg0: i32) -> (i32, i32) {
    %c0_i32 = arith.constant 0 : i32
    %c0_i32_0 = arith.constant 0 : i32
    return %arg0, %c0_i32 : i32, i32
  }
  func.func @transform_6(%arg0: i32) -> (i32, i32) {
    %c0_i32 = arith.constant 0 : i32
    %c0_i32_0 = arith.constant 0 : i32
    return %arg0, %c0_i32 : i32, i32
  }
  func.func @transform_7(%arg0: i32) -> (i32, i32) {
    %c0_i32 = arith.constant 0 : i32
    %c0_i32_0 = arith.constant 0 : i32
    return %arg0, %c0_i32 : i32, i32
  }
  func.func @transform_8(%arg0: i32) -> (i32, i32) {
    %c0_i32 = arith.constant 0 : i32
    %c0_i32_0 = arith.constant 0 : i32
    %c0_i32_1 = arith.constant 0 : i32
    return %c0_i32, %c0_i32_0 : i32, i32
  }
  func.func @transform_9(%arg0: i32) -> (i32, i32) {
    %c0_i32 = arith.constant 0 : i32
    %c0_i32_0 = arith.constant 0 : i32
    %c0_i32_1 = arith.constant 0 : i32
    return %c0_i32, %c0_i32_0 : i32, i32
  }
  func.func @transform_10(%arg0: i32) -> (i32, i32) {
    %c0_i32 = arith.constant 0 : i32
    %c0_i32_0 = arith.constant 0 : i32
    %c0_i32_1 = arith.constant 0 : i32
    return %c0_i32, %c0_i32_0 : i32, i32
  }
  func.func @transform_11(%arg0: i32) -> (i32, i32) {
    %c0_i32 = arith.constant 0 : i32
    %c0_i32_0 = arith.constant 0 : i32
    %c0_i32_1 = arith.constant 0 : i32
    return %c0_i32, %c0_i32_0 : i32, i32
  }
  func.func @transform_12(%arg0: i32) -> (i32, i32) {
    %c0_i32 = arith.constant 0 : i32
    %c0_i32_0 = arith.constant 0 : i32
    %c0_i32_1 = arith.constant 0 : i32
    return %c0_i32, %c0_i32_0 : i32, i32
  }
  func.func @transform_13(%arg0: i32) -> (i32, i32) {
    %c0_i32 = arith.constant 0 : i32
    %c0_i32_0 = arith.constant 0 : i32
    %c0_i32_1 = arith.constant 0 : i32
    return %c0_i32, %c0_i32_0 : i32, i32
  }
  func.func @transform_15(%arg0: i32) -> i32 {
    %c0_i32 = arith.constant 0 : i32
    %c0_i32_0 = arith.constant 0 : i32
    return %c0_i32 : i32
  }
  func.func @transform_16(%arg0: i32) -> (i32, i32) {
    %c0_i32 = arith.constant 0 : i32
    %c0_i32_0 = arith.constant 0 : i32
    %c0_i32_1 = arith.constant 0 : i32
    return %c0_i32, %c0_i32_0 : i32, i32
  }
  func.func @transform_17(%arg0: i32) -> (i32, i32) {
    %c0_i32 = arith.constant 0 : i32
    %c0_i32_0 = arith.constant 0 : i32
    %c0_i32_1 = arith.constant 0 : i32
    return %c0_i32, %c0_i32_0 : i32, i32
  }
}

</mosaic_0001>

<sc_bundles>
// kernel: kernel.6.cloned.1.call-start
scs
__scs_entry_jumppad:
0x0: {  	(pc) =	sbr.rel $0x88, $3  }
0x1: {  	(tag) =	ssettag $0x0;
	lr =	simm.s32 $0x1  }
0x2: {  	[smem:$0x3F94] =	sst lr;
	_ =	strace $0xD0000000  }
0x3: {  	_ = 	snop  }
0x4: {  	_ = 	snop  }
0x5: {  	_ = 	snop  }
0x6: {  	_ = 	snop  }
0x7: {  	_ = 	snop  }
__scs_overlays_trampoline_lowered:
0x8: {  	[smem:$0x3FA3] =	sst s0  }
0x9: {  	[smem:$0x3FA4] =	sst s1  }
0xa: {  	[smem:$0x3FA5] =	sst s2  }
0xb: {  	[smem:$0x3FA6] =	sst s3  }
0xc: {  	[smem:$0x3FA7] =	sst s4  }
0xd: {  	[smem:$0x3FA8] =	sst s5  }
0xe: {  	[smem:$0x3FA9] =	sst s6  }
0xf: {  	[smem:$0x3FAA] =	sst s7  }
0x10: {  	[smem:$0x3FAB] =	sst s8  }
0x11: {  	[smem:$0x3FAC] =	sst s9;
	s0 =	simm.s32 @!p0 $0x0  }
0x12: {  	s1 =	sld [smem:$0x3F92];
	s0 =	simm.s32 @p0 $0x1  }
0x13: {  	[smem:$0x3FAD] =	sst s0;
	s0 =	simm.s32 @!p1 $0x0  }
0x14: {  	s2 =	sld [smem:$0x3F91];
	s0 =	simm.s32 @p1 $0x1  }
0x15: {  	[smem:$0x3FAE] =	sst s0;
	s0 =	simm.s32 @!p2 $0x0  }
0x16: {  	s3 =	sld [smem:$0x3FDB];
	s0 =	simm.s32 @p2 $0x1  }
0x17: {  	s4 =	simm.s32 $0x1BF5;
	[smem:$0x3FB0] =	sst s0  }
0x18: {  	s0 =	sld [smem:$0x3F93];
	_ =	swait.ge [sflag:s4], $0x0  }
0x19: {  	s7 =	sld [smem:$0x3F94]  }
0x1a: {  	s8 =	sadd.s32 $0xFFFFE003, lr  }
0x1b: {  	s9 =	sadd.s32 $0xFFFFFEF7, lr;
	s5 =	simm.s32 $0xFFFFFFFF;
	p2 =	slt.u32 s8, $0xFFFFF086  }
0x1c: {  	p1 =	slt.u32 s9, $0xF7A;
	s5 =	simm.s32 @!p2 $0x0  }
0x1d: {  	s5 =	simm.s32 @p1 $0x1;
	p0 =	seq.s32 s7, s2  }
0x1e: {  	s7 =	smul.u32 @!p0 $0xF7A, s2;
	p2 =	seq.s32 @!p0 s5, $0x0  }
0x1f: {  	s9 =	smul.u32 $0xF7A, s1;
	s8 =	simm.s32 @!p0 $0x1BF5;
	p2 =	por !p2, p0  }
0x20: {  	[sflag:s8] =	ssyncset.s32 @!p0 $0xFFFFF086;
	s6 =	sadd.s32 @!p0 s3, s7;
	s7 =	simm.s32 @!p0 $0x108  }
0x21: {  	s3 =	sadd.s32 s3, s9;
	s6 =	sadd.s32 @!p0 $0x88, s6;
	s7 =	simm.s32 @p2 $0x1082  }
0x22: {  	[simem:s7], [sflag:s8] =	dma.local @!p0 [hbm:s6], $0xF7A  }
0x23: {  	s9 =	sor.u32 $0xD0000000, s2;
	s6 =	simm.s32 $0x108;
	_ =	swait.ge @!p0 [sflag:s8], $0x0  }
0x24: {  	s3 =	sadd.s32 $0x88, s3;
	s6 =	simm.s32 @!p1 $0x1082;
	[sflag:s4] =	ssyncset.s32 $0xFFFFF086  }
0x25: {  	[simem:s6], [sflag:s4] =	dma.local [hbm:s3], $0xF7A  }
0x26: {  	[smem:$0x3F94] =	sst s1;
	(tag) =	ssettag s2;
	_ =	strace s9  }
0x27: {  	s1 =	sld [smem:$0x3FA4]  }
0x28: {  	s2 =	sld [smem:$0x3FA5]  }
0x29: {  	s4 =	sld [smem:$0x3FA7]  }
0x2a: {  	p0 =	seq.s32 s5, $0x0;
	s5 =	sld [smem:$0x3FA8]  }
0x2b: {  	s6 =	sld [smem:$0x3FA9]  }
0x2c: {  	s7 =	sld [smem:$0x3FAA]  }
0x2d: {  	s3 =	simm.s32 $0x108;
	s8 =	sld [smem:$0x3FAB]  }
0x2e: {  	s3 =	simm.s32 @!p0 $0x1082;
	s9 =	sld [smem:$0x3FAC]  }
0x2f: {  	lr =	sadd.s32 s0, s3;
	s0 =	sld [smem:$0x3FA3]  }
0x30: {  	s3 =	sld [smem:$0x3FA6]  }
0x31: {  	[smem:$0x3FAF] =	sst s10  }
0x32: {  	s10 =	sld [smem:$0x3FAD];
	_ =	sdelay $0x3  }
0x33: {  	p0 =	seq.s32 s10, $0x1;
	s10 =	sld [smem:$0x3FAF];
	_ =	sdelay $0x3  }
0x34: {  	[smem:$0x3FAF] =	sst s10  }
0x35: {  	s10 =	sld [smem:$0x3FAE];
	_ =	sdelay $0x3  }
0x36: {  	p1 =	seq.s32 s10, $0x1;
	s10 =	sld [smem:$0x3FAF];
	_ =	sdelay $0x3  }
0x37: {  	[smem:$0x3FAF] =	sst s10  }
0x38: {  	s10 =	sld [smem:$0x3FB0]  }
0x39: {  	_ = 	snop;
	(pc) =	sbr.ind lr, $3  }
0x3a: {  	_ = 	snop  }
0x3b: {  	_ = 	snop  }
0x3c: {  	p2 =	seq.s32 s10, $0x1;
	s10 =	sld [smem:$0x3FAF]  }
0x3d: {  	_ =	shalt  }
0x3e: {  	_ =	shalt  }
0x3f: {  	_ =	shalt  }
0x40: {  	_ =	shalt  }
0x41: {  	_ =	shalt  }
0x42: {  	_ =	shalt  }
0x43: {  	_ =	shalt  }
0x44: {  	_ =	shalt  }
0x45: {  	_ =	shalt  }
0x46: {  	_ =	shalt  }
0x47: {  	_ =	shalt  }
0x48: {  	_ =	shalt  }
0x49: {  	_ =	shalt  }
0x4a: {  	_ =	shalt  }
0x4b: {  	_ =	shalt  }
0x4c: {  	_ =	shalt  }
0x4d: {  	_ =	shalt  }
0x4e: {  	_ =	shalt  }
0x4f: {  	_ =	shalt  }
0x50: {  	_ =	shalt  }
0x51: {  	_ =	shalt  }
0x52: {  	_ =	shalt  }
0x53: {  	_ =	shalt  }
0x54: {  	_ =	shalt  }
0x55: {  	_ =	shalt  }
0x56: {  	_ =	shalt  }
0x57: {  	_ =	shalt  }
0x58: {  	_ =	shalt  }
0x59: {  	_ =	shalt  }
0x5a: {  	_ =	shalt  }
0x5b: {  	_ =	shalt  }
0x5c: {  	_ =	shalt  }
0x5d: {  	_ =	shalt  }
0x5e: {  	_ =	shalt  }
0x5f: {  	_ =	shalt  }
0x60: {  	_ =	shalt  }
0x61: {  	_ =	shalt  }
0x62: {  	_ =	shalt  }
0x63: {  	_ =	shalt  }
0x64: {  	_ =	shalt  }
0x65: {  	_ =	shalt  }
0x66: {  	_ =	shalt  }
0x67: {  	_ =	shalt  }
0x68: {  	_ =	shalt  }
0x69: {  	_ =	shalt  }
0x6a: {  	_ =	shalt  }
0x6b: {  	_ =	shalt  }
0x6c: {  	_ =	shalt  }
0x6d: {  	_ =	shalt  }
0x6e: {  	_ =	shalt  }
0x6f: {  	_ =	shalt  }
0x70: {  	_ =	shalt  }
0x71: {  	_ =	shalt  }
0x72: {  	_ =	shalt  }
0x73: {  	_ =	shalt  }
0x74: {  	_ =	shalt  }
0x75: {  	_ =	shalt  }
0x76: {  	_ =	shalt  }
0x77: {  	_ =	shalt  }
0x78: {  	_ =	shalt  }
0x79: {  	_ =	shalt  }
0x7a: {  	_ =	shalt  }
0x7b: {  	_ =	shalt  }
0x7c: {  	_ =	shalt  }
0x7d: {  	_ =	shalt  }
0x7e: {  	_ =	shalt  }
0x7f: {  	_ =	shalt  }
0x80: {  	_ =	shalt  }
0x81: {  	_ =	shalt  }
0x82: {  	_ =	shalt  }
0x83: {  	_ =	shalt  }
0x84: {  	_ =	shalt  }
0x85: {  	_ =	shalt  }
0x86: {  	_ =	shalt  }
0x87: {  	_ =	shalt  }
.Lfunc_end0:
.L_simem_size_0:
called_computation_lowered:
.L_overlay_start_0:
0x88: {  	s2 =	sld [smem:$0x3FD9]  }
0x89: {  	s3 =	sld [smem:$0x3FFE];
	_ =	sdelay $0x1  }
0x8a: {  	s1 =	srdreg.scid  }
0x8b: {  	s0 =	sand.u32 $0x1, s1  }
0x8c: {  	s16 =	sshll.u32 s0, $0xA;
	s2 =	sadd.s32 s3, s2  }
0x8d: {  	s2 =	sadd.s32 s2, s16  }
0x8e: {  	[smem:$0x3FBB] =	sst s2  }
0x8f: {  	_ = 	snop  }
0x90: {  	(tm) =	ssettm $0x1  }
0x91: {  	s17 =	sld [smem:$0x3FFB];
	_ =	sdelay $0x3  }
0x92: {  	_ =	strace s17  }
0x93: {  	s2 =	sld [smem:$0x3FFC];
	_ =	sdelay $0x3  }
0x94: {  	_ =	strace s2  }
0x95: {  	s2 =	sld [smem:$0x3FFD];
	_ =	sdelay $0x3  }
0x96: {  	_ =	strace s2  }
0x97: {  	_ =	strace $0x8FFFFFFF  }
0x98: {  	s18 =	sld [smem:$0x3FDB];
	_ =	sdelay $0x1  }
0x99: {  	s19 =	simm.s32 $_scs_section_size  }
0x9a: {  	s4 =	simm.s32 $_size__tile_overlayer_lowered;
	s5 =	simm.s32 $_tile_overlayer_lowered  }
0x9b: {  	s22 =	simm.s32 $0x1BFF;
	s21 =	sshll.u32 s5, $0x1;
	s2 =	sadd.s32 s19, s18  }
0x9c: {  	s6 =	simm.s32 $0x0;
	s20 =	sshll.u32 s4, $0x1;
	s4 =	sadd.s32 s21, s2  }
0x9d: {  	[timem:s6], [sflag:s22] =	dma.local [hbm:s4], s20  }
0x9e: {  	_ =	swait.ge [sflag:s22], s20  }
0x9f: {  	s3 =	ssub.s32 $0x0, s20;
	[sflag:s22] =	ssyncset.done $0x0  }
0xa0: {  	[sflag:s22] =	ssyncadd.s32 s3;
	_ =	sdelay $0x1  }
0xa1: {  	s23 =	simm.s32 $0x1B8B  }
0xa2: {  	_ =	swait.ge [sflag:s23], $0x1  }
0xa3: {  	[sflag:s23] =	ssyncset.done $0x0  }
0xa4: {  	s25 =	simm.s32 $0x1B8E;
	s24 =	sld [smem:$0x3FFE];
	[sflag:s23] =	ssyncadd.s32 $0xFFFFFFFF  }
0xa5: {  	s26 =	simm.s32 $execute0_lowered;
	[smem:$0x3FD2] =	sst s25  }
0xa6: {  	s4 =	sshll.u32 s26, $0x1;
	_ =	strace $0x80000046;
	[dreg:$0x1] =	wrdreg $0xFFFFFFFF  }
0xa7: {  	s28 =	simm.s32 $_size_execute0_lowered;
	s2 =	sadd.s32 s2, s4;
	[dreg:$0x0] =	wrdreg $0x0  }
0xa8: {  	s4 =	sshll.u32 s28, $0x1;
	[dreg:$0x2] =	wrdreg s2  }
0xa9: {  	[dreg:$0x3] =	wrdreg s4  }
0xaa: {  	[dreg:$0x4] =	wrdreg $0xC0  }
0xab: {  	_ =	task [dreg:s6], $0x5FFFF  }
0xac: {  	[dreg:$0x1] =	wrdreg $0xFFFFFFFF  }
0xad: {  	[dreg:$0x0] =	wrdreg $0x60  }
0xae: {  	[dreg:$0x2] =	wrdreg s24  }
0xaf: {  	[dreg:$0x3] =	wrdreg $0x40000  }
0xb0: {  	[dreg:$0x4] =	wrdreg $0xE0000  }
0xb1: {  	[dreg:$0x5] =	wrdreg $0x108000  }
0xb2: {  	[dreg:$0x6] =	wrdreg $0x9  }
0xb3: {  	_ =	task.clear_ibuf [dreg:s6], $0x7FFFF;
	_ =	strace $0x90000046  }
0xb4: {  	s29 =	simm.s32 $0x9;
	_ =	strace $0x80000048  }
0xb5: {  	_ =	swait.ge [sflag:s29], $0x1  }
0xb6: {  	[sflag:s29] =	ssyncadd.s32 $0xFFFFFFFF  }
0xb7: {  	_ =	strace $0x90000048  }
0xb8: {  	_ =	sfence  }
0xb9: {  	s30 =	sld [smem:$0x0];
	_ =	sdelay $0x2  }
0xba: {  	s31 =	sshll.u32 s1, $0xD;
	s1 =	sshrl.u32 s1, $0x2  }
0xbb: {  	s3 =	sand.u32 $0x4000, s31;
	s1 =	sadd.s32 s1, s30  }
0xbc: {  	s0 =	sor.u32 s3, s0;
	s1 =	sshll.u32 s1, $0x11  }
0xbd: {  	s0 =	sor.u32 s1, s0  }
0xbe: {  	s0 =	sadd.s32 $0x8F2B, s0  }
0xbf: {  	[sflag:s0] =	ssyncadd.remote.s32 $0x1  }
0xc0: {  	_ =	sfence.sel $0xFFFF  }
0xc1: {  	[dreg:$0x0] =	wrdreg $0xFFFFFFFF;
	(pc) =	sbr.abs _section_cstart, $3  }
0xc2: {  	[dreg:$0x1] =	wrdreg $0xFFFFFFFF  }
0xc3: {  	_ =	task.clear_ibuf [dreg:s6], $0x2FFFF;
	_ =	strace $0x9FFFFFFF  }
0xc4: {  	(tm) =	ssettm $0x7FFFFFFF  }
0xc5: {  	_ =	shalt  }
tec
execute0_lowered:
.L_overlay_start_1:
0x0: {  	(tag) =	ssettag $0x1  }
0x1: {  	s0 =	rddreg [dreg:$0x0]  }
0x2: {  	s1 =	rddreg [dreg:$0x1]  }
0x3: {  	s3 =	rddreg [dreg:$0x2]  }
0x4: {  	s4 =	rddreg [dreg:$0x3];
	s2 =	srdreg.scid  }
0x5: {  	s14 =	stileid.u32;
	s5 =	simm.s32 $0x0;
	s28 =	simm.s32 $0x1000  }
0x6: {  	s29 =	simm.s32 $0x3000;
	s30 =	simm.s32 $0x100;
	s31 =	simm.s32 $0x180  }
0x7: {  	s20 =	simm.s32 $0x580;
	s2 =	sand.u32 $0x1, s2;
	s8 =	smul.u32 $0x14000, s14  }
0x8: {  	[smem:$0x7FF] =	sst s5;
	s6 =	sadd.s32 $0x31800, s0;
	s11 =	smul.u32 $0x2800, s14  }
0x9: {  	s7 =	sadd.s32 $0x2B400, s0;
	s9 =	sadd.s32 $0x45800, s0;
	s13 =	sadd.s32 $0x30400, s0  }
0xa: {  	s21 =	sadd.s32 $0x63800, s0;
	_ =	strace $0x80000047;
	[dreg:$0x5] =	wrdreg s9  }
0xb: {  	s22 =	sadd.s32 $0x63E00, s0;
	s10 =	smul.u32 $0x140000, s2;
	[dreg:$0x6] =	wrdreg s13  }
0xc: {  	s14 =	sshll.u32 s14, $0x8;
	s12 =	smul.u32 $0x28000, s2;
	[dreg:$0x7] =	wrdreg s21  }
0xd: {  	s9 =	sadd.s32 $0x59800, s0;
	[dreg:$0x8] =	wrdreg s22;
	s23 =	ssub.s32 $0x2, s2  }
0xe: {  	s24 =	sshll.u32 s2, $0x6;
	s15 =	smul.u32 $0x70000, s2;
	s18 =	sshll.u32 s2, $0x5  }
0xf: {  	s2 =	smul.u32 $0x38000, s2;
	s21 =	simm.s32 $0x600;
	s13 =	sxor.u32 $0x70, s24  }
0x10: {  	s16 =	sshrl.u32 s23, $0x1;
	s19 =	sxor.u32 $0x38, s18;
	s26 =	sadd.s32 s11, s3  }
0x11: {  	s18 =	simm.s32 $0x0;
	s10 =	sadd.s32 s8, s10;
	s17 =	smul.u32 s14, s13  }
0x12: {  	s12 =	sadd.s32 s11, s12;
	s8 =	sshrl.u32 s8, $0x1;
	s25 =	smul.u32 s14, s19  }
0x13: {  	[dreg:$0xa] =	wrdreg s26;
	s11 =	sadd.s32 s11, s4;
	s22 =	sshrl.u32 s13, $0x4  }
0x14: {  	s13 =	simm.s32 $0x400;
	s14 =	simm.s32 $0x480;
	s10 =	sshrl.u32 s10, $0x4  }
0x15: {  	s12 =	sshrl.u32 s12, $0x3;
	s8 =	sadd.s32 s8, s1;
	[dreg:$0xb] =	wrdreg s11  }
0x16: {  	[dreg:$0xe] =	wrdreg s22;
	s10 =	sadd.s32 s10, s0;
	s0 =	sadd.s32 s12, s0  }
0x17: {  	s12 =	ssub.s32 s23, s16;
	[dreg:$0x9] =	wrdreg s8;
	s16 =	sadd.s32 s15, s17  }
0x18: {  	s22 =	simm.s32 $0x680;
	s23 =	sshrl.u32 s19, $0x3;
	[dreg:$0xc] =	wrdreg s16  }
0x19: {  	s11 =	simm.s32 $0x780;
	s17 =	sadd.s32 s2, s25;
	[dreg:$0xf] =	wrdreg s23  }
0x1a: {  	s2 =	simm.s32 $0x280;
	s24 =	sadd.s32 $0x78000, s10;
	[dreg:$0xd] =	wrdreg s17  }
0x1b: {  	s15 =	simm.s32 $0x500;
	s25 =	sadd.s32 $0x6E000, s0;
	[dreg:$0x10] =	wrdreg s24  }
0x1c: {  	s0 =	sadd.s32 $0x64000, s0;
	s26 =	smax.u32 s12, $0x1;
	[dreg:$0x11] =	wrdreg s25  }
0x1d: {  	s10 =	simm.s32 $0x300;
	s12 =	simm.s32 $0x380;
	[dreg:$0x12] =	wrdreg s0  }
0x1e: {  	s23 =	simm.s32 $0x700;
	[dreg:$0x13] =	wrdreg s26;
	s24 =	simm.s32 $0x3800  }
0x1f: {  	s25 =	simm.s32 $0x1;
	s26 =	simm.s32 $0x80;
	s0 =	simm.s32 $0x200  }
.LBB2_1:
0x20: {  	[dreg:$0x14] =	wrdreg s18  }
0x21: {  	s8 =	rddreg [dreg:$0x8]  }
0x22: {  	[tilespmem:s24], [sflag:$0x1] =	stream.linear.gather [hbm4b:s8+s5], $0x800, $0x38;
	[tilespmem:$0x13000] =	vst v63  }
0x23: {  	s19 =	stileid.u32;
	_ =	swait.ge [sflag:s25], $0x800  }
0x24: {  	s8 =	sshll.u32 s19, $0x6;
	s16 =	rddreg [dreg:$0x9]  }
0x25: {  	[sflag:s25] =	ssyncset.done $0x0;
	s18 =	rddreg [dreg:$0x6];
	s16 =	sshrl.u32 s16, $0x3  }
0x26: {  	s17 =	sor.u32 $0x1C01, s8;
	[sflag:s25] =	ssyncadd.s32 $0xFFFFF800;
	[dreg:$0x16] =	wrdreg s16  }
0x27: {  	[spmem:s16], [sflag:s17] =	dma.local [hbm:s18], $0x1400  }
0x28: {  	_ =	swait.ge [sflag:s25], $0x1400  }
0x29: {  	s19 =	rddreg [dreg:$0xa]  }
0x2a: {  	[sflag:s25] =	ssyncset.done $0x0;
	s18 =	rddreg [dreg:$0x7];
	s8 =	sshrl.u32 s19, $0x3  }
0x2b: {  	[sflag:s25] =	ssyncadd.s32 $0xFFFFEC00;
	[dreg:$0x17] =	wrdreg s8  }
0x2c: {  	[spmem:s8], [sflag:s17] =	dma.local [hbm:s18], $0x500  }
0x2d: {  	_ =	swait.ge [sflag:s25], $0x500  }
0x2e: {  	s19 =	rddreg [dreg:$0xb]  }
0x2f: {  	[dreg:$0x15] =	wrdreg s17;
	[sflag:s25] =	ssyncset.done $0x0;
	s16 =	sshrl.u32 s19, $0x3  }
0x30: {  	[sflag:s25] =	ssyncadd.s32 $0xFFFFFB00;
	[dreg:$0x18] =	wrdreg s16  }
0x31: {  	[spmem:s16], [sflag:s17] =	dma.local [hbm:s18], $0x500  }
0x32: {  	_ =	swait.ge [sflag:s25], $0x500  }
0x33: {  	[sflag:s25] =	ssyncset.done $0x0  }
0x34: {  	[sflag:s25] =	ssyncadd.s32 $0xFFFFFB00  }
0x35: {  	s17 =	simm.s32 $0x0;
	[bflag:$0x0] =	sbarrier.arrive $0xFFFF  }
.LBB2_2:
0x36: {  	s8 =	sshll.u32 s17, $0xC;
	s16 =	rddreg [dreg:$0xc]  }
0x37: {  	s8 =	sadd.s32 s16, s8  }
0x38: {  	s19 =	rddreg [dreg:$0x5];
	s8 =	sshrl.u32 s8, $0x3  }
0x39: {  	s8 =	sadd.s32 s19, s8;
	s19 =	simm.s32 $0x0  }
0x3a: {  	[tilespmem:s19], [sflag:$0x1] =	stream.linear.gather [hbm4b:s8+s19], $0x1000, $0x38;
	[tilespmem:$0x13000] =	vst v63  }
0x3b: {  	_ =	swait.ge [sflag:s25], $0x1000  }
0x3c: {  	[sflag:s25] =	ssyncset.done $0x0  }
0x3d: {  	s18 =	simm.s32 $0x0;
	[sflag:s25] =	ssyncadd.s32 $0xFFFFF000  }
0x3e: {  	[tilespmem:s28], [sflag:$0x1] =	stream.indirect.gather [hbm4b:s6+s26], $0x40, s18, s26, $0xb8;
	[tilespmem:$0x13000] =	vst v63  }
0x3f: {  	_ =	swait.ge [sflag:s25], $0x2000  }
0x40: {  	[sflag:s25] =	ssyncset.done $0x0  }
0x41: {  	s19 =	simm.s32 $0x80;
	[sflag:s25] =	ssyncadd.s32 $0xFFFFE000  }
0x42: {  	[spmem:s1] =	stream.indirect.scatter.add.bf16 [tilespmem:s28], [sflag:$0x1], $0x40, s19, s26, $0xb8;
	[tilespmem:$0x13000] =	vst v63  }
0x43: {  	_ =	swait.ge [sflag:s25], $0x2000  }
0x44: {  	[sflag:s25] =	ssyncset.done $0x0  }
0x45: {  	[sflag:s25] =	ssyncadd.s32 $0xFFFFE000  }
0x46: {  	[spmem:s3] =	stream.indirect.scatter.add.f32 [tilespmem:s24], [sflag:$0x1], $0x10, s19, s26, $0xb8;
	[tilespmem:$0x13000] =	vst v63  }
0x47: {  	_ =	swait.ge [sflag:s25], $0x800  }
0x48: {  	s8 =	simm.s32 $0x800;
	s19 =	simm.s32 $0x400;
	[sflag:s25] =	ssyncset.done $0x0  }
.LBB2_3:
0x49: {  	s16 =	sshra.s32 s19, $0x2  }
0x4a: {  	[sflag:s25] =	ssyncadd.s32 $0xFFFFF800;
	s19 =	smov.u32 s8;
	s18 =	sadd.s32 $0x400, s8  }
0x4b: {  	[tilespmem:s28], [sflag:$0x1] =	stream.indirect.gather [hbm4b:s6+s26], $0x40, s16, s26, $0xb8;
	[tilespmem:$0x13000] =	vst v63  }
0x4c: {  	p0 =	sne.s32 s8, $0x3C00;
	_ =	swait.ge [sflag:s25], $0x2000  }
0x4d: {  	[sflag:s25] =	ssyncset.done $0x0  }
0x4e: {  	s8 =	sadd.s32 $0x80, s16;
	[sflag:s25] =	ssyncadd.s32 $0xFFFFE000  }
0x4f: {  	[spmem:s1] =	stream.indirect.scatter.add.bf16 [tilespmem:s28], [sflag:$0x1], $0x40, s8, s26, $0xb8;
	[tilespmem:$0x13000] =	vst v63  }
0x50: {  	_ =	swait.ge [sflag:s25], $0x2000  }
.Ltmp0:
0x51: {  	[sflag:s25] =	ssyncset.done $0x0;
	(pc) =	sbr.rel @p0 .LBB2_3-.Ltmp0, $4  }
0x52: {  	[sflag:s25] =	ssyncadd.s32 $0xFFFFE000  }
0x53: {  	[spmem:s3] =	stream.indirect.scatter.add.f32 [tilespmem:s24], [sflag:$0x1], $0x10, s8, s26, $0xb8;
	[tilespmem:$0x13000] =	vst v63  }
0x54: {  	_ =	swait.ge [sflag:s25], $0x800  }
0x55: {  	s8 =	smov.u32 s18;
	[sflag:s25] =	ssyncset.done $0x0  }
0x56: {  	s8 =	sshra.s32 s19, $0x2;
	[sflag:s25] =	ssyncadd.s32 $0xFFFFF800  }
0x57: {  	[tilespmem:s28], [sflag:$0x1] =	stream.indirect.gather [hbm4b:s6+s26], $0x40, s8, s26, $0xb8;
	[tilespmem:$0x13000] =	vst v63  }
0x58: {  	_ =	swait.ge [sflag:s25], $0x2000  }
0x59: {  	[sflag:s25] =	ssyncset.done $0x0  }
0x5a: {  	s8 =	sadd.s32 $0x80, s8;
	[sflag:s25] =	ssyncadd.s32 $0xFFFFE000  }
0x5b: {  	[spmem:s1] =	stream.indirect.scatter.add.bf16 [tilespmem:s28], [sflag:$0x1], $0x40, s8, s26, $0xb8;
	[tilespmem:$0x13000] =	vst v63  }
0x5c: {  	_ =	swait.ge [sflag:s25], $0x2000  }
0x5d: {  	[sflag:s25] =	ssyncset.done $0x0  }
0x5e: {  	[sflag:s25] =	ssyncadd.s32 $0xFFFFE000  }
0x5f: {  	[spmem:s3] =	stream.indirect.scatter.add.f32 [tilespmem:s24], [sflag:$0x1], $0x10, s8, s26, $0xb8;
	[tilespmem:$0x13000] =	vst v63  }
0x60: {  	_ =	swait.ge [sflag:s25], $0x800  }
0x61: {  	s17 =	sadd.s32 $0x1, s17;
	s19 =	rddreg [dreg:$0xe]  }
0x62: {  	p0 =	sne.s32 s17, s19  }
.Ltmp1:
0x63: {  	_ = 	snop;
	(pc) =	sbr.rel @p0 .LBB2_2-.Ltmp1, $3  }
0x64: {  	_ =	sdelay $0x1  }
0x65: {  	[sflag:s25] =	ssyncset.done $0x0  }
0x66: {  	[sflag:s25] =	ssyncadd.s32 $0xFFFFF800  }
0x67: {  	s8 =	rddreg [dreg:$0xf]  }
0x68: {  	p1 =	sne.s32 s8, $0x1  }
.Ltmp2:
0x69: {  	_ = 	snop;
	(pc) =	sbr.rel @!p1 .LBB2_6-.Ltmp2, $3  }
0x6a: {  	_ =	sdelay $0x1  }
0x6b: {  	s16 =	rddreg [dreg:$0xd]  }
0x6c: {  	p0 =	por $0x0, $0x0;
	s17 =	sadd.s32 $0xFFFFFFFF, s8;
	s8 =	sshrl.u32 s16, $0x3  }
0x6d: {  	s8 =	sadd.s32 s9, s8  }
0x6e: {  	[tilespmem:s5], [sflag:$0x1] =	stream.linear.gather [hbm4b:s8+s5], $0x800, $0x38;
	[tilespmem:$0x13000] =	vst v63  }
0x6f: {  	_ =	swait.ge [sflag:s25], $0x800  }
0x70: {  	[sflag:s25] =	ssyncset.done $0x0  }
0x71: {  	[sflag:s25] =	ssyncadd.s32 $0xFFFFF800  }
0x72: {  	[tilespmem:s29], [sflag:$0x1] =	stream.indirect.gather [hbm4b:s7+s26], $0x10, s5, s26, $0xb8;
	[tilespmem:$0x13000] =	vst v63  }
0x73: {  	_ =	swait.ge [sflag:s25], $0x800  }
0x74: {  	[sflag:s25] =	ssyncset.done $0x0  }
0x75: {  	[sflag:s25] =	ssyncadd.s32 $0xFFFFF800  }
0x76: {  	[spmem:s4] =	stream.indirect.scatter.add.f32 [tilespmem:s29], [sflag:$0x1], $0x10, s26, s26, $0xb8;
	[tilespmem:$0x13000] =	vst v63  }
0x77: {  	_ =	swait.ge [sflag:s25], $0x800  }
0x78: {  	[sflag:s25] =	ssyncset.done $0x0  }
0x79: {  	[sflag:s25] =	ssyncadd.s32 $0xFFFFF800  }
0x7a: {  	[tilespmem:s29], [sflag:$0x1] =	stream.indirect.gather [hbm4b:s7+s26], $0x10, s30, s26, $0xb8;
	[tilespmem:$0x13000] =	vst v63  }
0x7b: {  	_ =	swait.ge [sflag:s25], $0x800  }
0x7c: {  	[sflag:s25] =	ssyncset.done $0x0  }
0x7d: {  	[sflag:s25] =	ssyncadd.s32 $0xFFFFF800  }
0x7e: {  	[spmem:s4] =	stream.indirect.scatter.add.f32 [tilespmem:s29], [sflag:$0x1], $0x10, s31, s26, $0xb8;
	[tilespmem:$0x13000] =	vst v63  }
0x7f: {  	_ =	swait.ge [sflag:s25], $0x800  }
0x80: {  	[sflag:s25] =	ssyncset.done $0x0  }
0x81: {  	[sflag:s25] =	ssyncadd.s32 $0xFFFFF800  }
0x82: {  	[tilespmem:s29], [sflag:$0x1] =	stream.indirect.gather [hbm4b:s7+s26], $0x10, s0, s26, $0xb8;
	[tilespmem:$0x13000] =	vst v63  }
0x83: {  	_ =	swait.ge [sflag:s25], $0x800  }
0x84: {  	[sflag:s25] =	ssyncset.done $0x0  }
0x85: {  	[sflag:s25] =	ssyncadd.s32 $0xFFFFF800  }
0x86: {  	[spmem:s4] =	stream.indirect.scatter.add.f32 [tilespmem:s29], [sflag:$0x1], $0x10, s2, s26, $0xb8;
	[tilespmem:$0x13000] =	vst v63  }
0x87: {  	_ =	swait.ge [sflag:s25], $0x800  }
0x88: {  	[sflag:s25] =	ssyncset.done $0x0  }
0x89: {  	[sflag:s25] =	ssyncadd.s32 $0xFFFFF800  }
0x8a: {  	[tilespmem:s29], [sflag:$0x1] =	stream.indirect.gather [hbm4b:s7+s26], $0x10, s10, s26, $0xb8;
	[tilespmem:$0x13000] =	vst v63  }
0x8b: {  	_ =	swait.ge [sflag:s25], $0x800  }
0x8c: {  	[sflag:s25] =	ssyncset.done $0x0  }
0x8d: {  	[sflag:s25] =	ssyncadd.s32 $0xFFFFF800  }
0x8e: {  	[spmem:s4] =	stream.indirect.scatter.add.f32 [tilespmem:s29], [sflag:$0x1], $0x10, s12, s26, $0xb8;
	[tilespmem:$0x13000] =	vst v63  }
0x8f: {  	_ =	swait.ge [sflag:s25], $0x800  }
0x90: {  	[sflag:s25] =	ssyncset.done $0x0  }
0x91: {  	[sflag:s25] =	ssyncadd.s32 $0xFFFFF800  }
0x92: {  	[tilespmem:s29], [sflag:$0x1] =	stream.indirect.gather [hbm4b:s7+s26], $0x10, s13, s26, $0xb8;
	[tilespmem:$0x13000] =	vst v63  }
0x93: {  	_ =	swait.ge [sflag:s25], $0x800  }
0x94: {  	[sflag:s25] =	ssyncset.done $0x0  }
0x95: {  	[sflag:s25] =	ssyncadd.s32 $0xFFFFF800  }
0x96: {  	[spmem:s4] =	stream.indirect.scatter.add.f32 [tilespmem:s29], [sflag:$0x1], $0x10, s14, s26, $0xb8;
	[tilespmem:$0x13000] =	vst v63  }
0x97: {  	_ =	swait.ge [sflag:s25], $0x800  }
0x98: {  	[sflag:s25] =	ssyncset.done $0x0  }
0x99: {  	[sflag:s25] =	ssyncadd.s32 $0xFFFFF800  }
0x9a: {  	[tilespmem:s29], [sflag:$0x1] =	stream.indirect.gather [hbm4b:s7+s26], $0x10, s15, s26, $0xb8;
	[tilespmem:$0x13000] =	vst v63  }
0x9b: {  	_ =	swait.ge [sflag:s25], $0x800  }
0x9c: {  	[sflag:s25] =	ssyncset.done $0x0  }
0x9d: {  	[sflag:s25] =	ssyncadd.s32 $0xFFFFF800  }
0x9e: {  	[spmem:s4] =	stream.indirect.scatter.add.f32 [tilespmem:s29], [sflag:$0x1], $0x10, s20, s26, $0xb8;
	[tilespmem:$0x13000] =	vst v63  }
0x9f: {  	_ =	swait.ge [sflag:s25], $0x800  }
0xa0: {  	[sflag:s25] =	ssyncset.done $0x0  }
0xa1: {  	[sflag:s25] =	ssyncadd.s32 $0xFFFFF800  }
0xa2: {  	[tilespmem:s29], [sflag:$0x1] =	stream.indirect.gather [hbm4b:s7+s26], $0x10, s21, s26, $0xb8;
	[tilespmem:$0x13000] =	vst v63  }
0xa3: {  	_ =	swait.ge [sflag:s25], $0x800  }
0xa4: {  	[sflag:s25] =	ssyncset.done $0x0  }
0xa5: {  	[sflag:s25] =	ssyncadd.s32 $0xFFFFF800  }
0xa6: {  	[spmem:s4] =	stream.indirect.scatter.add.f32 [tilespmem:s29], [sflag:$0x1], $0x10, s22, s26, $0xb8;
	[tilespmem:$0x13000] =	vst v63  }
0xa7: {  	_ =	swait.ge [sflag:s25], $0x800  }
0xa8: {  	[sflag:s25] =	ssyncset.done $0x0  }
0xa9: {  	[sflag:s25] =	ssyncadd.s32 $0xFFFFF800  }
0xaa: {  	[tilespmem:s29], [sflag:$0x1] =	stream.indirect.gather [hbm4b:s7+s26], $0x10, s23, s26, $0xb8;
	[tilespmem:$0x13000] =	vst v63  }
0xab: {  	p1 =	sne.s32 s17, $0x1;
	_ =	swait.ge [sflag:s25], $0x800  }
.Ltmp3:
0xac: {  	[sflag:s25] =	ssyncset.done $0x0;
	(pc) =	sbr.rel @!p1 .LBB2_9-.Ltmp3, $4  }
0xad: {  	s17 =	sadd.s32 $0xFFFFFFFF, s17;
	[sflag:s25] =	ssyncadd.s32 $0xFFFFF800  }
0xae: {  	[spmem:s4] =	stream.indirect.scatter.add.f32 [tilespmem:s29], [sflag:$0x1], $0x10, s11, s26, $0xb8;
	[tilespmem:$0x13000] =	vst v63  }
0xaf: {  	s19 =	sadd.s32 $0x800, s16;
	p0 =	por $0x1, $0x1;
	_ =	swait.ge [sflag:s25], $0x800  }
0xb0: {  	s8 =	sshrl.u32 s19, $0x3;
	[sflag:s25] =	ssyncset.done $0x0;
	s18 =	rddreg [dreg:$0x14]  }
.LBB2_8:
0xb1: {  	p1 =	sne.s32 s17, $0x1;
	s8 =	sadd.s32 s9, s8;
	[sflag:s25] =	ssyncadd.s32 $0xFFFFF800  }
0xb2: {  	[tilespmem:s5], [sflag:$0x1] =	stream.linear.gather [hbm4b:s8+s5], $0x800, $0x38;
	[tilespmem:$0x13000] =	vst v63  }
0xb3: {  	s17 =	sadd.s32 $0xFFFFFFFF, s17;
	_ =	swait.ge [sflag:s25], $0x800  }
0xb4: {  	[sflag:s25] =	ssyncset.done $0x0  }
0xb5: {  	[sflag:s25] =	ssyncadd.s32 $0xFFFFF800  }
0xb6: {  	[tilespmem:s29], [sflag:$0x1] =	stream.indirect.gather [hbm4b:s7+s26], $0x10, s5, s26, $0xb8;
	[tilespmem:$0x13000] =	vst v63  }
0xb7: {  	_ =	swait.ge [sflag:s25], $0x800  }
0xb8: {  	[sflag:s25] =	ssyncset.done $0x0  }
0xb9: {  	[sflag:s25] =	ssyncadd.s32 $0xFFFFF800  }
0xba: {  	[spmem:s4] =	stream.indirect.scatter.add.f32 [tilespmem:s29], [sflag:$0x1], $0x10, s26, s26, $0xb8;
	[tilespmem:$0x13000] =	vst v63  }
0xbb: {  	_ =	swait.ge [sflag:s25], $0x800  }
0xbc: {  	[sflag:s25] =	ssyncset.done $0x0  }
0xbd: {  	[sflag:s25] =	ssyncadd.s32 $0xFFFFF800  }
0xbe: {  	[tilespmem:s29], [sflag:$0x1] =	stream.indirect.gather [hbm4b:s7+s26], $0x10, s30, s26, $0xb8;
	[tilespmem:$0x13000] =	vst v63  }
0xbf: {  	_ =	swait.ge [sflag:s25], $0x800  }
0xc0: {  	[sflag:s25] =	ssyncset.done $0x0  }
0xc1: {  	[sflag:s25] =	ssyncadd.s32 $0xFFFFF800  }
0xc2: {  	[spmem:s4] =	stream.indirect.scatter.add.f32 [tilespmem:s29], [sflag:$0x1], $0x10, s31, s26, $0xb8;
	[tilespmem:$0x13000] =	vst v63  }
0xc3: {  	_ =	swait.ge [sflag:s25], $0x800  }
0xc4: {  	[sflag:s25] =	ssyncset.done $0x0  }
0xc5: {  	[sflag:s25] =	ssyncadd.s32 $0xFFFFF800  }
0xc6: {  	[tilespmem:s29], [sflag:$0x1] =	stream.indirect.gather [hbm4b:s7+s26], $0x10, s0, s26, $0xb8;
	[tilespmem:$0x13000] =	vst v63  }
0xc7: {  	_ =	swait.ge [sflag:s25], $0x800  }
0xc8: {  	[sflag:s25] =	ssyncset.done $0x0  }
0xc9: {  	[sflag:s25] =	ssyncadd.s32 $0xFFFFF800  }
0xca: {  	[spmem:s4] =	stream.indirect.scatter.add.f32 [tilespmem:s29], [sflag:$0x1], $0x10, s2, s26, $0xb8;
	[tilespmem:$0x13000] =	vst v63  }
0xcb: {  	_ =	swait.ge [sflag:s25], $0x800  }
0xcc: {  	[sflag:s25] =	ssyncset.done $0x0  }
0xcd: {  	[sflag:s25] =	ssyncadd.s32 $0xFFFFF800  }
0xce: {  	[tilespmem:s29], [sflag:$0x1] =	stream.indirect.gather [hbm4b:s7+s26], $0x10, s10, s26, $0xb8;
	[tilespmem:$0x13000] =	vst v63  }
0xcf: {  	_ =	swait.ge [sflag:s25], $0x800  }
0xd0: {  	[sflag:s25] =	ssyncset.done $0x0  }
0xd1: {  	[sflag:s25] =	ssyncadd.s32 $0xFFFFF800  }
0xd2: {  	[spmem:s4] =	stream.indirect.scatter.add.f32 [tilespmem:s29], [sflag:$0x1], $0x10, s12, s26, $0xb8;
	[tilespmem:$0x13000] =	vst v63  }
0xd3: {  	_ =	swait.ge [sflag:s25], $0x800  }
0xd4: {  	[sflag:s25] =	ssyncset.done $0x0  }
0xd5: {  	[sflag:s25] =	ssyncadd.s32 $0xFFFFF800  }
0xd6: {  	[tilespmem:s29], [sflag:$0x1] =	stream.indirect.gather [hbm4b:s7+s26], $0x10, s13, s26, $0xb8;
	[tilespmem:$0x13000] =	vst v63  }
0xd7: {  	_ =	swait.ge [sflag:s25], $0x800  }
0xd8: {  	[sflag:s25] =	ssyncset.done $0x0  }
0xd9: {  	[sflag:s25] =	ssyncadd.s32 $0xFFFFF800  }
0xda: {  	[spmem:s4] =	stream.indirect.scatter.add.f32 [tilespmem:s29], [sflag:$0x1], $0x10, s14, s26, $0xb8;
	[tilespmem:$0x13000] =	vst v63  }
0xdb: {  	_ =	swait.ge [sflag:s25], $0x800  }
0xdc: {  	[sflag:s25] =	ssyncset.done $0x0  }
0xdd: {  	[sflag:s25] =	ssyncadd.s32 $0xFFFFF800  }
0xde: {  	[tilespmem:s29], [sflag:$0x1] =	stream.indirect.gather [hbm4b:s7+s26], $0x10, s15, s26, $0xb8;
	[tilespmem:$0x13000] =	vst v63  }
0xdf: {  	_ =	swait.ge [sflag:s25], $0x800  }
0xe0: {  	[sflag:s25] =	ssyncset.done $0x0  }
0xe1: {  	[sflag:s25] =	ssyncadd.s32 $0xFFFFF800  }
0xe2: {  	[spmem:s4] =	stream.indirect.scatter.add.f32 [tilespmem:s29], [sflag:$0x1], $0x10, s20, s26, $0xb8;
	[tilespmem:$0x13000] =	vst v63  }
0xe3: {  	_ =	swait.ge [sflag:s25], $0x800  }
0xe4: {  	[sflag:s25] =	ssyncset.done $0x0  }
0xe5: {  	[sflag:s25] =	ssyncadd.s32 $0xFFFFF800  }
0xe6: {  	[tilespmem:s29], [sflag:$0x1] =	stream.indirect.gather [hbm4b:s7+s26], $0x10, s21, s26, $0xb8;
	[tilespmem:$0x13000] =	vst v63  }
0xe7: {  	_ =	swait.ge [sflag:s25], $0x800  }
0xe8: {  	[sflag:s25] =	ssyncset.done $0x0  }
0xe9: {  	[sflag:s25] =	ssyncadd.s32 $0xFFFFF800  }
0xea: {  	[spmem:s4] =	stream.indirect.scatter.add.f32 [tilespmem:s29], [sflag:$0x1], $0x10, s22, s26, $0xb8;
	[tilespmem:$0x13000] =	vst v63  }
0xeb: {  	_ =	swait.ge [sflag:s25], $0x800  }
0xec: {  	[sflag:s25] =	ssyncset.done $0x0  }
0xed: {  	[sflag:s25] =	ssyncadd.s32 $0xFFFFF800  }
0xee: {  	[tilespmem:s29], [sflag:$0x1] =	stream.indirect.gather [hbm4b:s7+s26], $0x10, s23, s26, $0xb8;
	[tilespmem:$0x13000] =	vst v63  }
0xef: {  	_ =	swait.ge [sflag:s25], $0x800  }
.Ltmp4:
0xf0: {  	[sflag:s25] =	ssyncset.done $0x0;
	(pc) =	sbr.rel @p1 .LBB2_8-.Ltmp4, $4  }
0xf1: {  	[sflag:s25] =	ssyncadd.s32 $0xFFFFF800  }
0xf2: {  	[spmem:s4] =	stream.indirect.scatter.add.f32 [tilespmem:s29], [sflag:$0x1], $0x10, s11, s26, $0xb8;
	[tilespmem:$0x13000] =	vst v63  }
0xf3: {  	s19 =	sadd.s32 $0x800, s19;
	_ =	swait.ge [sflag:s25], $0x800  }
0xf4: {  	s8 =	sshrl.u32 s19, $0x3;
	[sflag:s25] =	ssyncset.done $0x0  }
.LBB2_9:
0xf5: {  	s8 =	sadd.s32 s9, s8;
	[sflag:s25] =	ssyncadd.s32 @p0 $0xFFFFF800  }
0xf6: {  	[tilespmem:s5], [sflag:$0x1] =	stream.linear.gather [hbm4b:s8+s5], $0x800, $0x38;
	[tilespmem:$0x13000] =	vst v63  }
0xf7: {  	_ =	swait.ge [sflag:s25], $0x800  }
0xf8: {  	[sflag:s25] =	ssyncset.done $0x0  }
0xf9: {  	[sflag:s25] =	ssyncadd.s32 $0xFFFFF800  }
0xfa: {  	[tilespmem:s29], [sflag:$0x1] =	stream.indirect.gather [hbm4b:s7+s26], $0x10, s5, s26, $0xb8;
	[tilespmem:$0x13000] =	vst v63  }
0xfb: {  	_ =	swait.ge [sflag:s25], $0x800  }
0xfc: {  	[sflag:s25] =	ssyncset.done $0x0  }
0xfd: {  	[sflag:s25] =	ssyncadd.s32 $0xFFFFF800  }
0xfe: {  	[spmem:s4] =	stream.indirect.scatter.add.f32 [tilespmem:s29], [sflag:$0x1], $0x10, s26, s26, $0xb8;
	[tilespmem:$0x13000] =	vst v63  }
0xff: {  	_ =	swait.ge [sflag:s25], $0x800  }
0x100: {  	[sflag:s25] =	ssyncset.done $0x0  }
0x101: {  	[sflag:s25] =	ssyncadd.s32 $0xFFFFF800  }
0x102: {  	[tilespmem:s29], [sflag:$0x1] =	stream.indirect.gather [hbm4b:s7+s26], $0x10, s30, s26, $0xb8;
	[tilespmem:$0x13000] =	vst v63  }
0x103: {  	_ =	swait.ge [sflag:s25], $0x800  }
0x104: {  	[sflag:s25] =	ssyncset.done $0x0  }
0x105: {  	[sflag:s25] =	ssyncadd.s32 $0xFFFFF800  }
0x106: {  	[spmem:s4] =	stream.indirect.scatter.add.f32 [tilespmem:s29], [sflag:$0x1], $0x10, s31, s26, $0xb8;
	[tilespmem:$0x13000] =	vst v63  }
0x107: {  	_ =	swait.ge [sflag:s25], $0x800  }
0x108: {  	[sflag:s25] =	ssyncset.done $0x0  }
0x109: {  	[sflag:s25] =	ssyncadd.s32 $0xFFFFF800  }
0x10a: {  	[tilespmem:s29], [sflag:$0x1] =	stream.indirect.gather [hbm4b:s7+s26], $0x10, s0, s26, $0xb8;
	[tilespmem:$0x13000] =	vst v63  }
0x10b: {  	_ =	swait.ge [sflag:s25], $0x800  }
0x10c: {  	[sflag:s25] =	ssyncset.done $0x0  }
0x10d: {  	[sflag:s25] =	ssyncadd.s32 $0xFFFFF800  }
0x10e: {  	[spmem:s4] =	stream.indirect.scatter.add.f32 [tilespmem:s29], [sflag:$0x1], $0x10, s2, s26, $0xb8;
	[tilespmem:$0x13000] =	vst v63  }
0x10f: {  	_ =	swait.ge [sflag:s25], $0x800  }
0x110: {  	[sflag:s25] =	ssyncset.done $0x0  }
0x111: {  	[sflag:s25] =	ssyncadd.s32 $0xFFFFF800  }
0x112: {  	[tilespmem:s29], [sflag:$0x1] =	stream.indirect.gather [hbm4b:s7+s26], $0x10, s10, s26, $0xb8;
	[tilespmem:$0x13000] =	vst v63  }
0x113: {  	_ =	swait.ge [sflag:s25], $0x800  }
0x114: {  	[sflag:s25] =	ssyncset.done $0x0  }
0x115: {  	[sflag:s25] =	ssyncadd.s32 $0xFFFFF800  }
0x116: {  	[spmem:s4] =	stream.indirect.scatter.add.f32 [tilespmem:s29], [sflag:$0x1], $0x10, s12, s26, $0xb8;
	[tilespmem:$0x13000] =	vst v63  }
0x117: {  	_ =	swait.ge [sflag:s25], $0x800  }
0x118: {  	[sflag:s25] =	ssyncset.done $0x0  }
0x119: {  	[sflag:s25] =	ssyncadd.s32 $0xFFFFF800  }
0x11a: {  	[tilespmem:s29], [sflag:$0x1] =	stream.indirect.gather [hbm4b:s7+s26], $0x10, s13, s26, $0xb8;
	[tilespmem:$0x13000] =	vst v63  }
0x11b: {  	_ =	swait.ge [sflag:s25], $0x800  }
0x11c: {  	[sflag:s25] =	ssyncset.done $0x0  }
0x11d: {  	[sflag:s25] =	ssyncadd.s32 $0xFFFFF800  }
0x11e: {  	[spmem:s4] =	stream.indirect.scatter.add.f32 [tilespmem:s29], [sflag:$0x1], $0x10, s14, s26, $0xb8;
	[tilespmem:$0x13000] =	vst v63  }
0x11f: {  	_ =	swait.ge [sflag:s25], $0x800  }
0x120: {  	[sflag:s25] =	ssyncset.done $0x0  }
0x121: {  	[sflag:s25] =	ssyncadd.s32 $0xFFFFF800  }
0x122: {  	[tilespmem:s29], [sflag:$0x1] =	stream.indirect.gather [hbm4b:s7+s26], $0x10, s15, s26, $0xb8;
	[tilespmem:$0x13000] =	vst v63  }
0x123: {  	_ =	swait.ge [sflag:s25], $0x800  }
0x124: {  	[sflag:s25] =	ssyncset.done $0x0  }
0x125: {  	[sflag:s25] =	ssyncadd.s32 $0xFFFFF800  }
0x126: {  	[spmem:s4] =	stream.indirect.scatter.add.f32 [tilespmem:s29], [sflag:$0x1], $0x10, s20, s26, $0xb8;
	[tilespmem:$0x13000] =	vst v63  }
0x127: {  	_ =	swait.ge [sflag:s25], $0x800  }
0x128: {  	[sflag:s25] =	ssyncset.done $0x0  }
0x129: {  	[sflag:s25] =	ssyncadd.s32 $0xFFFFF800  }
0x12a: {  	[tilespmem:s29], [sflag:$0x1] =	stream.indirect.gather [hbm4b:s7+s26], $0x10, s21, s26, $0xb8;
	[tilespmem:$0x13000] =	vst v63  }
0x12b: {  	_ =	swait.ge [sflag:s25], $0x800  }
0x12c: {  	[sflag:s25] =	ssyncset.done $0x0  }
0x12d: {  	[sflag:s25] =	ssyncadd.s32 $0xFFFFF800  }
0x12e: {  	[spmem:s4] =	stream.indirect.scatter.add.f32 [tilespmem:s29], [sflag:$0x1], $0x10, s22, s26, $0xb8;
	[tilespmem:$0x13000] =	vst v63  }
0x12f: {  	_ =	swait.ge [sflag:s25], $0x800  }
0x130: {  	[sflag:s25] =	ssyncset.done $0x0  }
0x131: {  	[sflag:s25] =	ssyncadd.s32 $0xFFFFF800  }
0x132: {  	[tilespmem:s29], [sflag:$0x1] =	stream.indirect.gather [hbm4b:s7+s26], $0x10, s23, s26, $0xb8;
	[tilespmem:$0x13000] =	vst v63  }
0x133: {  	_ =	swait.ge [sflag:s25], $0x800  }
0x134: {  	[sflag:s25] =	ssyncset.done $0x0  }
0x135: {  	[sflag:s25] =	ssyncadd.s32 $0xFFFFF800  }
0x136: {  	[spmem:s4] =	stream.indirect.scatter.add.f32 [tilespmem:s29], [sflag:$0x1], $0x10, s11, s26, $0xb8;
	[tilespmem:$0x13000] =	vst v63  }
0x137: {  	_ =	swait.ge [sflag:s25], $0x800  }
0x138: {  	[sflag:s25] =	ssyncset.done $0x0  }
0x139: {  	[sflag:s25] =	ssyncadd.s32 $0xFFFFF800  }
0x13a: {  	[bflag:$0x0] =	sbarrier.arrive $0xFFFF  }
0x13b: {  	s16 =	rddreg [dreg:$0x10]  }
0x13c: {  	s17 =	rddreg [dreg:$0x15]  }
0x13d: {  	s19 =	rddreg [dreg:$0x16]  }
0x13e: {  	[hbm:s16], [sflag:s17] =	dma.local [spmem:s19], $0x1400  }
0x13f: {  	_ =	swait.ge [sflag:s25], $0x1400  }
0x140: {  	[sflag:s25] =	ssyncset.done $0x0;
	s19 =	rddreg [dreg:$0x11]  }
0x141: {  	s16 =	rddreg [dreg:$0x17];
	[sflag:s25] =	ssyncadd.s32 $0xFFFFEC00  }
0x142: {  	[hbm:s19], [sflag:s17] =	dma.local [spmem:s16], $0x500  }
0x143: {  	_ =	swait.ge [sflag:s25], $0x500  }
0x144: {  	[sflag:s25] =	ssyncset.done $0x0;
	s19 =	rddreg [dreg:$0x12]  }
0x145: {  	s16 =	rddreg [dreg:$0x18];
	[sflag:s25] =	ssyncadd.s32 $0xFFFFFB00  }
0x146: {  	[hbm:s19], [sflag:s17] =	dma.local [spmem:s16], $0x500  }
0x147: {  	_ =	swait.ge [sflag:s25], $0x500  }
0x148: {  	s18 =	sadd.s32 $0x1, s18;
	s19 =	rddreg [dreg:$0x13]  }
0x149: {  	p0 =	sne.s32 s18, s19  }
.Ltmp5:
0x14a: {  	_ = 	snop;
	(pc) =	sbr.rel @p0 .LBB2_1-.Ltmp5, $4  }
.Ltmp6:
0x14b: {  	_ = 	snop;
	(pc) =	sbr.rel @!p0 .LBB2_10-.Ltmp6, $4  }
0x14c: {  	_ = 	snop  }
0x14d: {  	[sflag:s25] =	ssyncset.done $0x0  }
0x14e: {  	[sflag:s25] =	ssyncadd.s32 $0xFFFFFB00  }
0x14f: {  	_ = 	snop  }
.LBB2_6:
.Ltmp7:
0x150: {  	(pc) =	sbr.rel .LBB2_9-.Ltmp7, $2  }
0x151: {  	_ =	sdelay $0x2  }
0x152: {  	s18 =	rddreg [dreg:$0x14]  }
.LBB2_10:
0x153: {  	_ =	sfence.sel $0x180000  }
0x154: {  	[bflag:$0x0] =	sbarrier.arrive $0xFFFF  }
0x155: {  	_ =	strace $0x90000047  }
0x156: {  	s0 =	stileid.u32;
	[bflag:$0x2] =	sbarrier.arrive $0xFFFF  }
0x157: {  	p0 =	sne.s32 s0, $0x0;
	s0 =	rddreg [dreg:$0x4]  }
0x158: {  	s0 =	sadd.s32 @!p0 $0x100000, s0  }
0x159: {  	[sflag:s0] =	ssyncadd.tile.s32 @!p0 $0x1;
	_ =	shalt  }
.Lfunc_end2:
_tile_overlayer_lowered:
.L_overlay_start_2:
0x15a: {  	(tag) =	ssettag $0x2  }
0x15b: {  	s0 =	rddreg [dreg:$0x0];
	s2 =	stileid.u32  }
0x15c: {  	s1 =	rddreg [dreg:$0x1];
	p0 =	sne.s32 s2, $0x0  }
0x15d: {  	s3 =	rddreg [dreg:$0x2];
	[bflag:$0x3] =	sbarrier.arrive $0xFFFF;
	s2 =	simm.s32 @!p0 $0x1C01  }
0x15e: {  	[timem:s3], [sflag:s2] =	dma.local @!p0 [hbm:s0], s1  }
0x15f: {  	s0 =	simm.s32 @!p0 $0x1  }
0x160: {  	_ =	swait.ge @!p0 [sflag:s0], s1  }
0x161: {  	s1 =	ssub.s32 @!p0 $0x0, s1;
	[sflag:s0] =	ssyncset.done @!p0 $0x0  }
0x162: {  	[sflag:s0] =	ssyncadd.s32 @!p0 s1  }
0x163: {  	[bflag:$0x3] =	sbarrier.arrive $0xFFFF  }
0x164: {  	_ =	shalt  }

// kernel: kernel.9.cloned.1.call-start
scs
__scs_entry_jumppad:
0x0: {  	(pc) =	sbr.rel $0x88, $3  }
0x1: {  	(tag) =	ssettag $0x0;
	lr =	simm.s32 $0x1  }
0x2: {  	[smem:$0x3F94] =	sst lr;
	_ =	strace $0xD0000000  }
0x3: {  	_ = 	snop  }
0x4: {  	_ = 	snop  }
0x5: {  	_ = 	snop  }
0x6: {  	_ = 	snop  }
0x7: {  	_ = 	snop  }
__scs_overlays_trampoline_lowered:
0x8: {  	[smem:$0x3FA3] =	sst s0  }
0x9: {  	[smem:$0x3FA4] =	sst s1  }
0xa: {  	[smem:$0x3FA5] =	sst s2  }
0xb: {  	[smem:$0x3FA6] =	sst s3  }
0xc: {  	[smem:$0x3FA7] =	sst s4  }
0xd: {  	[smem:$0x3FA8] =	sst s5  }
0xe: {  	[smem:$0x3FA9] =	sst s6  }
0xf: {  	[smem:$0x3FAA] =	sst s7  }
0x10: {  	[smem:$0x3FAB] =	sst s8  }
0x11: {  	[smem:$0x3FAC] =	sst s9;
	s0 =	simm.s32 @!p0 $0x0  }
0x12: {  	s1 =	sld [smem:$0x3F92];
	s0 =	simm.s32 @p0 $0x1  }
0x13: {  	[smem:$0x3FAD] =	sst s0;
	s0 =	simm.s32 @!p1 $0x0  }
0x14: {  	s2 =	sld [smem:$0x3F91];
	s0 =	simm.s32 @p1 $0x1  }
0x15: {  	[smem:$0x3FAE] =	sst s0;
	s0 =	simm.s32 @!p2 $0x0  }
0x16: {  	s3 =	sld [smem:$0x3FDB];
	s0 =	simm.s32 @p2 $0x1  }
0x17: {  	s4 =	simm.s32 $0x1BF5;
	[smem:$0x3FB0] =	sst s0  }
0x18: {  	s0 =	sld [smem:$0x3F93];
	_ =	swait.ge [sflag:s4], $0x0  }
0x19: {  	s7 =	sld [smem:$0x3F94]  }
0x1a: {  	s8 =	sadd.s32 $0xFFFFE003, lr  }
0x1b: {  	s9 =	sadd.s32 $0xFFFFFEF7, lr;
	s5 =	simm.s32 $0xFFFFFFFF;
	p2 =	slt.u32 s8, $0xFFFFF086  }
0x1c: {  	p1 =	slt.u32 s9, $0xF7A;
	s5 =	simm.s32 @!p2 $0x0  }
0x1d: {  	s5 =	simm.s32 @p1 $0x1;
	p0 =	seq.s32 s7, s2  }
0x1e: {  	s7 =	smul.u32 @!p0 $0xF7A, s2;
	p2 =	seq.s32 @!p0 s5, $0x0  }
0x1f: {  	s9 =	smul.u32 $0xF7A, s1;
	s8 =	simm.s32 @!p0 $0x1BF5;
	p2 =	por !p2, p0  }
0x20: {  	[sflag:s8] =	ssyncset.s32 @!p0 $0xFFFFF086;
	s6 =	sadd.s32 @!p0 s3, s7;
	s7 =	simm.s32 @!p0 $0x108  }
0x21: {  	s3 =	sadd.s32 s3, s9;
	s6 =	sadd.s32 @!p0 $0x88, s6;
	s7 =	simm.s32 @p2 $0x1082  }
0x22: {  	[simem:s7], [sflag:s8] =	dma.local @!p0 [hbm:s6], $0xF7A  }
0x23: {  	s9 =	sor.u32 $0xD0000000, s2;
	s6 =	simm.s32 $0x108;
	_ =	swait.ge @!p0 [sflag:s8], $0x0  }
0x24: {  	s3 =	sadd.s32 $0x88, s3;
	s6 =	simm.s32 @!p1 $0x1082;
	[sflag:s4] =	ssyncset.s32 $0xFFFFF086  }
0x25: {  	[simem:s6], [sflag:s4] =	dma.local [hbm:s3], $0xF7A  }
0x26: {  	[smem:$0x3F94] =	sst s1;
	(tag) =	ssettag s2;
	_ =	strace s9  }
0x27: {  	s1 =	sld [smem:$0x3FA4]  }
0x28: {  	s2 =	sld [smem:$0x3FA5]  }
0x29: {  	s4 =	sld [smem:$0x3FA7]  }
0x2a: {  	p0 =	seq.s32 s5, $0x0;
	s5 =	sld [smem:$0x3FA8]  }
0x2b: {  	s6 =	sld [smem:$0x3FA9]  }
0x2c: {  	s7 =	sld [smem:$0x3FAA]  }
0x2d: {  	s3 =	simm.s32 $0x108;
	s8 =	sld [smem:$0x3FAB]  }
0x2e: {  	s3 =	simm.s32 @!p0 $0x1082;
	s9 =	sld [smem:$0x3FAC]  }
0x2f: {  	lr =	sadd.s32 s0, s3;
	s0 =	sld [smem:$0x3FA3]  }
0x30: {  	s3 =	sld [smem:$0x3FA6]  }
0x31: {  	[smem:$0x3FAF] =	sst s10  }
0x32: {  	s10 =	sld [smem:$0x3FAD];
	_ =	sdelay $0x3  }
0x33: {  	p0 =	seq.s32 s10, $0x1;
	s10 =	sld [smem:$0x3FAF];
	_ =	sdelay $0x3  }
0x34: {  	[smem:$0x3FAF] =	sst s10  }
0x35: {  	s10 =	sld [smem:$0x3FAE];
	_ =	sdelay $0x3  }
0x36: {  	p1 =	seq.s32 s10, $0x1;
	s10 =	sld [smem:$0x3FAF];
	_ =	sdelay $0x3  }
0x37: {  	[smem:$0x3FAF] =	sst s10  }
0x38: {  	s10 =	sld [smem:$0x3FB0]  }
0x39: {  	_ = 	snop;
	(pc) =	sbr.ind lr, $3  }
0x3a: {  	_ = 	snop  }
0x3b: {  	_ = 	snop  }
0x3c: {  	p2 =	seq.s32 s10, $0x1;
	s10 =	sld [smem:$0x3FAF]  }
0x3d: {  	_ =	shalt  }
0x3e: {  	_ =	shalt  }
0x3f: {  	_ =	shalt  }
0x40: {  	_ =	shalt  }
0x41: {  	_ =	shalt  }
0x42: {  	_ =	shalt  }
0x43: {  	_ =	shalt  }
0x44: {  	_ =	shalt  }
0x45: {  	_ =	shalt  }
0x46: {  	_ =	shalt  }
0x47: {  	_ =	shalt  }
0x48: {  	_ =	shalt  }
0x49: {  	_ =	shalt  }
0x4a: {  	_ =	shalt  }
0x4b: {  	_ =	shalt  }
0x4c: {  	_ =	shalt  }
0x4d: {  	_ =	shalt  }
0x4e: {  	_ =	shalt  }
0x4f: {  	_ =	shalt  }
0x50: {  	_ =	shalt  }
0x51: {  	_ =	shalt  }
0x52: {  	_ =	shalt  }
0x53: {  	_ =	shalt  }
0x54: {  	_ =	shalt  }
0x55: {  	_ =	shalt  }
0x56: {  	_ =	shalt  }
0x57: {  	_ =	shalt  }
0x58: {  	_ =	shalt  }
0x59: {  	_ =	shalt  }
0x5a: {  	_ =	shalt  }
0x5b: {  	_ =	shalt  }
0x5c: {  	_ =	shalt  }
0x5d: {  	_ =	shalt  }
0x5e: {  	_ =	shalt  }
0x5f: {  	_ =	shalt  }
0x60: {  	_ =	shalt  }
0x61: {  	_ =	shalt  }
0x62: {  	_ =	shalt  }
0x63: {  	_ =	shalt  }
0x64: {  	_ =	shalt  }
0x65: {  	_ =	shalt  }
0x66: {  	_ =	shalt  }
0x67: {  	_ =	shalt  }
0x68: {  	_ =	shalt  }
0x69: {  	_ =	shalt  }
0x6a: {  	_ =	shalt  }
0x6b: {  	_ =	shalt  }
0x6c: {  	_ =	shalt  }
0x6d: {  	_ =	shalt  }
0x6e: {  	_ =	shalt  }
0x6f: {  	_ =	shalt  }
0x70: {  	_ =	shalt  }
0x71: {  	_ =	shalt  }
0x72: {  	_ =	shalt  }
0x73: {  	_ =	shalt  }
0x74: {  	_ =	shalt  }
0x75: {  	_ =	shalt  }
0x76: {  	_ =	shalt  }
0x77: {  	_ =	shalt  }
0x78: {  	_ =	shalt  }
0x79: {  	_ =	shalt  }
0x7a: {  	_ =	shalt  }
0x7b: {  	_ =	shalt  }
0x7c: {  	_ =	shalt  }
0x7d: {  	_ =	shalt  }
0x7e: {  	_ =	shalt  }
0x7f: {  	_ =	shalt  }
0x80: {  	_ =	shalt  }
0x81: {  	_ =	shalt  }
0x82: {  	_ =	shalt  }
0x83: {  	_ =	shalt  }
0x84: {  	_ =	shalt  }
0x85: {  	_ =	shalt  }
0x86: {  	_ =	shalt  }
0x87: {  	_ =	shalt  }
.Lfunc_end0:
.L_simem_size_0:
called_computation.1_lowered:
.L_overlay_start_0:
0x88: {  	s2 =	sld [smem:$0x3FD9]  }
0x89: {  	s3 =	sld [smem:$0x3FFE];
	_ =	sdelay $0x1  }
0x8a: {  	s1 =	srdreg.scid  }
0x8b: {  	s0 =	sand.u32 $0x1, s1  }
0x8c: {  	s16 =	sshll.u32 s0, $0xA;
	s2 =	sadd.s32 s3, s2  }
0x8d: {  	s2 =	sadd.s32 s2, s16  }
0x8e: {  	[smem:$0x3FBB] =	sst s2  }
0x8f: {  	_ = 	snop  }
0x90: {  	(tm) =	ssettm $0x1  }
0x91: {  	s17 =	sld [smem:$0x3FFB];
	_ =	sdelay $0x3  }
0x92: {  	_ =	strace s17  }
0x93: {  	s2 =	sld [smem:$0x3FFC];
	_ =	sdelay $0x3  }
0x94: {  	_ =	strace s2  }
0x95: {  	s2 =	sld [smem:$0x3FFD];
	_ =	sdelay $0x3  }
0x96: {  	_ =	strace s2  }
0x97: {  	_ =	strace $0x8FFFFFFF  }
0x98: {  	s18 =	sld [smem:$0x3FDB];
	_ =	sdelay $0x1  }
0x99: {  	s19 =	simm.s32 $_scs_section_size  }
0x9a: {  	s4 =	simm.s32 $_size__tile_overlayer_lowered;
	s5 =	simm.s32 $_tile_overlayer_lowered  }
0x9b: {  	s22 =	simm.s32 $0x1BFF;
	s21 =	sshll.u32 s5, $0x1;
	s2 =	sadd.s32 s19, s18  }
0x9c: {  	s6 =	simm.s32 $0x0;
	s20 =	sshll.u32 s4, $0x1;
	s4 =	sadd.s32 s21, s2  }
0x9d: {  	[timem:s6], [sflag:s22] =	dma.local [hbm:s4], s20  }
0x9e: {  	_ =	swait.ge [sflag:s22], s20  }
0x9f: {  	s3 =	ssub.s32 $0x0, s20;
	[sflag:s22] =	ssyncset.done $0x0  }
0xa0: {  	[sflag:s22] =	ssyncadd.s32 s3;
	_ =	sdelay $0x1  }
0xa1: {  	s23 =	simm.s32 $0x1B8B  }
0xa2: {  	_ =	swait.ge [sflag:s23], $0x1  }
0xa3: {  	[sflag:s23] =	ssyncset.done $0x0  }
0xa4: {  	s25 =	simm.s32 $0x1B8E;
	s24 =	sld [smem:$0x3FFE];
	[sflag:s23] =	ssyncadd.s32 $0xFFFFFFFF  }
0xa5: {  	s26 =	simm.s32 $execute0_lowered;
	[smem:$0x3FD2] =	sst s25  }
0xa6: {  	s4 =	sshll.u32 s26, $0x1;
	_ =	strace $0x80000049;
	[dreg:$0x1] =	wrdreg $0xFFFFFFFF  }
0xa7: {  	s28 =	simm.s32 $_size_execute0_lowered;
	s2 =	sadd.s32 s2, s4;
	[dreg:$0x0] =	wrdreg $0x0  }
0xa8: {  	s4 =	sshll.u32 s28, $0x1;
	[dreg:$0x2] =	wrdreg s2  }
0xa9: {  	[dreg:$0x3] =	wrdreg s4  }
0xaa: {  	[dreg:$0x4] =	wrdreg $0xC0  }
0xab: {  	_ =	task [dreg:s6], $0x5FFFF  }
0xac: {  	[dreg:$0x1] =	wrdreg $0xFFFFFFFF  }
0xad: {  	[dreg:$0x0] =	wrdreg $0x60  }
0xae: {  	[dreg:$0x2] =	wrdreg s24  }
0xaf: {  	[dreg:$0x3] =	wrdreg $0x38000  }
0xb0: {  	[dreg:$0x4] =	wrdreg $0xD8000  }
0xb1: {  	[dreg:$0x5] =	wrdreg $0x9  }
0xb2: {  	_ =	task.clear_ibuf [dreg:s6], $0x6FFFF;
	_ =	strace $0x90000049  }
0xb3: {  	s29 =	simm.s32 $0x9;
	_ =	strace $0x8000004B  }
0xb4: {  	_ =	swait.ge [sflag:s29], $0x1  }
0xb5: {  	[sflag:s29] =	ssyncadd.s32 $0xFFFFFFFF  }
0xb6: {  	_ =	strace $0x9000004B  }
0xb7: {  	_ =	sfence  }
0xb8: {  	s30 =	sld [smem:$0x0];
	_ =	sdelay $0x2  }
0xb9: {  	s31 =	sshll.u32 s1, $0xD;
	s1 =	sshrl.u32 s1, $0x2  }
0xba: {  	s3 =	sand.u32 $0x4000, s31;
	s1 =	sadd.s32 s1, s30  }
0xbb: {  	s0 =	sor.u32 s3, s0;
	s1 =	sshll.u32 s1, $0x11  }
0xbc: {  	s0 =	sor.u32 s1, s0  }
0xbd: {  	s0 =	sadd.s32 $0x8F2B, s0  }
0xbe: {  	[sflag:s0] =	ssyncadd.remote.s32 $0x1  }
0xbf: {  	_ =	sfence.sel $0xFFFF  }
0xc0: {  	[dreg:$0x0] =	wrdreg $0xFFFFFFFF;
	(pc) =	sbr.abs _section_cstart, $3  }
0xc1: {  	[dreg:$0x1] =	wrdreg $0xFFFFFFFF  }
0xc2: {  	_ =	task.clear_ibuf [dreg:s6], $0x2FFFF;
	_ =	strace $0x9FFFFFFF  }
0xc3: {  	(tm) =	ssettm $0x7FFFFFFF  }
tec
execute0_lowered:
.L_overlay_start_1:
0x0: {  	(tag) =	ssettag $0x1  }
0x1: {  	s0 =	rddreg [dreg:$0x0]  }
0x2: {  	s2 =	rddreg [dreg:$0x1]  }
0x3: {  	s3 =	rddreg [dreg:$0x2]  }
0x4: {  	s1 =	srdreg.scid;
	s7 =	stileid.u32;
	s5 =	simm.s32 $0x0  }
0x5: {  	s28 =	simm.s32 $0x280;
	s29 =	simm.s32 $0x300;
	s30 =	simm.s32 $0x380  }
0x6: {  	s31 =	simm.s32 $0x400;
	s1 =	sand.u32 $0x1, s1;
	s4 =	smul.u32 $0x14000, s7  }
0x7: {  	[smem:$0x7FF] =	sst s5;
	s10 =	smul.u32 $0x2800, s7;
	s5 =	sadd.s32 $0x31800, s0  }
0x8: {  	s6 =	sadd.s32 $0x3400, s0;
	s8 =	sadd.s32 $0x45800, s0;
	s12 =	sadd.s32 $0x30400, s0  }
0x9: {  	s25 =	sadd.s32 $0x63800, s0;
	s13 =	sshll.u32 s7, $0x8;
	s21 =	sshll.u32 s7, $0x6  }
0xa: {  	s9 =	smul.u32 $0x140000, s1;
	_ =	strace $0x8000004A;
	[dreg:$0x4] =	wrdreg s8  }
0xb: {  	s11 =	smul.u32 $0x28000, s1;
	s8 =	sadd.s32 $0x59800, s0;
	[dreg:$0x5] =	wrdreg s12  }
0xc: {  	[dreg:$0x6] =	wrdreg s25;
	s26 =	ssub.s32 $0x2, s1;
	s14 =	smul.u32 $0x70000, s1  }
0xd: {  	s18 =	sshll.u32 s1, $0x6;
	s17 =	sshll.u32 s1, $0x5;
	s1 =	smul.u32 $0x38000, s1  }
0xe: {  	s12 =	sxor.u32 $0x70, s18;
	s15 =	sshrl.u32 s26, $0x1;
	s19 =	sxor.u32 $0x38, s17  }
0xf: {  	s22 =	sadd.s32 s10, s3;
	s17 =	simm.s32 $0x780;
	s9 =	sadd.s32 s4, s9  }
0x10: {  	s11 =	sadd.s32 s10, s11;
	s16 =	smul.u32 s13, s12;
	s4 =	sshrl.u32 s4, $0x1  }
0x11: {  	s18 =	smul.u32 s13, s19;
	s13 =	sor.u32 $0x1C01, s21;
	[dreg:$0x8] =	wrdreg s22  }
0x12: {  	s24 =	sshrl.u32 s19, $0x3;
	s21 =	simm.s32 $0x1;
	s22 =	simm.s32 $0x80  }
0x13: {  	s10 =	simm.s32 $0x680;
	s9 =	sshrl.u32 s9, $0x4;
	s11 =	sshrl.u32 s11, $0x3  }
0x14: {  	s4 =	sadd.s32 s4, s2;
	[dreg:$0xb] =	wrdreg s24;
	s24 =	simm.s32 $0x100  }
0x15: {  	[dreg:$0x7] =	wrdreg s13;
	s9 =	sadd.s32 s9, s0;
	s0 =	sadd.s32 s11, s0  }
0x16: {  	s11 =	ssub.s32 s26, s15;
	s23 =	sadd.s32 s14, s16;
	s20 =	sadd.s32 s1, s18  }
0x17: {  	s16 =	sshrl.u32 s12, $0x4;
	s1 =	simm.s32 $0x500;
	s12 =	simm.s32 $0x700  }
0x18: {  	s18 =	simm.s32 $0x3000;
	s14 =	simm.s32 $0x0;
	[dreg:$0x9] =	wrdreg s23  }
0x19: {  	s25 =	sadd.s32 $0x8400, s9;
	s0 =	sadd.s32 $0x63E00, s0;
	[dreg:$0xa] =	wrdreg s20  }
0x1a: {  	s26 =	smax.u32 s11, $0x1;
	s11 =	sshrl.u32 s4, $0x3;
	[dreg:$0xc] =	wrdreg s25  }
0x1b: {  	s23 =	simm.s32 $0x1000;
	s4 =	simm.s32 $0x580;
	[dreg:$0xd] =	wrdreg s0  }
0x1c: {  	s9 =	simm.s32 $0x600;
	[dreg:$0xe] =	wrdreg s26;
	s25 =	simm.s32 $0x180  }
0x1d: {  	s26 =	simm.s32 $0x200;
	s0 =	simm.s32 $0x480;
	[dreg:$0xf] =	wrdreg s11  }
.LBB2_1:
0x1e: {  	[dreg:$0x10] =	wrdreg s14  }
0x1f: {  	s7 =	rddreg [dreg:$0x5]  }
0x20: {  	[spmem:s11], [sflag:s13] =	dma.local [hbm:s7], $0x1400  }
0x21: {  	_ =	swait.ge [sflag:s21], $0x1400  }
0x22: {  	s11 =	rddreg [dreg:$0x8]  }
0x23: {  	[sflag:s21] =	ssyncset.done $0x0;
	s15 =	rddreg [dreg:$0x6];
	s14 =	sshrl.u32 s11, $0x3  }
0x24: {  	[sflag:s21] =	ssyncadd.s32 $0xFFFFEC00;
	[dreg:$0x11] =	wrdreg s14  }
0x25: {  	[spmem:s14], [sflag:s13] =	dma.local [hbm:s15], $0x500  }
0x26: {  	_ =	swait.ge [sflag:s21], $0x500  }
0x27: {  	[sflag:s21] =	ssyncset.done $0x0  }
0x28: {  	[sflag:s21] =	ssyncadd.s32 $0xFFFFFB00  }
0x29: {  	[bflag:$0x0] =	sbarrier.arrive $0xFFFF  }
0x2a: {  	s19 =	rddreg [dreg:$0xb]  }
0x2b: {  	p1 =	sne.s32 s19, $0x1  }
.Ltmp0:
0x2c: {  	_ = 	snop;
	(pc) =	sbr.rel @!p1 .LBB2_2-.Ltmp0, $2  }
0x2d: {  	_ =	sdelay $0x2  }
0x2e: {  	p0 =	por $0x0, $0x0;
	s11 =	sadd.s32 $0xFFFFFFFF, s19;
	s19 =	sshrl.u32 s20, $0x3  }
0x2f: {  	s14 =	sadd.s32 s8, s19;
	s7 =	simm.s32 $0x0  }
0x30: {  	[tilespmem:s7], [sflag:$0x1] =	stream.linear.gather [hbm4b:s14+s7], $0x800, $0x38;
	[tilespmem:$0x10000] =	vst v63  }
0x31: {  	_ =	swait.ge [sflag:s21], $0x800  }
0x32: {  	[sflag:s21] =	ssyncset.done $0x0  }
0x33: {  	[sflag:s21] =	ssyncadd.s32 $0xFFFFF800  }
0x34: {  	[tilespmem:s23], [sflag:$0x1] =	stream.indirect.gather [hbm4b:s5+s22], $0x40, s7, s22, $0xb8;
	[tilespmem:$0x10000] =	vst v63  }
0x35: {  	_ =	swait.ge [sflag:s21], $0x2000  }
0x36: {  	[sflag:s21] =	ssyncset.done $0x0  }
0x37: {  	[sflag:s21] =	ssyncadd.s32 $0xFFFFE000  }
0x38: {  	[spmem:s2] =	stream.indirect.scatter.add.bf16 [tilespmem:s23], [sflag:$0x1], $0x40, s22, s22, $0xb8;
	[tilespmem:$0x10000] =	vst v63  }
0x39: {  	_ =	swait.ge [sflag:s21], $0x2000  }
0x3a: {  	[sflag:s21] =	ssyncset.done $0x0  }
0x3b: {  	[sflag:s21] =	ssyncadd.s32 $0xFFFFE000  }
0x3c: {  	[tilespmem:s23], [sflag:$0x1] =	stream.indirect.gather [hbm4b:s5+s22], $0x40, s24, s22, $0xb8;
	[tilespmem:$0x10000] =	vst v63  }
0x3d: {  	_ =	swait.ge [sflag:s21], $0x2000  }
0x3e: {  	[sflag:s21] =	ssyncset.done $0x0  }
0x3f: {  	[sflag:s21] =	ssyncadd.s32 $0xFFFFE000  }
0x40: {  	[spmem:s2] =	stream.indirect.scatter.add.bf16 [tilespmem:s23], [sflag:$0x1], $0x40, s25, s22, $0xb8;
	[tilespmem:$0x10000] =	vst v63  }
0x41: {  	_ =	swait.ge [sflag:s21], $0x2000  }
0x42: {  	[sflag:s21] =	ssyncset.done $0x0  }
0x43: {  	[sflag:s21] =	ssyncadd.s32 $0xFFFFE000  }
0x44: {  	[tilespmem:s23], [sflag:$0x1] =	stream.indirect.gather [hbm4b:s5+s22], $0x40, s26, s22, $0xb8;
	[tilespmem:$0x10000] =	vst v63  }
0x45: {  	_ =	swait.ge [sflag:s21], $0x2000  }
0x46: {  	[sflag:s21] =	ssyncset.done $0x0  }
0x47: {  	[sflag:s21] =	ssyncadd.s32 $0xFFFFE000  }
0x48: {  	[spmem:s2] =	stream.indirect.scatter.add.bf16 [tilespmem:s23], [sflag:$0x1], $0x40, s28, s22, $0xb8;
	[tilespmem:$0x10000] =	vst v63  }
0x49: {  	_ =	swait.ge [sflag:s21], $0x2000  }
0x4a: {  	[sflag:s21] =	ssyncset.done $0x0  }
0x4b: {  	[sflag:s21] =	ssyncadd.s32 $0xFFFFE000  }
0x4c: {  	[tilespmem:s23], [sflag:$0x1] =	stream.indirect.gather [hbm4b:s5+s22], $0x40, s29, s22, $0xb8;
	[tilespmem:$0x10000] =	vst v63  }
0x4d: {  	_ =	swait.ge [sflag:s21], $0x2000  }
0x4e: {  	[sflag:s21] =	ssyncset.done $0x0  }
0x4f: {  	[sflag:s21] =	ssyncadd.s32 $0xFFFFE000  }
0x50: {  	[spmem:s2] =	stream.indirect.scatter.add.bf16 [tilespmem:s23], [sflag:$0x1], $0x40, s30, s22, $0xb8;
	[tilespmem:$0x10000] =	vst v63  }
0x51: {  	_ =	swait.ge [sflag:s21], $0x2000  }
0x52: {  	[sflag:s21] =	ssyncset.done $0x0  }
0x53: {  	[sflag:s21] =	ssyncadd.s32 $0xFFFFE000  }
0x54: {  	[tilespmem:s23], [sflag:$0x1] =	stream.indirect.gather [hbm4b:s5+s22], $0x40, s31, s22, $0xb8;
	[tilespmem:$0x10000] =	vst v63  }
0x55: {  	_ =	swait.ge [sflag:s21], $0x2000  }
0x56: {  	[sflag:s21] =	ssyncset.done $0x0  }
0x57: {  	[sflag:s21] =	ssyncadd.s32 $0xFFFFE000  }
0x58: {  	[spmem:s2] =	stream.indirect.scatter.add.bf16 [tilespmem:s23], [sflag:$0x1], $0x40, s0, s22, $0xb8;
	[tilespmem:$0x10000] =	vst v63  }
0x59: {  	_ =	swait.ge [sflag:s21], $0x2000  }
0x5a: {  	[sflag:s21] =	ssyncset.done $0x0  }
0x5b: {  	[sflag:s21] =	ssyncadd.s32 $0xFFFFE000  }
0x5c: {  	[tilespmem:s23], [sflag:$0x1] =	stream.indirect.gather [hbm4b:s5+s22], $0x40, s1, s22, $0xb8;
	[tilespmem:$0x10000] =	vst v63  }
0x5d: {  	_ =	swait.ge [sflag:s21], $0x2000  }
0x5e: {  	[sflag:s21] =	ssyncset.done $0x0  }
0x5f: {  	[sflag:s21] =	ssyncadd.s32 $0xFFFFE000  }
0x60: {  	[spmem:s2] =	stream.indirect.scatter.add.bf16 [tilespmem:s23], [sflag:$0x1], $0x40, s4, s22, $0xb8;
	[tilespmem:$0x10000] =	vst v63  }
0x61: {  	_ =	swait.ge [sflag:s21], $0x2000  }
0x62: {  	[sflag:s21] =	ssyncset.done $0x0  }
0x63: {  	[sflag:s21] =	ssyncadd.s32 $0xFFFFE000  }
0x64: {  	[tilespmem:s23], [sflag:$0x1] =	stream.indirect.gather [hbm4b:s5+s22], $0x40, s9, s22, $0xb8;
	[tilespmem:$0x10000] =	vst v63  }
0x65: {  	_ =	swait.ge [sflag:s21], $0x2000  }
0x66: {  	[sflag:s21] =	ssyncset.done $0x0  }
0x67: {  	[sflag:s21] =	ssyncadd.s32 $0xFFFFE000  }
0x68: {  	[spmem:s2] =	stream.indirect.scatter.add.bf16 [tilespmem:s23], [sflag:$0x1], $0x40, s10, s22, $0xb8;
	[tilespmem:$0x10000] =	vst v63  }
0x69: {  	_ =	swait.ge [sflag:s21], $0x2000  }
0x6a: {  	[sflag:s21] =	ssyncset.done $0x0  }
0x6b: {  	[sflag:s21] =	ssyncadd.s32 $0xFFFFE000  }
0x6c: {  	[tilespmem:s23], [sflag:$0x1] =	stream.indirect.gather [hbm4b:s5+s22], $0x40, s12, s22, $0xb8;
	[tilespmem:$0x10000] =	vst v63  }
0x6d: {  	p1 =	sne.s32 s11, $0x1;
	_ =	swait.ge [sflag:s21], $0x2000  }
.Ltmp1:
0x6e: {  	[sflag:s21] =	ssyncset.done $0x0;
	(pc) =	sbr.rel @!p1 .LBB2_4-.Ltmp1, $4  }
0x6f: {  	s15 =	simm.s32 $0x0;
	s11 =	sadd.s32 $0xFFFFFFFF, s11;
	[sflag:s21] =	ssyncadd.s32 $0xFFFFE000  }
0x70: {  	[spmem:s2] =	stream.indirect.scatter.add.bf16 [tilespmem:s23], [sflag:$0x1], $0x40, s17, s22, $0xb8;
	[tilespmem:$0x10000] =	vst v63  }
0x71: {  	p0 =	por $0x1, $0x1;
	s14 =	sadd.s32 $0x800, s20;
	_ =	swait.ge [sflag:s21], $0x2000  }
0x72: {  	s20 =	simm.s32 $0x0;
	s19 =	sshrl.u32 s14, $0x3;
	[sflag:s21] =	ssyncset.done $0x0  }
.LBB2_5:
0x73: {  	s19 =	sadd.s32 s8, s19;
	[sflag:s21] =	ssyncadd.s32 $0xFFFFE000  }
0x74: {  	[tilespmem:s20], [sflag:$0x1] =	stream.linear.gather [hbm4b:s19+s15], $0x800, $0x38;
	[tilespmem:$0x10000] =	vst v63  }
0x75: {  	p1 =	sne.s32 s11, $0x1;
	s11 =	sadd.s32 $0xFFFFFFFF, s11;
	_ =	swait.ge [sflag:s21], $0x800  }
0x76: {  	[sflag:s21] =	ssyncset.done $0x0  }
0x77: {  	[sflag:s21] =	ssyncadd.s32 $0xFFFFF800  }
0x78: {  	[tilespmem:s23], [sflag:$0x1] =	stream.indirect.gather [hbm4b:s5+s22], $0x40, s20, s22, $0xb8;
	[tilespmem:$0x10000] =	vst v63  }
0x79: {  	s20 =	smov.u32 s15;
	_ =	swait.ge [sflag:s21], $0x2000  }
0x7a: {  	[sflag:s21] =	ssyncset.done $0x0  }
0x7b: {  	[sflag:s21] =	ssyncadd.s32 $0xFFFFE000  }
0x7c: {  	[spmem:s2] =	stream.indirect.scatter.add.bf16 [tilespmem:s23], [sflag:$0x1], $0x40, s22, s22, $0xb8;
	[tilespmem:$0x10000] =	vst v63  }
0x7d: {  	_ =	swait.ge [sflag:s21], $0x2000  }
0x7e: {  	[sflag:s21] =	ssyncset.done $0x0  }
0x7f: {  	[sflag:s21] =	ssyncadd.s32 $0xFFFFE000  }
0x80: {  	[tilespmem:s23], [sflag:$0x1] =	stream.indirect.gather [hbm4b:s5+s22], $0x40, s24, s22, $0xb8;
	[tilespmem:$0x10000] =	vst v63  }
0x81: {  	_ =	swait.ge [sflag:s21], $0x2000  }
0x82: {  	[sflag:s21] =	ssyncset.done $0x0  }
0x83: {  	[sflag:s21] =	ssyncadd.s32 $0xFFFFE000  }
0x84: {  	[spmem:s2] =	stream.indirect.scatter.add.bf16 [tilespmem:s23], [sflag:$0x1], $0x40, s25, s22, $0xb8;
	[tilespmem:$0x10000] =	vst v63  }
0x85: {  	_ =	swait.ge [sflag:s21], $0x2000  }
0x86: {  	[sflag:s21] =	ssyncset.done $0x0  }
0x87: {  	[sflag:s21] =	ssyncadd.s32 $0xFFFFE000  }
0x88: {  	[tilespmem:s23], [sflag:$0x1] =	stream.indirect.gather [hbm4b:s5+s22], $0x40, s26, s22, $0xb8;
	[tilespmem:$0x10000] =	vst v63  }
0x89: {  	_ =	swait.ge [sflag:s21], $0x2000  }
0x8a: {  	[sflag:s21] =	ssyncset.done $0x0  }
0x8b: {  	[sflag:s21] =	ssyncadd.s32 $0xFFFFE000  }
0x8c: {  	[spmem:s2] =	stream.indirect.scatter.add.bf16 [tilespmem:s23], [sflag:$0x1], $0x40, s28, s22, $0xb8;
	[tilespmem:$0x10000] =	vst v63  }
0x8d: {  	_ =	swait.ge [sflag:s21], $0x2000  }
0x8e: {  	[sflag:s21] =	ssyncset.done $0x0  }
0x8f: {  	[sflag:s21] =	ssyncadd.s32 $0xFFFFE000  }
0x90: {  	[tilespmem:s23], [sflag:$0x1] =	stream.indirect.gather [hbm4b:s5+s22], $0x40, s29, s22, $0xb8;
	[tilespmem:$0x10000] =	vst v63  }
0x91: {  	_ =	swait.ge [sflag:s21], $0x2000  }
0x92: {  	[sflag:s21] =	ssyncset.done $0x0  }
0x93: {  	[sflag:s21] =	ssyncadd.s32 $0xFFFFE000  }
0x94: {  	[spmem:s2] =	stream.indirect.scatter.add.bf16 [tilespmem:s23], [sflag:$0x1], $0x40, s30, s22, $0xb8;
	[tilespmem:$0x10000] =	vst v63  }
0x95: {  	_ =	swait.ge [sflag:s21], $0x2000  }
0x96: {  	[sflag:s21] =	ssyncset.done $0x0  }
0x97: {  	[sflag:s21] =	ssyncadd.s32 $0xFFFFE000  }
0x98: {  	[tilespmem:s23], [sflag:$0x1] =	stream.indirect.gather [hbm4b:s5+s22], $0x40, s31, s22, $0xb8;
	[tilespmem:$0x10000] =	vst v63  }
0x99: {  	_ =	swait.ge [sflag:s21], $0x2000  }
0x9a: {  	[sflag:s21] =	ssyncset.done $0x0  }
0x9b: {  	[sflag:s21] =	ssyncadd.s32 $0xFFFFE000  }
0x9c: {  	[spmem:s2] =	stream.indirect.scatter.add.bf16 [tilespmem:s23], [sflag:$0x1], $0x40, s0, s22, $0xb8;
	[tilespmem:$0x10000] =	vst v63  }
0x9d: {  	_ =	swait.ge [sflag:s21], $0x2000  }
0x9e: {  	[sflag:s21] =	ssyncset.done $0x0  }
0x9f: {  	[sflag:s21] =	ssyncadd.s32 $0xFFFFE000  }
0xa0: {  	[tilespmem:s23], [sflag:$0x1] =	stream.indirect.gather [hbm4b:s5+s22], $0x40, s1, s22, $0xb8;
	[tilespmem:$0x10000] =	vst v63  }
0xa1: {  	_ =	swait.ge [sflag:s21], $0x2000  }
0xa2: {  	[sflag:s21] =	ssyncset.done $0x0  }
0xa3: {  	[sflag:s21] =	ssyncadd.s32 $0xFFFFE000  }
0xa4: {  	[spmem:s2] =	stream.indirect.scatter.add.bf16 [tilespmem:s23], [sflag:$0x1], $0x40, s4, s22, $0xb8;
	[tilespmem:$0x10000] =	vst v63  }
0xa5: {  	_ =	swait.ge [sflag:s21], $0x2000  }
0xa6: {  	[sflag:s21] =	ssyncset.done $0x0  }
0xa7: {  	[sflag:s21] =	ssyncadd.s32 $0xFFFFE000  }
0xa8: {  	[tilespmem:s23], [sflag:$0x1] =	stream.indirect.gather [hbm4b:s5+s22], $0x40, s9, s22, $0xb8;
	[tilespmem:$0x10000] =	vst v63  }
0xa9: {  	_ =	swait.ge [sflag:s21], $0x2000  }
0xaa: {  	[sflag:s21] =	ssyncset.done $0x0  }
0xab: {  	[sflag:s21] =	ssyncadd.s32 $0xFFFFE000  }
0xac: {  	[spmem:s2] =	stream.indirect.scatter.add.bf16 [tilespmem:s23], [sflag:$0x1], $0x40, s10, s22, $0xb8;
	[tilespmem:$0x10000] =	vst v63  }
0xad: {  	_ =	swait.ge [sflag:s21], $0x2000  }
0xae: {  	[sflag:s21] =	ssyncset.done $0x0  }
0xaf: {  	[sflag:s21] =	ssyncadd.s32 $0xFFFFE000  }
0xb0: {  	[tilespmem:s23], [sflag:$0x1] =	stream.indirect.gather [hbm4b:s5+s22], $0x40, s12, s22, $0xb8;
	[tilespmem:$0x10000] =	vst v63  }
0xb1: {  	_ =	swait.ge [sflag:s21], $0x2000  }
.Ltmp2:
0xb2: {  	[sflag:s21] =	ssyncset.done $0x0;
	(pc) =	sbr.rel @p1 .LBB2_5-.Ltmp2, $4  }
0xb3: {  	[sflag:s21] =	ssyncadd.s32 $0xFFFFE000  }
0xb4: {  	[spmem:s2] =	stream.indirect.scatter.add.bf16 [tilespmem:s23], [sflag:$0x1], $0x40, s17, s22, $0xb8;
	[tilespmem:$0x10000] =	vst v63  }
0xb5: {  	s14 =	sadd.s32 $0x800, s14;
	_ =	swait.ge [sflag:s21], $0x2000  }
0xb6: {  	s19 =	sshrl.u32 s14, $0x3;
	[sflag:s21] =	ssyncset.done $0x0  }
.LBB2_6:
0xb7: {  	s11 =	sadd.s32 s8, s19;
	[sflag:s21] =	ssyncadd.s32 @p0 $0xFFFFE000  }
0xb8: {  	[tilespmem:s20], [sflag:$0x1] =	stream.linear.gather [hbm4b:s11+s15], $0x800, $0x38;
	[tilespmem:$0x10000] =	vst v63  }
0xb9: {  	_ =	swait.ge [sflag:s21], $0x800  }
0xba: {  	[sflag:s21] =	ssyncset.done $0x0  }
0xbb: {  	[sflag:s21] =	ssyncadd.s32 $0xFFFFF800  }
0xbc: {  	[tilespmem:s23], [sflag:$0x1] =	stream.indirect.gather [hbm4b:s5+s22], $0x40, s20, s22, $0xb8;
	[tilespmem:$0x10000] =	vst v63  }
0xbd: {  	_ =	swait.ge [sflag:s21], $0x2000  }
0xbe: {  	[sflag:s21] =	ssyncset.done $0x0  }
0xbf: {  	[sflag:s21] =	ssyncadd.s32 $0xFFFFE000  }
0xc0: {  	[spmem:s2] =	stream.indirect.scatter.add.bf16 [tilespmem:s23], [sflag:$0x1], $0x40, s22, s22, $0xb8;
	[tilespmem:$0x10000] =	vst v63  }
0xc1: {  	_ =	swait.ge [sflag:s21], $0x2000  }
0xc2: {  	[sflag:s21] =	ssyncset.done $0x0  }
0xc3: {  	[sflag:s21] =	ssyncadd.s32 $0xFFFFE000  }
0xc4: {  	[tilespmem:s23], [sflag:$0x1] =	stream.indirect.gather [hbm4b:s5+s22], $0x40, s24, s22, $0xb8;
	[tilespmem:$0x10000] =	vst v63  }
0xc5: {  	_ =	swait.ge [sflag:s21], $0x2000  }
0xc6: {  	[sflag:s21] =	ssyncset.done $0x0  }
0xc7: {  	[sflag:s21] =	ssyncadd.s32 $0xFFFFE000  }
0xc8: {  	[spmem:s2] =	stream.indirect.scatter.add.bf16 [tilespmem:s23], [sflag:$0x1], $0x40, s25, s22, $0xb8;
	[tilespmem:$0x10000] =	vst v63  }
0xc9: {  	_ =	swait.ge [sflag:s21], $0x2000  }
0xca: {  	[sflag:s21] =	ssyncset.done $0x0  }
0xcb: {  	[sflag:s21] =	ssyncadd.s32 $0xFFFFE000  }
0xcc: {  	[tilespmem:s23], [sflag:$0x1] =	stream.indirect.gather [hbm4b:s5+s22], $0x40, s26, s22, $0xb8;
	[tilespmem:$0x10000] =	vst v63  }
0xcd: {  	_ =	swait.ge [sflag:s21], $0x2000  }
0xce: {  	[sflag:s21] =	ssyncset.done $0x0  }
0xcf: {  	[sflag:s21] =	ssyncadd.s32 $0xFFFFE000  }
0xd0: {  	[spmem:s2] =	stream.indirect.scatter.add.bf16 [tilespmem:s23], [sflag:$0x1], $0x40, s28, s22, $0xb8;
	[tilespmem:$0x10000] =	vst v63  }
0xd1: {  	_ =	swait.ge [sflag:s21], $0x2000  }
0xd2: {  	[sflag:s21] =	ssyncset.done $0x0  }
0xd3: {  	[sflag:s21] =	ssyncadd.s32 $0xFFFFE000  }
0xd4: {  	[tilespmem:s23], [sflag:$0x1] =	stream.indirect.gather [hbm4b:s5+s22], $0x40, s29, s22, $0xb8;
	[tilespmem:$0x10000] =	vst v63  }
0xd5: {  	_ =	swait.ge [sflag:s21], $0x2000  }
0xd6: {  	[sflag:s21] =	ssyncset.done $0x0  }
0xd7: {  	[sflag:s21] =	ssyncadd.s32 $0xFFFFE000  }
0xd8: {  	[spmem:s2] =	stream.indirect.scatter.add.bf16 [tilespmem:s23], [sflag:$0x1], $0x40, s30, s22, $0xb8;
	[tilespmem:$0x10000] =	vst v63  }
0xd9: {  	_ =	swait.ge [sflag:s21], $0x2000  }
0xda: {  	[sflag:s21] =	ssyncset.done $0x0  }
0xdb: {  	[sflag:s21] =	ssyncadd.s32 $0xFFFFE000  }
0xdc: {  	[tilespmem:s23], [sflag:$0x1] =	stream.indirect.gather [hbm4b:s5+s22], $0x40, s31, s22, $0xb8;
	[tilespmem:$0x10000] =	vst v63  }
0xdd: {  	_ =	swait.ge [sflag:s21], $0x2000  }
0xde: {  	[sflag:s21] =	ssyncset.done $0x0  }
0xdf: {  	[sflag:s21] =	ssyncadd.s32 $0xFFFFE000  }
0xe0: {  	[spmem:s2] =	stream.indirect.scatter.add.bf16 [tilespmem:s23], [sflag:$0x1], $0x40, s0, s22, $0xb8;
	[tilespmem:$0x10000] =	vst v63  }
0xe1: {  	_ =	swait.ge [sflag:s21], $0x2000  }
0xe2: {  	[sflag:s21] =	ssyncset.done $0x0  }
0xe3: {  	[sflag:s21] =	ssyncadd.s32 $0xFFFFE000  }
0xe4: {  	[tilespmem:s23], [sflag:$0x1] =	stream.indirect.gather [hbm4b:s5+s22], $0x40, s1, s22, $0xb8;
	[tilespmem:$0x10000] =	vst v63  }
0xe5: {  	_ =	swait.ge [sflag:s21], $0x2000  }
0xe6: {  	[sflag:s21] =	ssyncset.done $0x0  }
0xe7: {  	[sflag:s21] =	ssyncadd.s32 $0xFFFFE000  }
0xe8: {  	[spmem:s2] =	stream.indirect.scatter.add.bf16 [tilespmem:s23], [sflag:$0x1], $0x40, s4, s22, $0xb8;
	[tilespmem:$0x10000] =	vst v63  }
0xe9: {  	_ =	swait.ge [sflag:s21], $0x2000  }
0xea: {  	[sflag:s21] =	ssyncset.done $0x0  }
0xeb: {  	[sflag:s21] =	ssyncadd.s32 $0xFFFFE000  }
0xec: {  	[tilespmem:s23], [sflag:$0x1] =	stream.indirect.gather [hbm4b:s5+s22], $0x40, s9, s22, $0xb8;
	[tilespmem:$0x10000] =	vst v63  }
0xed: {  	_ =	swait.ge [sflag:s21], $0x2000  }
0xee: {  	[sflag:s21] =	ssyncset.done $0x0  }
0xef: {  	[sflag:s21] =	ssyncadd.s32 $0xFFFFE000  }
0xf0: {  	[spmem:s2] =	stream.indirect.scatter.add.bf16 [tilespmem:s23], [sflag:$0x1], $0x40, s10, s22, $0xb8;
	[tilespmem:$0x10000] =	vst v63  }
0xf1: {  	_ =	swait.ge [sflag:s21], $0x2000  }
0xf2: {  	[sflag:s21] =	ssyncset.done $0x0  }
0xf3: {  	[sflag:s21] =	ssyncadd.s32 $0xFFFFE000  }
0xf4: {  	[tilespmem:s23], [sflag:$0x1] =	stream.indirect.gather [hbm4b:s5+s22], $0x40, s12, s22, $0xb8;
	[tilespmem:$0x10000] =	vst v63  }
0xf5: {  	_ =	swait.ge [sflag:s21], $0x2000  }
0xf6: {  	[sflag:s21] =	ssyncset.done $0x0  }
0xf7: {  	[sflag:s21] =	ssyncadd.s32 $0xFFFFE000  }
0xf8: {  	[spmem:s2] =	stream.indirect.scatter.add.bf16 [tilespmem:s23], [sflag:$0x1], $0x40, s17, s22, $0xb8;
	[tilespmem:$0x10000] =	vst v63  }
0xf9: {  	_ =	swait.ge [sflag:s21], $0x2000  }
0xfa: {  	[sflag:s21] =	ssyncset.done $0x0  }
0xfb: {  	s11 =	smov.u32 s15;
	[sflag:s21] =	ssyncadd.s32 $0xFFFFE000  }
.LBB2_7:
0xfc: {  	s14 =	sshll.u32 s11, $0xC;
	s7 =	rddreg [dreg:$0x9]  }
0xfd: {  	s14 =	sadd.s32 s7, s14  }
0xfe: {  	s20 =	rddreg [dreg:$0x4];
	p1 =	sne.s32 s15, $0x3C00;
	s14 =	sshrl.u32 s14, $0x3  }
.Ltmp3:
0xff: {  	s14 =	sadd.s32 s20, s14;
	(pc) =	sbr.rel @!p1 .LBB2_10-.Ltmp3, $4  }
0x100: {  	[tilespmem:s15], [sflag:$0x1] =	stream.linear.gather [hbm4b:s14+s15], $0x1000, $0x38;
	[tilespmem:$0x10000] =	vst v63  }
0x101: {  	_ =	swait.ge [sflag:s21], $0x1000  }
0x102: {  	p0 =	por $0x0, $0x0;
	[sflag:s21] =	ssyncset.done $0x0  }
0x103: {  	s20 =	sadd.s32 $0x400, s15;
	s14 =	sshra.s32 s15, $0x2;
	[sflag:s21] =	ssyncadd.s32 $0xFFFFF000  }
0x104: {  	s19 =	sadd.s32 $0x80, s14  }
0x105: {  	[tilespmem:s18], [sflag:$0x1] =	stream.indirect.gather [hbm4b:s6+s22], $0x10, s19, s22, $0xb8;
	[tilespmem:$0x10000] =	vst v63  }
0x106: {  	p1 =	sne.s32 s20, $0x3C00;
	_ =	swait.ge [sflag:s21], $0x800  }
.Ltmp4:
0x107: {  	[sflag:s21] =	ssyncset.done $0x0;
	(pc) =	sbr.rel @!p1 .LBB2_10-.Ltmp4, $4  }
0x108: {  	[sflag:s21] =	ssyncadd.s32 $0xFFFFF800  }
0x109: {  	[spmem:s3] =	stream.indirect.scatter.add.f32 [tilespmem:s18], [sflag:$0x1], $0x10, s14, s22, $0xb8;
	[tilespmem:$0x10000] =	vst v63  }
0x10a: {  	p0 =	por $0x1, $0x1;
	_ =	swait.ge [sflag:s21], $0x800  }
0x10b: {  	s19 =	sadd.s32 $0x400, s20;
	s14 =	sshra.s32 s20, $0x2;
	[sflag:s21] =	ssyncset.done $0x0  }
.LBB2_9:
0x10c: {  	s20 =	sadd.s32 $0x80, s14  }
0x10d: {  	[sflag:s21] =	ssyncadd.s32 $0xFFFFF800;
	s7 =	smov.u32 s19;
	s13 =	sadd.s32 $0x400, s19  }
0x10e: {  	[tilespmem:s18], [sflag:$0x1] =	stream.indirect.gather [hbm4b:s6+s22], $0x10, s20, s22, $0xb8;
	[tilespmem:$0x10000] =	vst v63  }
0x10f: {  	p1 =	sne.s32 s19, $0x3C00;
	_ =	swait.ge [sflag:s21], $0x800  }
.Ltmp5:
0x110: {  	[sflag:s21] =	ssyncset.done $0x0;
	(pc) =	sbr.rel @p1 .LBB2_9-.Ltmp5, $4  }
0x111: {  	[sflag:s21] =	ssyncadd.s32 $0xFFFFF800  }
0x112: {  	[spmem:s3] =	stream.indirect.scatter.add.f32 [tilespmem:s18], [sflag:$0x1], $0x10, s14, s22, $0xb8;
	[tilespmem:$0x10000] =	vst v63  }
0x113: {  	_ =	swait.ge [sflag:s21], $0x800  }
0x114: {  	s19 =	smov.u32 s13;
	s14 =	sshra.s32 s7, $0x2;
	[sflag:s21] =	ssyncset.done $0x0  }
.LBB2_10:
0x115: {  	s7 =	sadd.s32 $0x80, s14;
	[sflag:s21] =	ssyncadd.s32 @p0 $0xFFFFF800  }
0x116: {  	[tilespmem:s18], [sflag:$0x1] =	stream.indirect.gather [hbm4b:s6+s22], $0x10, s7, s22, $0xb8;
	[tilespmem:$0x10000] =	vst v63  }
0x117: {  	s11 =	sadd.s32 $0x1, s11;
	_ =	swait.ge [sflag:s21], $0x800  }
0x118: {  	p0 =	sne.s32 s11, s16;
	[sflag:s21] =	ssyncset.done $0x0  }
.Ltmp6:
0x119: {  	[sflag:s21] =	ssyncadd.s32 $0xFFFFF800;
	(pc) =	sbr.rel @p0 .LBB2_7-.Ltmp6, $4  }
0x11a: {  	[spmem:s3] =	stream.indirect.scatter.add.f32 [tilespmem:s18], [sflag:$0x1], $0x10, s14, s22, $0xb8;
	[tilespmem:$0x10000] =	vst v63  }
0x11b: {  	_ =	swait.ge [sflag:s21], $0x800  }
0x11c: {  	[sflag:s21] =	ssyncset.done $0x0  }
0x11d: {  	[sflag:s21] =	ssyncadd.s32 $0xFFFFF800  }
0x11e: {  	[bflag:$0x0] =	sbarrier.arrive $0xFFFF  }
0x11f: {  	s13 =	rddreg [dreg:$0x7]  }
0x120: {  	s7 =	rddreg [dreg:$0xc]  }
0x121: {  	s11 =	rddreg [dreg:$0xf]  }
0x122: {  	[hbm:s7], [sflag:s13] =	dma.local [spmem:s11], $0x1400  }
0x123: {  	_ =	swait.ge [sflag:s21], $0x1400  }
0x124: {  	[sflag:s21] =	ssyncset.done $0x0;
	s15 =	rddreg [dreg:$0xd]  }
0x125: {  	s14 =	rddreg [dreg:$0x11];
	[sflag:s21] =	ssyncadd.s32 $0xFFFFEC00  }
0x126: {  	[hbm:s15], [sflag:s13] =	dma.local [spmem:s14], $0x500  }
0x127: {  	_ =	swait.ge [sflag:s21], $0x500  }
0x128: {  	s19 =	rddreg [dreg:$0x10]  }
0x129: {  	s20 =	rddreg [dreg:$0xe];
	s14 =	sadd.s32 $0x1, s19  }
0x12a: {  	p0 =	sne.s32 s14, s20  }
.Ltmp7:
0x12b: {  	_ = 	snop;
	(pc) =	sbr.rel @p0 .LBB2_1-.Ltmp7, $4  }
.Ltmp8:
0x12c: {  	_ = 	snop;
	(pc) =	sbr.rel @!p0 .LBB2_12-.Ltmp8, $4  }
0x12d: {  	_ = 	snop  }
0x12e: {  	[sflag:s21] =	ssyncset.done $0x0  }
0x12f: {  	[sflag:s21] =	ssyncadd.s32 $0xFFFFFB00;
	s20 =	rddreg [dreg:$0xa]  }
0x130: {  	_ = 	snop  }
.LBB2_2:
.Ltmp9:
0x131: {  	(pc) =	sbr.rel .LBB2_6-.Ltmp9, $2  }
0x132: {  	_ =	sdelay $0x2  }
0x133: {  	s20 =	simm.s32 $0x0;
	s15 =	simm.s32 $0x0  }
.LBB2_4:
.Ltmp10:
0x134: {  	(pc) =	sbr.rel .LBB2_6-.Ltmp10, $2  }
0x135: {  	_ =	sdelay $0x2  }
0x136: {  	s20 =	simm.s32 $0x0  }
.LBB2_12:
0x137: {  	_ =	sfence.sel $0x180000  }
0x138: {  	[bflag:$0x0] =	sbarrier.arrive $0xFFFF  }
0x139: {  	_ =	strace $0x9000004A  }
0x13a: {  	s0 =	stileid.u32;
	[bflag:$0x2] =	sbarrier.arrive $0xFFFF  }
0x13b: {  	p0 =	sne.s32 s0, $0x0;
	s0 =	rddreg [dreg:$0x3]  }
0x13c: {  	s0 =	sadd.s32 @!p0 $0x100000, s0  }
0x13d: {  	[sflag:s0] =	ssyncadd.tile.s32 @!p0 $0x1;
	_ =	shalt  }
.Lfunc_end2:
_tile_overlayer_lowered:
.L_overlay_start_2:
0x13e: {  	(tag) =	ssettag $0x2  }
0x13f: {  	s0 =	rddreg [dreg:$0x0];
	s2 =	stileid.u32  }
0x140: {  	s1 =	rddreg [dreg:$0x1];
	p0 =	sne.s32 s2, $0x0  }
0x141: {  	s3 =	rddreg [dreg:$0x2];
	[bflag:$0x3] =	sbarrier.arrive $0xFFFF;
	s2 =	simm.s32 @!p0 $0x1C01  }
0x142: {  	[timem:s3], [sflag:s2] =	dma.local @!p0 [hbm:s0], s1  }
0x143: {  	s0 =	simm.s32 @!p0 $0x1  }
0x144: {  	_ =	swait.ge @!p0 [sflag:s0], s1  }
0x145: {  	s1 =	ssub.s32 @!p0 $0x0, s1;
	[sflag:s0] =	ssyncset.done @!p0 $0x0  }
0x146: {  	[sflag:s0] =	ssyncadd.s32 @!p0 s1  }
0x147: {  	[bflag:$0x3] =	sbarrier.arrive $0xFFFF  }
0x148: {  	_ =	shalt  }

</sc_bundles>
